<compile_context>
chip_gen: v7x
topology: tpu7x:2x2x1
jax: 0.10.2.dev20260603
libtpu: 0.0.44.dev20260713+nightly
codegen_flags: <defaults>
</compile_context>

<pallas_src>
import functools

import jax
import jax.numpy as jnp
from jax import lax
from jax.experimental import pallas as pl
from jax.experimental.pallas import tpu as pltpu
from jax.experimental.pallas import tpu_sc as plsc

_B = 128
_V = 100000
_OUT = 2 * _V - 1
_BIG = 2**30

_V_TC = 76000
_V_SC = _V - _V_TC

_NC = 2
_NS = 16
_NW = _NC * _NS
_SLAB = _V_SC // _NW
_CH = 125
_NCH = _SLAB // _CH

_G = 16
_RB_IN = 4000
_NB_IN = _V_TC // _RB_IN
_NG = _RB_IN // _G
_RB_OUT = 16000
_NB_OUT = (_OUT + _RB_OUT - 1) // _RB_OUT


def _sc_argmax_body(x0_hbm, x1_hbm, pm0_hbm, pi0_hbm, pm1_hbm, pi1_hbm,
                    buf0, buf1, facc, iacc, sem0, sem1):
    c = lax.axis_index("c")
    s = lax.axis_index("s")
    w = s * _NC + c
    v0 = _V_TC + w * _SLAB
    bufs = (buf0, buf1)
    sems = (sem0, sem1)

    for x_hbm, pm_hbm, pi_hbm in ((x0_hbm, pm0_hbm, pi0_hbm),
                                  (x1_hbm, pm1_hbm, pi1_hbm)):
        pltpu.make_async_copy(
            x_hbm.at[pl.ds(v0 * _B, _CH * _B)], bufs[0], sems[0]
        ).start()

        carry = tuple(jnp.full((16,), -1.0, jnp.float32) for _ in range(8)) + \
                tuple(jnp.zeros((16,), jnp.int32) for _ in range(8))

        for ci in range(_NCH):
            buf = bufs[ci % 2]
            if ci + 1 < _NCH:
                pltpu.make_async_copy(
                    x_hbm.at[pl.ds((v0 + (ci + 1) * _CH) * _B, _CH * _B)],
                    bufs[(ci + 1) % 2], sems[(ci + 1) % 2],
                ).start()
            pltpu.make_async_copy(
                x_hbm.at[pl.ds((v0 + ci * _CH) * _B, _CH * _B)],
                buf, sems[ci % 2],
            ).wait()
            chunk_v = v0 + ci * _CH

            def row_body(r, cy, buf=buf, chunk_v=chunk_v):
                bs = list(cy[:8])
                bi = list(cy[8:])
                base = r * _B
                jv = jnp.full((16,), chunk_v + r, jnp.int32)
                for k in range(8):
                    v = buf[pl.ds(base + k * 16, 16)]
                    u = v > bs[k]
                    bs[k] = jnp.where(u, v, bs[k])
                    bi[k] = jnp.where(u, jv, bi[k])
                return (*bs, *bi)

            carry = lax.fori_loop(0, _CH, row_body, carry)

        for k in range(8):
            facc[pl.ds(k * 16, 16)] = carry[k]
            iacc[pl.ds(k * 16, 16)] = carry[8 + k]
        pltpu.sync_copy(facc, pm_hbm.at[pl.ds(w * _B, _B)])
        pltpu.sync_copy(iacc, pi_hbm.at[pl.ds(w * _B, _B)])


def _sc_argmax(x0f, x1f):
    kern = functools.partial(
        pl.kernel,
        mesh=plsc.VectorSubcoreMesh(core_axis_name="c", subcore_axis_name="s"),
        out_type=[
            jax.ShapeDtypeStruct((_NW * _B,), jnp.float32),
            jax.ShapeDtypeStruct((_NW * _B,), jnp.int32),
            jax.ShapeDtypeStruct((_NW * _B,), jnp.float32),
            jax.ShapeDtypeStruct((_NW * _B,), jnp.int32),
        ],
        scratch_types=[
            pltpu.VMEM((_CH * _B,), jnp.float32),
            pltpu.VMEM((_CH * _B,), jnp.float32),
            pltpu.VMEM((_B,), jnp.float32),
            pltpu.VMEM((_B,), jnp.int32),
            pltpu.SemaphoreType.DMA,
            pltpu.SemaphoreType.DMA,
        ],
    )(_sc_argmax_body)
    return kern(x0f, x1f)


def _tc_argmax_body(x0_ref, x1_ref, tcm_ref, tci_ref, m0, i0, m1, i1):
    i = pl.program_id(0)

    @pl.when(i == 0)
    def _init():
        m0[...] = jnp.full_like(m0, -1.0)
        i0[...] = jnp.zeros_like(i0)
        m1[...] = jnp.full_like(m1, -1.0)
        i1[...] = jnp.zeros_like(i1)

    base_g = i * _NG

    def body(j, carry):
        ma, ia, mb, ib = carry
        va = x0_ref[pl.ds(j * _G, _G), :]
        vb = x1_ref[pl.ds(j * _G, _G), :]
        jv = jnp.full((_G, _B), base_g + j, jnp.int32)
        ua = va > ma
        ub = vb > mb
        ma = jnp.where(ua, va, ma)
        ia = jnp.where(ua, jv, ia)
        mb = jnp.where(ub, vb, mb)
        ib = jnp.where(ub, jv, ib)
        return ma, ia, mb, ib

    ma, ia, mb, ib = lax.fori_loop(
        0, _NG, body, (m0[...], i0[...], m1[...], i1[...]), unroll=4,
    )
    m0[...] = ma
    i0[...] = ia
    m1[...] = mb
    i1[...] = ib

    @pl.when(i == _NB_IN - 1)
    def _collapse():
        r = jax.lax.broadcasted_iota(jnp.int32, (_G, _B), 0)
        for k, (macc, vidx) in enumerate(((ma, ia), (mb, ib))):
            mx = jnp.max(macc, axis=0, keepdims=True)
            rows = vidx * _G + r
            cand = jnp.where(macc == mx, rows, jnp.int32(_BIG))
            tcm_ref[pl.ds(k, 1), :] = mx
            tci_ref[pl.ds(k, 1), :] = jnp.min(cand, axis=0, keepdims=True)


def _onehot_body(tcm, tci, pm0, pi0, pm1, pi1, out_ref, res_scr):
    j = pl.program_id(0)

    @pl.when(j == 0)
    def _merge():
        res = jnp.zeros((1, _B), jnp.int32)
        for k, (pm, pi) in enumerate(((pm0, pi0), (pm1, pi1))):
            tm = tcm[pl.ds(k, 1), :]
            ti = tci[pl.ds(k, 1), :]
            mx = jnp.maximum(jnp.max(pm[...], axis=0, keepdims=True), tm)
            cand_sc = jnp.min(
                jnp.where(pm[...] == mx, pi[...], jnp.int32(_BIG)),
                axis=0, keepdims=True,
            )
            cand_tc = jnp.where(tm == mx, ti, jnp.int32(_BIG))
            res = res + jnp.minimum(cand_sc, cand_tc)
        res_scr[...] = res

    row = jax.lax.broadcasted_iota(jnp.int32, (_RB_OUT, _B), 0) + j * _RB_OUT
    out_ref[...] = (row == res_scr[...]).astype(jnp.float32)


def kernel(x0, x1):
    x0t = x0.T
    x1t = x1.T
    pm0, pi0, pm1, pi1 = _sc_argmax(x0t.reshape(-1), x1t.reshape(-1))

    tcm, tci = pl.pallas_call(
        _tc_argmax_body,
        grid=(_NB_IN,),
        in_specs=[
            pl.BlockSpec((_RB_IN, _B), lambda i: (i, 0)),
            pl.BlockSpec((_RB_IN, _B), lambda i: (i, 0)),
        ],
        out_specs=[
            pl.BlockSpec((2, _B), lambda i: (0, 0)),
            pl.BlockSpec((2, _B), lambda i: (0, 0)),
        ],
        out_shape=[
            jax.ShapeDtypeStruct((2, _B), jnp.float32),
            jax.ShapeDtypeStruct((2, _B), jnp.int32),
        ],
        scratch_shapes=[
            pltpu.VMEM((_G, _B), jnp.float32),
            pltpu.VMEM((_G, _B), jnp.int32),
            pltpu.VMEM((_G, _B), jnp.float32),
            pltpu.VMEM((_G, _B), jnp.int32),
        ],
    )(x0t, x1t)

    out_t = pl.pallas_call(
        _onehot_body,
        grid=(_NB_OUT,),
        in_specs=[
            pl.BlockSpec((2, _B), lambda j: (0, 0)),
            pl.BlockSpec((2, _B), lambda j: (0, 0)),
            pl.BlockSpec((_NW, _B), lambda j: (0, 0)),
            pl.BlockSpec((_NW, _B), lambda j: (0, 0)),
            pl.BlockSpec((_NW, _B), lambda j: (0, 0)),
            pl.BlockSpec((_NW, _B), lambda j: (0, 0)),
        ],
        out_specs=pl.BlockSpec((_RB_OUT, _B), lambda j: (j, 0)),
        out_shape=jax.ShapeDtypeStruct((_OUT, _B), jnp.float32),
        scratch_shapes=[pltpu.VMEM((1, _B), jnp.int32)],
    )(tcm, tci, pm0.reshape(_NW, _B), pi0.reshape(_NW, _B),
      pm1.reshape(_NW, _B), pi1.reshape(_NW, _B))
    return out_t.T

# --- scband reference (transcript-rebuilt; emitter-appended) ---
"""Pipeline reference for scband-black-box-74242804678914 (READ-ONLY COPY).

The authoritative reference and input builder live on the scoring server;
editing this copy changes nothing except your own understanding.
"""

import jax, jax.numpy as jnp
import numpy as np

B = 128
V = 100000
OUT = 2 * V - 1  # sum of two argmax indices in [0, 2V-2]


def setup_inputs(seed: int = 0) -> dict:
    key = jax.random.key(seed)
    k0, k1 = jax.random.split(key)
    x0 = jax.random.uniform(k0, (B, V), dtype=jnp.float32)
    x1 = jax.random.uniform(k1, (B, V), dtype=jnp.float32)
    return {"x0": x0, "x1": x1}


def reference(x0, x1):
    # BlackBox.forward -> BlackBoxFunction.apply -> dec_fn:
    #   1) argmax over each input distribution (sampling the most likely element)
    #   2) input_mappings.get_elements = identity (index -> integer element)
    #   3) self.function applied per batch element: here integer addition a0 + a1
    #   4) output_mapping.vectorize = one-hot encode results over 2V-1 classes
    a0 = jnp.argmax(x0, axis=1)
    a1 = jnp.argmax(x1, axis=1)
    res = a0 + a1
    out = jax.nn.one_hot(res, OUT, dtype=jnp.float32)
    return out

if __name__ == "__main__":
    import jax
    _d = setup_inputs()
    print(jax.jit(kernel)(*tuple(_d.values())))

</pallas_src>

<mosaic_0001>
#map = affine_map<(d0, d1) -> (0)>
module attributes {stable_mosaic.version = 14 : i64} {
  func.func @_sc_argmax_body(%arg0: i32, %arg1: i32, %arg2: memref<12800000xf32, #tpu.memory_space<hbm>>, %arg3: memref<12800000xf32, #tpu.memory_space<hbm>>, %arg4: memref<4096xf32, #tpu.memory_space<hbm>>, %arg5: memref<4096xi32, #tpu.memory_space<hbm>>, %arg6: memref<4096xf32, #tpu.memory_space<hbm>>, %arg7: memref<4096xi32, #tpu.memory_space<hbm>>, %arg8: memref<16000xf32, #tpu.memory_space<vmem>>, %arg9: memref<16000xf32, #tpu.memory_space<vmem>>, %arg10: memref<128xf32, #tpu.memory_space<vmem>>, %arg11: memref<128xi32, #tpu.memory_space<vmem>>, %arg12: memref<!tpu.dma_semaphore, #tpu.memory_space<semaphore_mem>>, %arg13: memref<!tpu.dma_semaphore, #tpu.memory_space<semaphore_mem>>) attributes {dimension_semantics = [#tpu.dimension_semantics<core_parallel>, #tpu.dimension_semantics<subcore_parallel>], iteration_bounds = array<i64: 2, 16>, scalar_prefetch = 0 : i64, scratch_operands = 6 : i64, tpu.core_type = #tpu.core_type<sc_vector_subcore>, window_params = [{transform_indices = #map}, {transform_indices = #map}, {transform_indices = #map}, {transform_indices = #map}, {transform_indices = #map}, {transform_indices = #map}]} {
    %mul3A = arith.constant 2 : i32
    %mul3A_0 = arith.muli %arg1, %mul3A : i32
    %add3A = arith.addi %mul3A_0, %arg0 : i32
    %mul3A_1 = arith.constant 750 : i32
    %mul3A_2 = arith.muli %add3A, %mul3A_1 : i32
    %add3A_3 = arith.constant 76000 : i32
    %add3A_4 = arith.addi %add3A_3, %mul3A_2 : i32
    %mul3A_5 = arith.constant 128 : i32
    %mul3A_6 = arith.muli %add3A_4, %mul3A_5 : i32
    %dma_start3A = tpu.memref_slice %arg2[%mul3A_6] : memref<12800000xf32, #tpu.memory_space<hbm>> -> memref<16000xf32, #tpu.memory_space<hbm>>
    %dma_start3A_7 = tpu.memref_slice %arg2[%mul3A_6] : memref<12800000xf32, #tpu.memory_space<hbm>> -> memref<16000xf32, #tpu.memory_space<hbm>>
    tpu.enqueue_dma source(%dma_start3A_7 : memref<16000xf32, #tpu.memory_space<hbm>>) target(%arg8 : memref<16000xf32, #tpu.memory_space<vmem>>) target_semaphore(%arg12 : memref<!tpu.dma_semaphore, #tpu.memory_space<semaphore_mem>>)
    %broadcast_in_dim3A = arith.constant -1.000000e+00 : f32
    %broadcast_in_dim3A_8 = vector.broadcast %broadcast_in_dim3A : f32 to vector<16xf32>
    %broadcast_in_dim3A_9 = arith.constant -1.000000e+00 : f32
    %broadcast_in_dim3A_10 = vector.broadcast %broadcast_in_dim3A_9 : f32 to vector<16xf32>
    %broadcast_in_dim3A_11 = arith.constant -1.000000e+00 : f32
    %broadcast_in_dim3A_12 = vector.broadcast %broadcast_in_dim3A_11 : f32 to vector<16xf32>
    %broadcast_in_dim3A_13 = arith.constant -1.000000e+00 : f32
    %broadcast_in_dim3A_14 = vector.broadcast %broadcast_in_dim3A_13 : f32 to vector<16xf32>
    %broadcast_in_dim3A_15 = arith.constant -1.000000e+00 : f32
    %broadcast_in_dim3A_16 = vector.broadcast %broadcast_in_dim3A_15 : f32 to vector<16xf32>
    %broadcast_in_dim3A_17 = arith.constant -1.000000e+00 : f32
    %broadcast_in_dim3A_18 = vector.broadcast %broadcast_in_dim3A_17 : f32 to vector<16xf32>
    %broadcast_in_dim3A_19 = arith.constant -1.000000e+00 : f32
    %broadcast_in_dim3A_20 = vector.broadcast %broadcast_in_dim3A_19 : f32 to vector<16xf32>
    %broadcast_in_dim3A_21 = arith.constant -1.000000e+00 : f32
    %broadcast_in_dim3A_22 = vector.broadcast %broadcast_in_dim3A_21 : f32 to vector<16xf32>
    %broadcast_in_dim3A_23 = arith.constant 0 : i32
    %broadcast_in_dim3A_24 = vector.broadcast %broadcast_in_dim3A_23 : i32 to vector<16xi32>
    %broadcast_in_dim3A_25 = arith.constant 0 : i32
    %broadcast_in_dim3A_26 = vector.broadcast %broadcast_in_dim3A_25 : i32 to vector<16xi32>
    %broadcast_in_dim3A_27 = arith.constant 0 : i32
    %broadcast_in_dim3A_28 = vector.broadcast %broadcast_in_dim3A_27 : i32 to vector<16xi32>
    %broadcast_in_dim3A_29 = arith.constant 0 : i32
    %broadcast_in_dim3A_30 = vector.broadcast %broadcast_in_dim3A_29 : i32 to vector<16xi32>
    %broadcast_in_dim3A_31 = arith.constant 0 : i32
    %broadcast_in_dim3A_32 = vector.broadcast %broadcast_in_dim3A_31 : i32 to vector<16xi32>
    %broadcast_in_dim3A_33 = arith.constant 0 : i32
    %broadcast_in_dim3A_34 = vector.broadcast %broadcast_in_dim3A_33 : i32 to vector<16xi32>
    %broadcast_in_dim3A_35 = arith.constant 0 : i32
    %broadcast_in_dim3A_36 = vector.broadcast %broadcast_in_dim3A_35 : i32 to vector<16xi32>
    %broadcast_in_dim3A_37 = arith.constant 0 : i32
    %broadcast_in_dim3A_38 = vector.broadcast %broadcast_in_dim3A_37 : i32 to vector<16xi32>
    %add3A_39 = arith.constant 125 : i32
    %add3A_40 = arith.addi %add3A_4, %add3A_39 : i32
    %mul3A_41 = arith.constant 128 : i32
    %mul3A_42 = arith.muli %add3A_40, %mul3A_41 : i32
    %dma_start3A_43 = tpu.memref_slice %arg2[%mul3A_42] : memref<12800000xf32, #tpu.memory_space<hbm>> -> memref<16000xf32, #tpu.memory_space<hbm>>
    %dma_start3A_44 = tpu.memref_slice %arg2[%mul3A_42] : memref<12800000xf32, #tpu.memory_space<hbm>> -> memref<16000xf32, #tpu.memory_space<hbm>>
    tpu.enqueue_dma source(%dma_start3A_44 : memref<16000xf32, #tpu.memory_space<hbm>>) target(%arg9 : memref<16000xf32, #tpu.memory_space<vmem>>) target_semaphore(%arg13 : memref<!tpu.dma_semaphore, #tpu.memory_space<semaphore_mem>>)
    %add3A_45 = arith.constant 0 : i32
    %add3A_46 = arith.addi %add3A_4, %add3A_45 : i32
    %mul3A_47 = arith.constant 128 : i32
    %mul3A_48 = arith.muli %add3A_46, %mul3A_47 : i32
    %dma_wait3A = tpu.memref_slice %arg2[%mul3A_48] : memref<12800000xf32, #tpu.memory_space<hbm>> -> memref<16000xf32, #tpu.memory_space<hbm>>
    %dma_wait3A_49 = tpu.memref_slice %arg2[%mul3A_48] : memref<12800000xf32, #tpu.memory_space<hbm>> -> memref<16000xf32, #tpu.memory_space<hbm>>
    tpu.wait_dma2 semaphore(%arg12 : memref<!tpu.dma_semaphore, #tpu.memory_space<semaphore_mem>>) src(%dma_wait3A_49 : memref<16000xf32, #tpu.memory_space<hbm>>) dst(%arg8 : memref<16000xf32, #tpu.memory_space<vmem>>)
    %add3A_50 = arith.constant 0 : i32
    %add3A_51 = arith.addi %add3A_4, %add3A_50 : i32
    %scan3A = arith.constant 0 : i32
    %scan3A_52 = arith.constant 125 : i32
    %scan3A_53 = arith.addi %scan3A, %scan3A_52 : i32
    %scan3A_54 = arith.constant 1 : i32
    %scan3A_55:16 = scf.for %scan3A_436 = %scan3A to %scan3A_53 step %scan3A_54 iter_args(%scan3A_437 = %broadcast_in_dim3A_8, %scan3A_438 = %broadcast_in_dim3A_10, %scan3A_439 = %broadcast_in_dim3A_12, %scan3A_440 = %broadcast_in_dim3A_14, %scan3A_441 = %broadcast_in_dim3A_16, %scan3A_442 = %broadcast_in_dim3A_18, %scan3A_443 = %broadcast_in_dim3A_20, %scan3A_444 = %broadcast_in_dim3A_22, %scan3A_445 = %broadcast_in_dim3A_24, %scan3A_446 = %broadcast_in_dim3A_26, %scan3A_447 = %broadcast_in_dim3A_28, %scan3A_448 = %broadcast_in_dim3A_30, %scan3A_449 = %broadcast_in_dim3A_32, %scan3A_450 = %broadcast_in_dim3A_34, %scan3A_451 = %broadcast_in_dim3A_36, %scan3A_452 = %broadcast_in_dim3A_38) -> (vector<16xf32>, vector<16xf32>, vector<16xf32>, vector<16xf32>, vector<16xf32>, vector<16xf32>, vector<16xf32>, vector<16xf32>, vector<16xi32>, vector<16xi32>, vector<16xi32>, vector<16xi32>, vector<16xi32>, vector<16xi32>, vector<16xi32>, vector<16xi32>)  : i32 {
      %mul3A_453 = arith.constant 128 : i32
      %mul3A_454 = arith.muli %scan3A_436, %mul3A_453 : i32
      %add3A_455 = arith.addi %add3A_51, %scan3A_436 : i32
      %broadcast_in_dim3A_456 = vector.broadcast %add3A_455 : i32 to vector<16xi32>
      %add3A_457 = arith.constant 0 : i32
      %add3A_458 = arith.addi %mul3A_454, %add3A_457 : i32
      %get3A = arith.index_cast %add3A_458 : i32 to index
      %get3A_459 = tpu.vector_load %arg8[%get3A] {strides = array<i32>} : memref<16000xf32, #tpu.memory_space<vmem>>, vector<16xf32>,
      %get3A_460 = vector.shape_cast %get3A_459 : vector<16xf32> to vector<16xf32>
      %gt3A = arith.cmpf ogt, %get3A_460, %scan3A_437 : vector<16xf32>
      %select_n3A = arith.select %gt3A, %get3A_460, %scan3A_437 : vector<16xi1>, vector<16xf32>
      %select_n3A_461 = arith.select %gt3A, %broadcast_in_dim3A_456, %scan3A_445 : vector<16xi1>, vector<16xi32>
      %add3A_462 = arith.constant 16 : i32
      %add3A_463 = arith.addi %mul3A_454, %add3A_462 : i32
      %get3A_464 = arith.index_cast %add3A_463 : i32 to index
      %get3A_465 = tpu.vector_load %arg8[%get3A_464] {strides = array<i32>} : memref<16000xf32, #tpu.memory_space<vmem>>, vector<16xf32>,
      %get3A_466 = vector.shape_cast %get3A_465 : vector<16xf32> to vector<16xf32>
      %gt3A_467 = arith.cmpf ogt, %get3A_466, %scan3A_438 : vector<16xf32>
      %select_n3A_468 = arith.select %gt3A_467, %get3A_466, %scan3A_438 : vector<16xi1>, vector<16xf32>
      %select_n3A_469 = arith.select %gt3A_467, %broadcast_in_dim3A_456, %scan3A_446 : vector<16xi1>, vector<16xi32>
      %add3A_470 = arith.constant 32 : i32
      %add3A_471 = arith.addi %mul3A_454, %add3A_470 : i32
      %get3A_472 = arith.index_cast %add3A_471 : i32 to index
      %get3A_473 = tpu.vector_load %arg8[%get3A_472] {strides = array<i32>} : memref<16000xf32, #tpu.memory_space<vmem>>, vector<16xf32>,
      %get3A_474 = vector.shape_cast %get3A_473 : vector<16xf32> to vector<16xf32>
      %gt3A_475 = arith.cmpf ogt, %get3A_474, %scan3A_439 : vector<16xf32>
      %select_n3A_476 = arith.select %gt3A_475, %get3A_474, %scan3A_439 : vector<16xi1>, vector<16xf32>
      %select_n3A_477 = arith.select %gt3A_475, %broadcast_in_dim3A_456, %scan3A_447 : vector<16xi1>, vector<16xi32>
      %add3A_478 = arith.constant 48 : i32
      %add3A_479 = arith.addi %mul3A_454, %add3A_478 : i32
      %get3A_480 = arith.index_cast %add3A_479 : i32 to index
      %get3A_481 = tpu.vector_load %arg8[%get3A_480] {strides = array<i32>} : memref<16000xf32, #tpu.memory_space<vmem>>, vector<16xf32>,
      %get3A_482 = vector.shape_cast %get3A_481 : vector<16xf32> to vector<16xf32>
      %gt3A_483 = arith.cmpf ogt, %get3A_482, %scan3A_440 : vector<16xf32>
      %select_n3A_484 = arith.select %gt3A_483, %get3A_482, %scan3A_440 : vector<16xi1>, vector<16xf32>
      %select_n3A_485 = arith.select %gt3A_483, %broadcast_in_dim3A_456, %scan3A_448 : vector<16xi1>, vector<16xi32>
      %add3A_486 = arith.constant 64 : i32
      %add3A_487 = arith.addi %mul3A_454, %add3A_486 : i32
      %get3A_488 = arith.index_cast %add3A_487 : i32 to index
      %get3A_489 = tpu.vector_load %arg8[%get3A_488] {strides = array<i32>} : memref<16000xf32, #tpu.memory_space<vmem>>, vector<16xf32>,
      %get3A_490 = vector.shape_cast %get3A_489 : vector<16xf32> to vector<16xf32>
      %gt3A_491 = arith.cmpf ogt, %get3A_490, %scan3A_441 : vector<16xf32>
      %select_n3A_492 = arith.select %gt3A_491, %get3A_490, %scan3A_441 : vector<16xi1>, vector<16xf32>
      %select_n3A_493 = arith.select %gt3A_491, %broadcast_in_dim3A_456, %scan3A_449 : vector<16xi1>, vector<16xi32>
      %add3A_494 = arith.constant 80 : i32
      %add3A_495 = arith.addi %mul3A_454, %add3A_494 : i32
      %get3A_496 = arith.index_cast %add3A_495 : i32 to index
      %get3A_497 = tpu.vector_load %arg8[%get3A_496] {strides = array<i32>} : memref<16000xf32, #tpu.memory_space<vmem>>, vector<16xf32>,
      %get3A_498 = vector.shape_cast %get3A_497 : vector<16xf32> to vector<16xf32>
      %gt3A_499 = arith.cmpf ogt, %get3A_498, %scan3A_442 : vector<16xf32>
      %select_n3A_500 = arith.select %gt3A_499, %get3A_498, %scan3A_442 : vector<16xi1>, vector<16xf32>
      %select_n3A_501 = arith.select %gt3A_499, %broadcast_in_dim3A_456, %scan3A_450 : vector<16xi1>, vector<16xi32>
      %add3A_502 = arith.constant 96 : i32
      %add3A_503 = arith.addi %mul3A_454, %add3A_502 : i32
      %get3A_504 = arith.index_cast %add3A_503 : i32 to index
      %get3A_505 = tpu.vector_load %arg8[%get3A_504] {strides = array<i32>} : memref<16000xf32, #tpu.memory_space<vmem>>, vector<16xf32>,
      %get3A_506 = vector.shape_cast %get3A_505 : vector<16xf32> to vector<16xf32>
      %gt3A_507 = arith.cmpf ogt, %get3A_506, %scan3A_443 : vector<16xf32>
      %select_n3A_508 = arith.select %gt3A_507, %get3A_506, %scan3A_443 : vector<16xi1>, vector<16xf32>
      %select_n3A_509 = arith.select %gt3A_507, %broadcast_in_dim3A_456, %scan3A_451 : vector<16xi1>, vector<16xi32>
      %add3A_510 = arith.constant 112 : i32
      %add3A_511 = arith.addi %mul3A_454, %add3A_510 : i32
      %get3A_512 = arith.index_cast %add3A_511 : i32 to index
      %get3A_513 = tpu.vector_load %arg8[%get3A_512] {strides = array<i32>} : memref<16000xf32, #tpu.memory_space<vmem>>, vector<16xf32>,
      %get3A_514 = vector.shape_cast %get3A_513 : vector<16xf32> to vector<16xf32>
      %gt3A_515 = arith.cmpf ogt, %get3A_514, %scan3A_444 : vector<16xf32>
      %select_n3A_516 = arith.select %gt3A_515, %get3A_514, %scan3A_444 : vector<16xi1>, vector<16xf32>
      %select_n3A_517 = arith.select %gt3A_515, %broadcast_in_dim3A_456, %scan3A_452 : vector<16xi1>, vector<16xi32>
      scf.yield %select_n3A, %select_n3A_468, %select_n3A_476, %select_n3A_484, %select_n3A_492, %select_n3A_500, %select_n3A_508, %select_n3A_516, %select_n3A_461, %select_n3A_469, %select_n3A_477, %select_n3A_485, %select_n3A_493, %select_n3A_501, %select_n3A_509, %select_n3A_517 : vector<16xf32>, vector<16xf32>, vector<16xf32>, vector<16xf32>, vector<16xf32>, vector<16xf32>, vector<16xf32>, vector<16xf32>, vector<16xi32>, vector<16xi32>, vector<16xi32>, vector<16xi32>, vector<16xi32>, vector<16xi32>, vector<16xi32>, vector<16xi32>
    }
    %scan3A_56 = arith.constant 125 : i32
    %add3A_57 = arith.constant 250 : i32
    %add3A_58 = arith.addi %add3A_4, %add3A_57 : i32
    %mul3A_59 = arith.constant 128 : i32
    %mul3A_60 = arith.muli %add3A_58, %mul3A_59 : i32
    %dma_start3A_61 = tpu.memref_slice %arg2[%mul3A_60] : memref<12800000xf32, #tpu.memory_space<hbm>> -> memref<16000xf32, #tpu.memory_space<hbm>>
    %dma_start3A_62 = tpu.memref_slice %arg2[%mul3A_60] : memref<12800000xf32, #tpu.memory_space<hbm>> -> memref<16000xf32, #tpu.memory_space<hbm>>
    tpu.enqueue_dma source(%dma_start3A_62 : memref<16000xf32, #tpu.memory_space<hbm>>) target(%arg8 : memref<16000xf32, #tpu.memory_space<vmem>>) target_semaphore(%arg12 : memref<!tpu.dma_semaphore, #tpu.memory_space<semaphore_mem>>)
    %add3A_63 = arith.constant 125 : i32
    %add3A_64 = arith.addi %add3A_4, %add3A_63 : i32
    %mul3A_65 = arith.constant 128 : i32
    %mul3A_66 = arith.muli %add3A_64, %mul3A_65 : i32
    %dma_wait3A_67 = tpu.memref_slice %arg2[%mul3A_66] : memref<12800000xf32, #tpu.memory_space<hbm>> -> memref<16000xf32, #tpu.memory_space<hbm>>
    %dma_wait3A_68 = tpu.memref_slice %arg2[%mul3A_66] : memref<12800000xf32, #tpu.memory_space<hbm>> -> memref<16000xf32, #tpu.memory_space<hbm>>
    tpu.wait_dma2 semaphore(%arg13 : memref<!tpu.dma_semaphore, #tpu.memory_space<semaphore_mem>>) src(%dma_wait3A_68 : memref<16000xf32, #tpu.memory_space<hbm>>) dst(%arg9 : memref<16000xf32, #tpu.memory_space<vmem>>)
    %add3A_69 = arith.constant 125 : i32
    %add3A_70 = arith.addi %add3A_4, %add3A_69 : i32
    %scan3A_71 = arith.constant 0 : i32
    %scan3A_72 = arith.constant 125 : i32
    %scan3A_73 = arith.addi %scan3A_71, %scan3A_72 : i32
    %scan3A_74 = arith.constant 1 : i32
    %scan3A_75:16 = scf.for %scan3A_436 = %scan3A_71 to %scan3A_73 step %scan3A_74 iter_args(%scan3A_437 = %scan3A_55#0, %scan3A_438 = %scan3A_55#1, %scan3A_439 = %scan3A_55#2, %scan3A_440 = %scan3A_55#3, %scan3A_441 = %scan3A_55#4, %scan3A_442 = %scan3A_55#5, %scan3A_443 = %scan3A_55#6, %scan3A_444 = %scan3A_55#7, %scan3A_445 = %scan3A_55#8, %scan3A_446 = %scan3A_55#9, %scan3A_447 = %scan3A_55#10, %scan3A_448 = %scan3A_55#11, %scan3A_449 = %scan3A_55#12, %scan3A_450 = %scan3A_55#13, %scan3A_451 = %scan3A_55#14, %scan3A_452 = %scan3A_55#15) -> (vector<16xf32>, vector<16xf32>, vector<16xf32>, vector<16xf32>, vector<16xf32>, vector<16xf32>, vector<16xf32>, vector<16xf32>, vector<16xi32>, vector<16xi32>, vector<16xi32>, vector<16xi32>, vector<16xi32>, vector<16xi32>, vector<16xi32>, vector<16xi32>)  : i32 {
      %mul3A_453 = arith.constant 128 : i32
      %mul3A_454 = arith.muli %scan3A_436, %mul3A_453 : i32
      %add3A_455 = arith.addi %add3A_70, %scan3A_436 : i32
      %broadcast_in_dim3A_456 = vector.broadcast %add3A_455 : i32 to vector<16xi32>
      %add3A_457 = arith.constant 0 : i32
      %add3A_458 = arith.addi %mul3A_454, %add3A_457 : i32
      %get3A = arith.index_cast %add3A_458 : i32 to index
      %get3A_459 = tpu.vector_load %arg9[%get3A] {strides = array<i32>} : memref<16000xf32, #tpu.memory_space<vmem>>, vector<16xf32>,
      %get3A_460 = vector.shape_cast %get3A_459 : vector<16xf32> to vector<16xf32>
      %gt3A = arith.cmpf ogt, %get3A_460, %scan3A_437 : vector<16xf32>
      %select_n3A = arith.select %gt3A, %get3A_460, %scan3A_437 : vector<16xi1>, vector<16xf32>
      %select_n3A_461 = arith.select %gt3A, %broadcast_in_dim3A_456, %scan3A_445 : vector<16xi1>, vector<16xi32>
      %add3A_462 = arith.constant 16 : i32
      %add3A_463 = arith.addi %mul3A_454, %add3A_462 : i32
      %get3A_464 = arith.index_cast %add3A_463 : i32 to index
      %get3A_465 = tpu.vector_load %arg9[%get3A_464] {strides = array<i32>} : memref<16000xf32, #tpu.memory_space<vmem>>, vector<16xf32>,
      %get3A_466 = vector.shape_cast %get3A_465 : vector<16xf32> to vector<16xf32>
      %gt3A_467 = arith.cmpf ogt, %get3A_466, %scan3A_438 : vector<16xf32>
      %select_n3A_468 = arith.select %gt3A_467, %get3A_466, %scan3A_438 : vector<16xi1>, vector<16xf32>
      %select_n3A_469 = arith.select %gt3A_467, %broadcast_in_dim3A_456, %scan3A_446 : vector<16xi1>, vector<16xi32>
      %add3A_470 = arith.constant 32 : i32
      %add3A_471 = arith.addi %mul3A_454, %add3A_470 : i32
      %get3A_472 = arith.index_cast %add3A_471 : i32 to index
      %get3A_473 = tpu.vector_load %arg9[%get3A_472] {strides = array<i32>} : memref<16000xf32, #tpu.memory_space<vmem>>, vector<16xf32>,
      %get3A_474 = vector.shape_cast %get3A_473 : vector<16xf32> to vector<16xf32>
      %gt3A_475 = arith.cmpf ogt, %get3A_474, %scan3A_439 : vector<16xf32>
      %select_n3A_476 = arith.select %gt3A_475, %get3A_474, %scan3A_439 : vector<16xi1>, vector<16xf32>
      %select_n3A_477 = arith.select %gt3A_475, %broadcast_in_dim3A_456, %scan3A_447 : vector<16xi1>, vector<16xi32>
      %add3A_478 = arith.constant 48 : i32
      %add3A_479 = arith.addi %mul3A_454, %add3A_478 : i32
      %get3A_480 = arith.index_cast %add3A_479 : i32 to index
      %get3A_481 = tpu.vector_load %arg9[%get3A_480] {strides = array<i32>} : memref<16000xf32, #tpu.memory_space<vmem>>, vector<16xf32>,
      %get3A_482 = vector.shape_cast %get3A_481 : vector<16xf32> to vector<16xf32>
      %gt3A_483 = arith.cmpf ogt, %get3A_482, %scan3A_440 : vector<16xf32>
      %select_n3A_484 = arith.select %gt3A_483, %get3A_482, %scan3A_440 : vector<16xi1>, vector<16xf32>
      %select_n3A_485 = arith.select %gt3A_483, %broadcast_in_dim3A_456, %scan3A_448 : vector<16xi1>, vector<16xi32>
      %add3A_486 = arith.constant 64 : i32
      %add3A_487 = arith.addi %mul3A_454, %add3A_486 : i32
      %get3A_488 = arith.index_cast %add3A_487 : i32 to index
      %get3A_489 = tpu.vector_load %arg9[%get3A_488] {strides = array<i32>} : memref<16000xf32, #tpu.memory_space<vmem>>, vector<16xf32>,
      %get3A_490 = vector.shape_cast %get3A_489 : vector<16xf32> to vector<16xf32>
      %gt3A_491 = arith.cmpf ogt, %get3A_490, %scan3A_441 : vector<16xf32>
      %select_n3A_492 = arith.select %gt3A_491, %get3A_490, %scan3A_441 : vector<16xi1>, vector<16xf32>
      %select_n3A_493 = arith.select %gt3A_491, %broadcast_in_dim3A_456, %scan3A_449 : vector<16xi1>, vector<16xi32>
      %add3A_494 = arith.constant 80 : i32
      %add3A_495 = arith.addi %mul3A_454, %add3A_494 : i32
      %get3A_496 = arith.index_cast %add3A_495 : i32 to index
      %get3A_497 = tpu.vector_load %arg9[%get3A_496] {strides = array<i32>} : memref<16000xf32, #tpu.memory_space<vmem>>, vector<16xf32>,
      %get3A_498 = vector.shape_cast %get3A_497 : vector<16xf32> to vector<16xf32>
      %gt3A_499 = arith.cmpf ogt, %get3A_498, %scan3A_442 : vector<16xf32>
      %select_n3A_500 = arith.select %gt3A_499, %get3A_498, %scan3A_442 : vector<16xi1>, vector<16xf32>
      %select_n3A_501 = arith.select %gt3A_499, %broadcast_in_dim3A_456, %scan3A_450 : vector<16xi1>, vector<16xi32>
      %add3A_502 = arith.constant 96 : i32
      %add3A_503 = arith.addi %mul3A_454, %add3A_502 : i32
      %get3A_504 = arith.index_cast %add3A_503 : i32 to index
      %get3A_505 = tpu.vector_load %arg9[%get3A_504] {strides = array<i32>} : memref<16000xf32, #tpu.memory_space<vmem>>, vector<16xf32>,
      %get3A_506 = vector.shape_cast %get3A_505 : vector<16xf32> to vector<16xf32>
      %gt3A_507 = arith.cmpf ogt, %get3A_506, %scan3A_443 : vector<16xf32>
      %select_n3A_508 = arith.select %gt3A_507, %get3A_506, %scan3A_443 : vector<16xi1>, vector<16xf32>
      %select_n3A_509 = arith.select %gt3A_507, %broadcast_in_dim3A_456, %scan3A_451 : vector<16xi1>, vector<16xi32>
      %add3A_510 = arith.constant 112 : i32
      %add3A_511 = arith.addi %mul3A_454, %add3A_510 : i32
      %get3A_512 = arith.index_cast %add3A_511 : i32 to index
      %get3A_513 = tpu.vector_load %arg9[%get3A_512] {strides = array<i32>} : memref<16000xf32, #tpu.memory_space<vmem>>, vector<16xf32>,
      %get3A_514 = vector.shape_cast %get3A_513 : vector<16xf32> to vector<16xf32>
      %gt3A_515 = arith.cmpf ogt, %get3A_514, %scan3A_444 : vector<16xf32>
      %select_n3A_516 = arith.select %gt3A_515, %get3A_514, %scan3A_444 : vector<16xi1>, vector<16xf32>
      %select_n3A_517 = arith.select %gt3A_515, %broadcast_in_dim3A_456, %scan3A_452 : vector<16xi1>, vector<16xi32>
      scf.yield %select_n3A, %select_n3A_468, %select_n3A_476, %select_n3A_484, %select_n3A_492, %select_n3A_500, %select_n3A_508, %select_n3A_516, %select_n3A_461, %select_n3A_469, %select_n3A_477, %select_n3A_485, %select_n3A_493, %select_n3A_501, %select_n3A_509, %select_n3A_517 : vector<16xf32>, vector<16xf32>, vector<16xf32>, vector<16xf32>, vector<16xf32>, vector<16xf32>, vector<16xf32>, vector<16xf32>, vector<16xi32>, vector<16xi32>, vector<16xi32>, vector<16xi32>, vector<16xi32>, vector<16xi32>, vector<16xi32>, vector<16xi32>
    }
    %scan3A_76 = arith.constant 125 : i32
    %add3A_77 = arith.constant 375 : i32
    %add3A_78 = arith.addi %add3A_4, %add3A_77 : i32
    %mul3A_79 = arith.constant 128 : i32
    %mul3A_80 = arith.muli %add3A_78, %mul3A_79 : i32
    %dma_start3A_81 = tpu.memref_slice %arg2[%mul3A_80] : memref<12800000xf32, #tpu.memory_space<hbm>> -> memref<16000xf32, #tpu.memory_space<hbm>>
    %dma_start3A_82 = tpu.memref_slice %arg2[%mul3A_80] : memref<12800000xf32, #tpu.memory_space<hbm>> -> memref<16000xf32, #tpu.memory_space<hbm>>
    tpu.enqueue_dma source(%dma_start3A_82 : memref<16000xf32, #tpu.memory_space<hbm>>) target(%arg9 : memref<16000xf32, #tpu.memory_space<vmem>>) target_semaphore(%arg13 : memref<!tpu.dma_semaphore, #tpu.memory_space<semaphore_mem>>)
    %add3A_83 = arith.constant 250 : i32
    %add3A_84 = arith.addi %add3A_4, %add3A_83 : i32
    %mul3A_85 = arith.constant 128 : i32
    %mul3A_86 = arith.muli %add3A_84, %mul3A_85 : i32
    %dma_wait3A_87 = tpu.memref_slice %arg2[%mul3A_86] : memref<12800000xf32, #tpu.memory_space<hbm>> -> memref<16000xf32, #tpu.memory_space<hbm>>
    %dma_wait3A_88 = tpu.memref_slice %arg2[%mul3A_86] : memref<12800000xf32, #tpu.memory_space<hbm>> -> memref<16000xf32, #tpu.memory_space<hbm>>
    tpu.wait_dma2 semaphore(%arg12 : memref<!tpu.dma_semaphore, #tpu.memory_space<semaphore_mem>>) src(%dma_wait3A_88 : memref<16000xf32, #tpu.memory_space<hbm>>) dst(%arg8 : memref<16000xf32, #tpu.memory_space<vmem>>)
    %add3A_89 = arith.constant 250 : i32
    %add3A_90 = arith.addi %add3A_4, %add3A_89 : i32
    %scan3A_91 = arith.constant 0 : i32
    %scan3A_92 = arith.constant 125 : i32
    %scan3A_93 = arith.addi %scan3A_91, %scan3A_92 : i32
    %scan3A_94 = arith.constant 1 : i32
    %scan3A_95:16 = scf.for %scan3A_436 = %scan3A_91 to %scan3A_93 step %scan3A_94 iter_args(%scan3A_437 = %scan3A_75#0, %scan3A_438 = %scan3A_75#1, %scan3A_439 = %scan3A_75#2, %scan3A_440 = %scan3A_75#3, %scan3A_441 = %scan3A_75#4, %scan3A_442 = %scan3A_75#5, %scan3A_443 = %scan3A_75#6, %scan3A_444 = %scan3A_75#7, %scan3A_445 = %scan3A_75#8, %scan3A_446 = %scan3A_75#9, %scan3A_447 = %scan3A_75#10, %scan3A_448 = %scan3A_75#11, %scan3A_449 = %scan3A_75#12, %scan3A_450 = %scan3A_75#13, %scan3A_451 = %scan3A_75#14, %scan3A_452 = %scan3A_75#15) -> (vector<16xf32>, vector<16xf32>, vector<16xf32>, vector<16xf32>, vector<16xf32>, vector<16xf32>, vector<16xf32>, vector<16xf32>, vector<16xi32>, vector<16xi32>, vector<16xi32>, vector<16xi32>, vector<16xi32>, vector<16xi32>, vector<16xi32>, vector<16xi32>)  : i32 {
      %mul3A_453 = arith.constant 128 : i32
      %mul3A_454 = arith.muli %scan3A_436, %mul3A_453 : i32
      %add3A_455 = arith.addi %add3A_90, %scan3A_436 : i32
      %broadcast_in_dim3A_456 = vector.broadcast %add3A_455 : i32 to vector<16xi32>
      %add3A_457 = arith.constant 0 : i32
      %add3A_458 = arith.addi %mul3A_454, %add3A_457 : i32
      %get3A = arith.index_cast %add3A_458 : i32 to index
      %get3A_459 = tpu.vector_load %arg8[%get3A] {strides = array<i32>} : memref<16000xf32, #tpu.memory_space<vmem>>, vector<16xf32>,
      %get3A_460 = vector.shape_cast %get3A_459 : vector<16xf32> to vector<16xf32>
      %gt3A = arith.cmpf ogt, %get3A_460, %scan3A_437 : vector<16xf32>
      %select_n3A = arith.select %gt3A, %get3A_460, %scan3A_437 : vector<16xi1>, vector<16xf32>
      %select_n3A_461 = arith.select %gt3A, %broadcast_in_dim3A_456, %scan3A_445 : vector<16xi1>, vector<16xi32>
      %add3A_462 = arith.constant 16 : i32
      %add3A_463 = arith.addi %mul3A_454, %add3A_462 : i32
      %get3A_464 = arith.index_cast %add3A_463 : i32 to index
      %get3A_465 = tpu.vector_load %arg8[%get3A_464] {strides = array<i32>} : memref<16000xf32, #tpu.memory_space<vmem>>, vector<16xf32>,
      %get3A_466 = vector.shape_cast %get3A_465 : vector<16xf32> to vector<16xf32>
      %gt3A_467 = arith.cmpf ogt, %get3A_466, %scan3A_438 : vector<16xf32>
      %select_n3A_468 = arith.select %gt3A_467, %get3A_466, %scan3A_438 : vector<16xi1>, vector<16xf32>
      %select_n3A_469 = arith.select %gt3A_467, %broadcast_in_dim3A_456, %scan3A_446 : vector<16xi1>, vector<16xi32>
      %add3A_470 = arith.constant 32 : i32
      %add3A_471 = arith.addi %mul3A_454, %add3A_470 : i32
      %get3A_472 = arith.index_cast %add3A_471 : i32 to index
      %get3A_473 = tpu.vector_load %arg8[%get3A_472] {strides = array<i32>} : memref<16000xf32, #tpu.memory_space<vmem>>, vector<16xf32>,
      %get3A_474 = vector.shape_cast %get3A_473 : vector<16xf32> to vector<16xf32>
      %gt3A_475 = arith.cmpf ogt, %get3A_474, %scan3A_439 : vector<16xf32>
      %select_n3A_476 = arith.select %gt3A_475, %get3A_474, %scan3A_439 : vector<16xi1>, vector<16xf32>
      %select_n3A_477 = arith.select %gt3A_475, %broadcast_in_dim3A_456, %scan3A_447 : vector<16xi1>, vector<16xi32>
      %add3A_478 = arith.constant 48 : i32
      %add3A_479 = arith.addi %mul3A_454, %add3A_478 : i32
      %get3A_480 = arith.index_cast %add3A_479 : i32 to index
      %get3A_481 = tpu.vector_load %arg8[%get3A_480] {strides = array<i32>} : memref<16000xf32, #tpu.memory_space<vmem>>, vector<16xf32>,
      %get3A_482 = vector.shape_cast %get3A_481 : vector<16xf32> to vector<16xf32>
      %gt3A_483 = arith.cmpf ogt, %get3A_482, %scan3A_440 : vector<16xf32>
      %select_n3A_484 = arith.select %gt3A_483, %get3A_482, %scan3A_440 : vector<16xi1>, vector<16xf32>
      %select_n3A_485 = arith.select %gt3A_483, %broadcast_in_dim3A_456, %scan3A_448 : vector<16xi1>, vector<16xi32>
      %add3A_486 = arith.constant 64 : i32
      %add3A_487 = arith.addi %mul3A_454, %add3A_486 : i32
      %get3A_488 = arith.index_cast %add3A_487 : i32 to index
      %get3A_489 = tpu.vector_load %arg8[%get3A_488] {strides = array<i32>} : memref<16000xf32, #tpu.memory_space<vmem>>, vector<16xf32>,
      %get3A_490 = vector.shape_cast %get3A_489 : vector<16xf32> to vector<16xf32>
      %gt3A_491 = arith.cmpf ogt, %get3A_490, %scan3A_441 : vector<16xf32>
      %select_n3A_492 = arith.select %gt3A_491, %get3A_490, %scan3A_441 : vector<16xi1>, vector<16xf32>
      %select_n3A_493 = arith.select %gt3A_491, %broadcast_in_dim3A_456, %scan3A_449 : vector<16xi1>, vector<16xi32>
      %add3A_494 = arith.constant 80 : i32
      %add3A_495 = arith.addi %mul3A_454, %add3A_494 : i32
      %get3A_496 = arith.index_cast %add3A_495 : i32 to index
      %get3A_497 = tpu.vector_load %arg8[%get3A_496] {strides = array<i32>} : memref<16000xf32, #tpu.memory_space<vmem>>, vector<16xf32>,
      %get3A_498 = vector.shape_cast %get3A_497 : vector<16xf32> to vector<16xf32>
      %gt3A_499 = arith.cmpf ogt, %get3A_498, %scan3A_442 : vector<16xf32>
      %select_n3A_500 = arith.select %gt3A_499, %get3A_498, %scan3A_442 : vector<16xi1>, vector<16xf32>
      %select_n3A_501 = arith.select %gt3A_499, %broadcast_in_dim3A_456, %scan3A_450 : vector<16xi1>, vector<16xi32>
      %add3A_502 = arith.constant 96 : i32
      %add3A_503 = arith.addi %mul3A_454, %add3A_502 : i32
      %get3A_504 = arith.index_cast %add3A_503 : i32 to index
      %get3A_505 = tpu.vector_load %arg8[%get3A_504] {strides = array<i32>} : memref<16000xf32, #tpu.memory_space<vmem>>, vector<16xf32>,
      %get3A_506 = vector.shape_cast %get3A_505 : vector<16xf32> to vector<16xf32>
      %gt3A_507 = arith.cmpf ogt, %get3A_506, %scan3A_443 : vector<16xf32>
      %select_n3A_508 = arith.select %gt3A_507, %get3A_506, %scan3A_443 : vector<16xi1>, vector<16xf32>
      %select_n3A_509 = arith.select %gt3A_507, %broadcast_in_dim3A_456, %scan3A_451 : vector<16xi1>, vector<16xi32>
      %add3A_510 = arith.constant 112 : i32
      %add3A_511 = arith.addi %mul3A_454, %add3A_510 : i32
      %get3A_512 = arith.index_cast %add3A_511 : i32 to index
      %get3A_513 = tpu.vector_load %arg8[%get3A_512] {strides = array<i32>} : memref<16000xf32, #tpu.memory_space<vmem>>, vector<16xf32>,
      %get3A_514 = vector.shape_cast %get3A_513 : vector<16xf32> to vector<16xf32>
      %gt3A_515 = arith.cmpf ogt, %get3A_514, %scan3A_444 : vector<16xf32>
      %select_n3A_516 = arith.select %gt3A_515, %get3A_514, %scan3A_444 : vector<16xi1>, vector<16xf32>
      %select_n3A_517 = arith.select %gt3A_515, %broadcast_in_dim3A_456, %scan3A_452 : vector<16xi1>, vector<16xi32>
      scf.yield %select_n3A, %select_n3A_468, %select_n3A_476, %select_n3A_484, %select_n3A_492, %select_n3A_500, %select_n3A_508, %select_n3A_516, %select_n3A_461, %select_n3A_469, %select_n3A_477, %select_n3A_485, %select_n3A_493, %select_n3A_501, %select_n3A_509, %select_n3A_517 : vector<16xf32>, vector<16xf32>, vector<16xf32>, vector<16xf32>, vector<16xf32>, vector<16xf32>, vector<16xf32>, vector<16xf32>, vector<16xi32>, vector<16xi32>, vector<16xi32>, vector<16xi32>, vector<16xi32>, vector<16xi32>, vector<16xi32>, vector<16xi32>
    }
    %scan3A_96 = arith.constant 125 : i32
    %add3A_97 = arith.constant 500 : i32
    %add3A_98 = arith.addi %add3A_4, %add3A_97 : i32
    %mul3A_99 = arith.constant 128 : i32
    %mul3A_100 = arith.muli %add3A_98, %mul3A_99 : i32
    %dma_start3A_101 = tpu.memref_slice %arg2[%mul3A_100] : memref<12800000xf32, #tpu.memory_space<hbm>> -> memref<16000xf32, #tpu.memory_space<hbm>>
    %dma_start3A_102 = tpu.memref_slice %arg2[%mul3A_100] : memref<12800000xf32, #tpu.memory_space<hbm>> -> memref<16000xf32, #tpu.memory_space<hbm>>
    tpu.enqueue_dma source(%dma_start3A_102 : memref<16000xf32, #tpu.memory_space<hbm>>) target(%arg8 : memref<16000xf32, #tpu.memory_space<vmem>>) target_semaphore(%arg12 : memref<!tpu.dma_semaphore, #tpu.memory_space<semaphore_mem>>)
    %add3A_103 = arith.constant 375 : i32
    %add3A_104 = arith.addi %add3A_4, %add3A_103 : i32
    %mul3A_105 = arith.constant 128 : i32
    %mul3A_106 = arith.muli %add3A_104, %mul3A_105 : i32
    %dma_wait3A_107 = tpu.memref_slice %arg2[%mul3A_106] : memref<12800000xf32, #tpu.memory_space<hbm>> -> memref<16000xf32, #tpu.memory_space<hbm>>
    %dma_wait3A_108 = tpu.memref_slice %arg2[%mul3A_106] : memref<12800000xf32, #tpu.memory_space<hbm>> -> memref<16000xf32, #tpu.memory_space<hbm>>
    tpu.wait_dma2 semaphore(%arg13 : memref<!tpu.dma_semaphore, #tpu.memory_space<semaphore_mem>>) src(%dma_wait3A_108 : memref<16000xf32, #tpu.memory_space<hbm>>) dst(%arg9 : memref<16000xf32, #tpu.memory_space<vmem>>)
    %add3A_109 = arith.constant 375 : i32
    %add3A_110 = arith.addi %add3A_4, %add3A_109 : i32
    %scan3A_111 = arith.constant 0 : i32
    %scan3A_112 = arith.constant 125 : i32
    %scan3A_113 = arith.addi %scan3A_111, %scan3A_112 : i32
    %scan3A_114 = arith.constant 1 : i32
    %scan3A_115:16 = scf.for %scan3A_436 = %scan3A_111 to %scan3A_113 step %scan3A_114 iter_args(%scan3A_437 = %scan3A_95#0, %scan3A_438 = %scan3A_95#1, %scan3A_439 = %scan3A_95#2, %scan3A_440 = %scan3A_95#3, %scan3A_441 = %scan3A_95#4, %scan3A_442 = %scan3A_95#5, %scan3A_443 = %scan3A_95#6, %scan3A_444 = %scan3A_95#7, %scan3A_445 = %scan3A_95#8, %scan3A_446 = %scan3A_95#9, %scan3A_447 = %scan3A_95#10, %scan3A_448 = %scan3A_95#11, %scan3A_449 = %scan3A_95#12, %scan3A_450 = %scan3A_95#13, %scan3A_451 = %scan3A_95#14, %scan3A_452 = %scan3A_95#15) -> (vector<16xf32>, vector<16xf32>, vector<16xf32>, vector<16xf32>, vector<16xf32>, vector<16xf32>, vector<16xf32>, vector<16xf32>, vector<16xi32>, vector<16xi32>, vector<16xi32>, vector<16xi32>, vector<16xi32>, vector<16xi32>, vector<16xi32>, vector<16xi32>)  : i32 {
      %mul3A_453 = arith.constant 128 : i32
      %mul3A_454 = arith.muli %scan3A_436, %mul3A_453 : i32
      %add3A_455 = arith.addi %add3A_110, %scan3A_436 : i32
      %broadcast_in_dim3A_456 = vector.broadcast %add3A_455 : i32 to vector<16xi32>
      %add3A_457 = arith.constant 0 : i32
      %add3A_458 = arith.addi %mul3A_454, %add3A_457 : i32
      %get3A = arith.index_cast %add3A_458 : i32 to index
      %get3A_459 = tpu.vector_load %arg9[%get3A] {strides = array<i32>} : memref<16000xf32, #tpu.memory_space<vmem>>, vector<16xf32>,
      %get3A_460 = vector.shape_cast %get3A_459 : vector<16xf32> to vector<16xf32>
      %gt3A = arith.cmpf ogt, %get3A_460, %scan3A_437 : vector<16xf32>
      %select_n3A = arith.select %gt3A, %get3A_460, %scan3A_437 : vector<16xi1>, vector<16xf32>
      %select_n3A_461 = arith.select %gt3A, %broadcast_in_dim3A_456, %scan3A_445 : vector<16xi1>, vector<16xi32>
      %add3A_462 = arith.constant 16 : i32
      %add3A_463 = arith.addi %mul3A_454, %add3A_462 : i32
      %get3A_464 = arith.index_cast %add3A_463 : i32 to index
      %get3A_465 = tpu.vector_load %arg9[%get3A_464] {strides = array<i32>} : memref<16000xf32, #tpu.memory_space<vmem>>, vector<16xf32>,
      %get3A_466 = vector.shape_cast %get3A_465 : vector<16xf32> to vector<16xf32>
      %gt3A_467 = arith.cmpf ogt, %get3A_466, %scan3A_438 : vector<16xf32>
      %select_n3A_468 = arith.select %gt3A_467, %get3A_466, %scan3A_438 : vector<16xi1>, vector<16xf32>
      %select_n3A_469 = arith.select %gt3A_467, %broadcast_in_dim3A_456, %scan3A_446 : vector<16xi1>, vector<16xi32>
      %add3A_470 = arith.constant 32 : i32
      %add3A_471 = arith.addi %mul3A_454, %add3A_470 : i32
      %get3A_472 = arith.index_cast %add3A_471 : i32 to index
      %get3A_473 = tpu.vector_load %arg9[%get3A_472] {strides = array<i32>} : memref<16000xf32, #tpu.memory_space<vmem>>, vector<16xf32>,
      %get3A_474 = vector.shape_cast %get3A_473 : vector<16xf32> to vector<16xf32>
      %gt3A_475 = arith.cmpf ogt, %get3A_474, %scan3A_439 : vector<16xf32>
      %select_n3A_476 = arith.select %gt3A_475, %get3A_474, %scan3A_439 : vector<16xi1>, vector<16xf32>
      %select_n3A_477 = arith.select %gt3A_475, %broadcast_in_dim3A_456, %scan3A_447 : vector<16xi1>, vector<16xi32>
      %add3A_478 = arith.constant 48 : i32
      %add3A_479 = arith.addi %mul3A_454, %add3A_478 : i32
      %get3A_480 = arith.index_cast %add3A_479 : i32 to index
      %get3A_481 = tpu.vector_load %arg9[%get3A_480] {strides = array<i32>} : memref<16000xf32, #tpu.memory_space<vmem>>, vector<16xf32>,
      %get3A_482 = vector.shape_cast %get3A_481 : vector<16xf32> to vector<16xf32>
      %gt3A_483 = arith.cmpf ogt, %get3A_482, %scan3A_440 : vector<16xf32>
      %select_n3A_484 = arith.select %gt3A_483, %get3A_482, %scan3A_440 : vector<16xi1>, vector<16xf32>
      %select_n3A_485 = arith.select %gt3A_483, %broadcast_in_dim3A_456, %scan3A_448 : vector<16xi1>, vector<16xi32>
      %add3A_486 = arith.constant 64 : i32
      %add3A_487 = arith.addi %mul3A_454, %add3A_486 : i32
      %get3A_488 = arith.index_cast %add3A_487 : i32 to index
      %get3A_489 = tpu.vector_load %arg9[%get3A_488] {strides = array<i32>} : memref<16000xf32, #tpu.memory_space<vmem>>, vector<16xf32>,
      %get3A_490 = vector.shape_cast %get3A_489 : vector<16xf32> to vector<16xf32>
      %gt3A_491 = arith.cmpf ogt, %get3A_490, %scan3A_441 : vector<16xf32>
      %select_n3A_492 = arith.select %gt3A_491, %get3A_490, %scan3A_441 : vector<16xi1>, vector<16xf32>
      %select_n3A_493 = arith.select %gt3A_491, %broadcast_in_dim3A_456, %scan3A_449 : vector<16xi1>, vector<16xi32>
      %add3A_494 = arith.constant 80 : i32
      %add3A_495 = arith.addi %mul3A_454, %add3A_494 : i32
      %get3A_496 = arith.index_cast %add3A_495 : i32 to index
      %get3A_497 = tpu.vector_load %arg9[%get3A_496] {strides = array<i32>} : memref<16000xf32, #tpu.memory_space<vmem>>, vector<16xf32>,
      %get3A_498 = vector.shape_cast %get3A_497 : vector<16xf32> to vector<16xf32>
      %gt3A_499 = arith.cmpf ogt, %get3A_498, %scan3A_442 : vector<16xf32>
      %select_n3A_500 = arith.select %gt3A_499, %get3A_498, %scan3A_442 : vector<16xi1>, vector<16xf32>
      %select_n3A_501 = arith.select %gt3A_499, %broadcast_in_dim3A_456, %scan3A_450 : vector<16xi1>, vector<16xi32>
      %add3A_502 = arith.constant 96 : i32
      %add3A_503 = arith.addi %mul3A_454, %add3A_502 : i32
      %get3A_504 = arith.index_cast %add3A_503 : i32 to index
      %get3A_505 = tpu.vector_load %arg9[%get3A_504] {strides = array<i32>} : memref<16000xf32, #tpu.memory_space<vmem>>, vector<16xf32>,
      %get3A_506 = vector.shape_cast %get3A_505 : vector<16xf32> to vector<16xf32>
      %gt3A_507 = arith.cmpf ogt, %get3A_506, %scan3A_443 : vector<16xf32>
      %select_n3A_508 = arith.select %gt3A_507, %get3A_506, %scan3A_443 : vector<16xi1>, vector<16xf32>
      %select_n3A_509 = arith.select %gt3A_507, %broadcast_in_dim3A_456, %scan3A_451 : vector<16xi1>, vector<16xi32>
      %add3A_510 = arith.constant 112 : i32
      %add3A_511 = arith.addi %mul3A_454, %add3A_510 : i32
      %get3A_512 = arith.index_cast %add3A_511 : i32 to index
      %get3A_513 = tpu.vector_load %arg9[%get3A_512] {strides = array<i32>} : memref<16000xf32, #tpu.memory_space<vmem>>, vector<16xf32>,
      %get3A_514 = vector.shape_cast %get3A_513 : vector<16xf32> to vector<16xf32>
      %gt3A_515 = arith.cmpf ogt, %get3A_514, %scan3A_444 : vector<16xf32>
      %select_n3A_516 = arith.select %gt3A_515, %get3A_514, %scan3A_444 : vector<16xi1>, vector<16xf32>
      %select_n3A_517 = arith.select %gt3A_515, %broadcast_in_dim3A_456, %scan3A_452 : vector<16xi1>, vector<16xi32>
      scf.yield %select_n3A, %select_n3A_468, %select_n3A_476, %select_n3A_484, %select_n3A_492, %select_n3A_500, %select_n3A_508, %select_n3A_516, %select_n3A_461, %select_n3A_469, %select_n3A_477, %select_n3A_485, %select_n3A_493, %select_n3A_501, %select_n3A_509, %select_n3A_517 : vector<16xf32>, vector<16xf32>, vector<16xf32>, vector<16xf32>, vector<16xf32>, vector<16xf32>, vector<16xf32>, vector<16xf32>, vector<16xi32>, vector<16xi32>, vector<16xi32>, vector<16xi32>, vector<16xi32>, vector<16xi32>, vector<16xi32>, vector<16xi32>
    }
    %scan3A_116 = arith.constant 125 : i32
    %add3A_117 = arith.constant 625 : i32
    %add3A_118 = arith.addi %add3A_4, %add3A_117 : i32
    %mul3A_119 = arith.constant 128 : i32
    %mul3A_120 = arith.muli %add3A_118, %mul3A_119 : i32
    %dma_start3A_121 = tpu.memref_slice %arg2[%mul3A_120] : memref<12800000xf32, #tpu.memory_space<hbm>> -> memref<16000xf32, #tpu.memory_space<hbm>>
    %dma_start3A_122 = tpu.memref_slice %arg2[%mul3A_120] : memref<12800000xf32, #tpu.memory_space<hbm>> -> memref<16000xf32, #tpu.memory_space<hbm>>
    tpu.enqueue_dma source(%dma_start3A_122 : memref<16000xf32, #tpu.memory_space<hbm>>) target(%arg9 : memref<16000xf32, #tpu.memory_space<vmem>>) target_semaphore(%arg13 : memref<!tpu.dma_semaphore, #tpu.memory_space<semaphore_mem>>)
    %add3A_123 = arith.constant 500 : i32
    %add3A_124 = arith.addi %add3A_4, %add3A_123 : i32
    %mul3A_125 = arith.constant 128 : i32
    %mul3A_126 = arith.muli %add3A_124, %mul3A_125 : i32
    %dma_wait3A_127 = tpu.memref_slice %arg2[%mul3A_126] : memref<12800000xf32, #tpu.memory_space<hbm>> -> memref<16000xf32, #tpu.memory_space<hbm>>
    %dma_wait3A_128 = tpu.memref_slice %arg2[%mul3A_126] : memref<12800000xf32, #tpu.memory_space<hbm>> -> memref<16000xf32, #tpu.memory_space<hbm>>
    tpu.wait_dma2 semaphore(%arg12 : memref<!tpu.dma_semaphore, #tpu.memory_space<semaphore_mem>>) src(%dma_wait3A_128 : memref<16000xf32, #tpu.memory_space<hbm>>) dst(%arg8 : memref<16000xf32, #tpu.memory_space<vmem>>)
    %add3A_129 = arith.constant 500 : i32
    %add3A_130 = arith.addi %add3A_4, %add3A_129 : i32
    %scan3A_131 = arith.constant 0 : i32
    %scan3A_132 = arith.constant 125 : i32
    %scan3A_133 = arith.addi %scan3A_131, %scan3A_132 : i32
    %scan3A_134 = arith.constant 1 : i32
    %scan3A_135:16 = scf.for %scan3A_436 = %scan3A_131 to %scan3A_133 step %scan3A_134 iter_args(%scan3A_437 = %scan3A_115#0, %scan3A_438 = %scan3A_115#1, %scan3A_439 = %scan3A_115#2, %scan3A_440 = %scan3A_115#3, %scan3A_441 = %scan3A_115#4, %scan3A_442 = %scan3A_115#5, %scan3A_443 = %scan3A_115#6, %scan3A_444 = %scan3A_115#7, %scan3A_445 = %scan3A_115#8, %scan3A_446 = %scan3A_115#9, %scan3A_447 = %scan3A_115#10, %scan3A_448 = %scan3A_115#11, %scan3A_449 = %scan3A_115#12, %scan3A_450 = %scan3A_115#13, %scan3A_451 = %scan3A_115#14, %scan3A_452 = %scan3A_115#15) -> (vector<16xf32>, vector<16xf32>, vector<16xf32>, vector<16xf32>, vector<16xf32>, vector<16xf32>, vector<16xf32>, vector<16xf32>, vector<16xi32>, vector<16xi32>, vector<16xi32>, vector<16xi32>, vector<16xi32>, vector<16xi32>, vector<16xi32>, vector<16xi32>)  : i32 {
      %mul3A_453 = arith.constant 128 : i32
      %mul3A_454 = arith.muli %scan3A_436, %mul3A_453 : i32
      %add3A_455 = arith.addi %add3A_130, %scan3A_436 : i32
      %broadcast_in_dim3A_456 = vector.broadcast %add3A_455 : i32 to vector<16xi32>
      %add3A_457 = arith.constant 0 : i32
      %add3A_458 = arith.addi %mul3A_454, %add3A_457 : i32
      %get3A = arith.index_cast %add3A_458 : i32 to index
      %get3A_459 = tpu.vector_load %arg8[%get3A] {strides = array<i32>} : memref<16000xf32, #tpu.memory_space<vmem>>, vector<16xf32>,
      %get3A_460 = vector.shape_cast %get3A_459 : vector<16xf32> to vector<16xf32>
      %gt3A = arith.cmpf ogt, %get3A_460, %scan3A_437 : vector<16xf32>
      %select_n3A = arith.select %gt3A, %get3A_460, %scan3A_437 : vector<16xi1>, vector<16xf32>
      %select_n3A_461 = arith.select %gt3A, %broadcast_in_dim3A_456, %scan3A_445 : vector<16xi1>, vector<16xi32>
      %add3A_462 = arith.constant 16 : i32
      %add3A_463 = arith.addi %mul3A_454, %add3A_462 : i32
      %get3A_464 = arith.index_cast %add3A_463 : i32 to index
      %get3A_465 = tpu.vector_load %arg8[%get3A_464] {strides = array<i32>} : memref<16000xf32, #tpu.memory_space<vmem>>, vector<16xf32>,
      %get3A_466 = vector.shape_cast %get3A_465 : vector<16xf32> to vector<16xf32>
      %gt3A_467 = arith.cmpf ogt, %get3A_466, %scan3A_438 : vector<16xf32>
      %select_n3A_468 = arith.select %gt3A_467, %get3A_466, %scan3A_438 : vector<16xi1>, vector<16xf32>
      %select_n3A_469 = arith.select %gt3A_467, %broadcast_in_dim3A_456, %scan3A_446 : vector<16xi1>, vector<16xi32>
      %add3A_470 = arith.constant 32 : i32
      %add3A_471 = arith.addi %mul3A_454, %add3A_470 : i32
      %get3A_472 = arith.index_cast %add3A_471 : i32 to index
      %get3A_473 = tpu.vector_load %arg8[%get3A_472] {strides = array<i32>} : memref<16000xf32, #tpu.memory_space<vmem>>, vector<16xf32>,
      %get3A_474 = vector.shape_cast %get3A_473 : vector<16xf32> to vector<16xf32>
      %gt3A_475 = arith.cmpf ogt, %get3A_474, %scan3A_439 : vector<16xf32>
      %select_n3A_476 = arith.select %gt3A_475, %get3A_474, %scan3A_439 : vector<16xi1>, vector<16xf32>
      %select_n3A_477 = arith.select %gt3A_475, %broadcast_in_dim3A_456, %scan3A_447 : vector<16xi1>, vector<16xi32>
      %add3A_478 = arith.constant 48 : i32
      %add3A_479 = arith.addi %mul3A_454, %add3A_478 : i32
      %get3A_480 = arith.index_cast %add3A_479 : i32 to index
      %get3A_481 = tpu.vector_load %arg8[%get3A_480] {strides = array<i32>} : memref<16000xf32, #tpu.memory_space<vmem>>, vector<16xf32>,
      %get3A_482 = vector.shape_cast %get3A_481 : vector<16xf32> to vector<16xf32>
      %gt3A_483 = arith.cmpf ogt, %get3A_482, %scan3A_440 : vector<16xf32>
      %select_n3A_484 = arith.select %gt3A_483, %get3A_482, %scan3A_440 : vector<16xi1>, vector<16xf32>
      %select_n3A_485 = arith.select %gt3A_483, %broadcast_in_dim3A_456, %scan3A_448 : vector<16xi1>, vector<16xi32>
      %add3A_486 = arith.constant 64 : i32
      %add3A_487 = arith.addi %mul3A_454, %add3A_486 : i32
      %get3A_488 = arith.index_cast %add3A_487 : i32 to index
      %get3A_489 = tpu.vector_load %arg8[%get3A_488] {strides = array<i32>} : memref<16000xf32, #tpu.memory_space<vmem>>, vector<16xf32>,
      %get3A_490 = vector.shape_cast %get3A_489 : vector<16xf32> to vector<16xf32>
      %gt3A_491 = arith.cmpf ogt, %get3A_490, %scan3A_441 : vector<16xf32>
      %select_n3A_492 = arith.select %gt3A_491, %get3A_490, %scan3A_441 : vector<16xi1>, vector<16xf32>
      %select_n3A_493 = arith.select %gt3A_491, %broadcast_in_dim3A_456, %scan3A_449 : vector<16xi1>, vector<16xi32>
      %add3A_494 = arith.constant 80 : i32
      %add3A_495 = arith.addi %mul3A_454, %add3A_494 : i32
      %get3A_496 = arith.index_cast %add3A_495 : i32 to index
      %get3A_497 = tpu.vector_load %arg8[%get3A_496] {strides = array<i32>} : memref<16000xf32, #tpu.memory_space<vmem>>, vector<16xf32>,
      %get3A_498 = vector.shape_cast %get3A_497 : vector<16xf32> to vector<16xf32>
      %gt3A_499 = arith.cmpf ogt, %get3A_498, %scan3A_442 : vector<16xf32>
      %select_n3A_500 = arith.select %gt3A_499, %get3A_498, %scan3A_442 : vector<16xi1>, vector<16xf32>
      %select_n3A_501 = arith.select %gt3A_499, %broadcast_in_dim3A_456, %scan3A_450 : vector<16xi1>, vector<16xi32>
      %add3A_502 = arith.constant 96 : i32
      %add3A_503 = arith.addi %mul3A_454, %add3A_502 : i32
      %get3A_504 = arith.index_cast %add3A_503 : i32 to index
      %get3A_505 = tpu.vector_load %arg8[%get3A_504] {strides = array<i32>} : memref<16000xf32, #tpu.memory_space<vmem>>, vector<16xf32>,
      %get3A_506 = vector.shape_cast %get3A_505 : vector<16xf32> to vector<16xf32>
      %gt3A_507 = arith.cmpf ogt, %get3A_506, %scan3A_443 : vector<16xf32>
      %select_n3A_508 = arith.select %gt3A_507, %get3A_506, %scan3A_443 : vector<16xi1>, vector<16xf32>
      %select_n3A_509 = arith.select %gt3A_507, %broadcast_in_dim3A_456, %scan3A_451 : vector<16xi1>, vector<16xi32>
      %add3A_510 = arith.constant 112 : i32
      %add3A_511 = arith.addi %mul3A_454, %add3A_510 : i32
      %get3A_512 = arith.index_cast %add3A_511 : i32 to index
      %get3A_513 = tpu.vector_load %arg8[%get3A_512] {strides = array<i32>} : memref<16000xf32, #tpu.memory_space<vmem>>, vector<16xf32>,
      %get3A_514 = vector.shape_cast %get3A_513 : vector<16xf32> to vector<16xf32>
      %gt3A_515 = arith.cmpf ogt, %get3A_514, %scan3A_444 : vector<16xf32>
      %select_n3A_516 = arith.select %gt3A_515, %get3A_514, %scan3A_444 : vector<16xi1>, vector<16xf32>
      %select_n3A_517 = arith.select %gt3A_515, %broadcast_in_dim3A_456, %scan3A_452 : vector<16xi1>, vector<16xi32>
      scf.yield %select_n3A, %select_n3A_468, %select_n3A_476, %select_n3A_484, %select_n3A_492, %select_n3A_500, %select_n3A_508, %select_n3A_516, %select_n3A_461, %select_n3A_469, %select_n3A_477, %select_n3A_485, %select_n3A_493, %select_n3A_501, %select_n3A_509, %select_n3A_517 : vector<16xf32>, vector<16xf32>, vector<16xf32>, vector<16xf32>, vector<16xf32>, vector<16xf32>, vector<16xf32>, vector<16xf32>, vector<16xi32>, vector<16xi32>, vector<16xi32>, vector<16xi32>, vector<16xi32>, vector<16xi32>, vector<16xi32>, vector<16xi32>
    }
    %scan3A_136 = arith.constant 125 : i32
    %add3A_137 = arith.constant 625 : i32
    %add3A_138 = arith.addi %add3A_4, %add3A_137 : i32
    %mul3A_139 = arith.constant 128 : i32
    %mul3A_140 = arith.muli %add3A_138, %mul3A_139 : i32
    %dma_wait3A_141 = tpu.memref_slice %arg2[%mul3A_140] : memref<12800000xf32, #tpu.memory_space<hbm>> -> memref<16000xf32, #tpu.memory_space<hbm>>
    %dma_wait3A_142 = tpu.memref_slice %arg2[%mul3A_140] : memref<12800000xf32, #tpu.memory_space<hbm>> -> memref<16000xf32, #tpu.memory_space<hbm>>
    tpu.wait_dma2 semaphore(%arg13 : memref<!tpu.dma_semaphore, #tpu.memory_space<semaphore_mem>>) src(%dma_wait3A_142 : memref<16000xf32, #tpu.memory_space<hbm>>) dst(%arg9 : memref<16000xf32, #tpu.memory_space<vmem>>)
    %add3A_143 = arith.constant 625 : i32
    %add3A_144 = arith.addi %add3A_4, %add3A_143 : i32
    %scan3A_145 = arith.constant 0 : i32
    %scan3A_146 = arith.constant 125 : i32
    %scan3A_147 = arith.addi %scan3A_145, %scan3A_146 : i32
    %scan3A_148 = arith.constant 1 : i32
    %scan3A_149:16 = scf.for %scan3A_436 = %scan3A_145 to %scan3A_147 step %scan3A_148 iter_args(%scan3A_437 = %scan3A_135#0, %scan3A_438 = %scan3A_135#1, %scan3A_439 = %scan3A_135#2, %scan3A_440 = %scan3A_135#3, %scan3A_441 = %scan3A_135#4, %scan3A_442 = %scan3A_135#5, %scan3A_443 = %scan3A_135#6, %scan3A_444 = %scan3A_135#7, %scan3A_445 = %scan3A_135#8, %scan3A_446 = %scan3A_135#9, %scan3A_447 = %scan3A_135#10, %scan3A_448 = %scan3A_135#11, %scan3A_449 = %scan3A_135#12, %scan3A_450 = %scan3A_135#13, %scan3A_451 = %scan3A_135#14, %scan3A_452 = %scan3A_135#15) -> (vector<16xf32>, vector<16xf32>, vector<16xf32>, vector<16xf32>, vector<16xf32>, vector<16xf32>, vector<16xf32>, vector<16xf32>, vector<16xi32>, vector<16xi32>, vector<16xi32>, vector<16xi32>, vector<16xi32>, vector<16xi32>, vector<16xi32>, vector<16xi32>)  : i32 {
      %mul3A_453 = arith.constant 128 : i32
      %mul3A_454 = arith.muli %scan3A_436, %mul3A_453 : i32
      %add3A_455 = arith.addi %add3A_144, %scan3A_436 : i32
      %broadcast_in_dim3A_456 = vector.broadcast %add3A_455 : i32 to vector<16xi32>
      %add3A_457 = arith.constant 0 : i32
      %add3A_458 = arith.addi %mul3A_454, %add3A_457 : i32
      %get3A = arith.index_cast %add3A_458 : i32 to index
      %get3A_459 = tpu.vector_load %arg9[%get3A] {strides = array<i32>} : memref<16000xf32, #tpu.memory_space<vmem>>, vector<16xf32>,
      %get3A_460 = vector.shape_cast %get3A_459 : vector<16xf32> to vector<16xf32>
      %gt3A = arith.cmpf ogt, %get3A_460, %scan3A_437 : vector<16xf32>
      %select_n3A = arith.select %gt3A, %get3A_460, %scan3A_437 : vector<16xi1>, vector<16xf32>
      %select_n3A_461 = arith.select %gt3A, %broadcast_in_dim3A_456, %scan3A_445 : vector<16xi1>, vector<16xi32>
      %add3A_462 = arith.constant 16 : i32
      %add3A_463 = arith.addi %mul3A_454, %add3A_462 : i32
      %get3A_464 = arith.index_cast %add3A_463 : i32 to index
      %get3A_465 = tpu.vector_load %arg9[%get3A_464] {strides = array<i32>} : memref<16000xf32, #tpu.memory_space<vmem>>, vector<16xf32>,
      %get3A_466 = vector.shape_cast %get3A_465 : vector<16xf32> to vector<16xf32>
      %gt3A_467 = arith.cmpf ogt, %get3A_466, %scan3A_438 : vector<16xf32>
      %select_n3A_468 = arith.select %gt3A_467, %get3A_466, %scan3A_438 : vector<16xi1>, vector<16xf32>
      %select_n3A_469 = arith.select %gt3A_467, %broadcast_in_dim3A_456, %scan3A_446 : vector<16xi1>, vector<16xi32>
      %add3A_470 = arith.constant 32 : i32
      %add3A_471 = arith.addi %mul3A_454, %add3A_470 : i32
      %get3A_472 = arith.index_cast %add3A_471 : i32 to index
      %get3A_473 = tpu.vector_load %arg9[%get3A_472] {strides = array<i32>} : memref<16000xf32, #tpu.memory_space<vmem>>, vector<16xf32>,
      %get3A_474 = vector.shape_cast %get3A_473 : vector<16xf32> to vector<16xf32>
      %gt3A_475 = arith.cmpf ogt, %get3A_474, %scan3A_439 : vector<16xf32>
      %select_n3A_476 = arith.select %gt3A_475, %get3A_474, %scan3A_439 : vector<16xi1>, vector<16xf32>
      %select_n3A_477 = arith.select %gt3A_475, %broadcast_in_dim3A_456, %scan3A_447 : vector<16xi1>, vector<16xi32>
      %add3A_478 = arith.constant 48 : i32
      %add3A_479 = arith.addi %mul3A_454, %add3A_478 : i32
      %get3A_480 = arith.index_cast %add3A_479 : i32 to index
      %get3A_481 = tpu.vector_load %arg9[%get3A_480] {strides = array<i32>} : memref<16000xf32, #tpu.memory_space<vmem>>, vector<16xf32>,
      %get3A_482 = vector.shape_cast %get3A_481 : vector<16xf32> to vector<16xf32>
      %gt3A_483 = arith.cmpf ogt, %get3A_482, %scan3A_440 : vector<16xf32>
      %select_n3A_484 = arith.select %gt3A_483, %get3A_482, %scan3A_440 : vector<16xi1>, vector<16xf32>
      %select_n3A_485 = arith.select %gt3A_483, %broadcast_in_dim3A_456, %scan3A_448 : vector<16xi1>, vector<16xi32>
      %add3A_486 = arith.constant 64 : i32
      %add3A_487 = arith.addi %mul3A_454, %add3A_486 : i32
      %get3A_488 = arith.index_cast %add3A_487 : i32 to index
      %get3A_489 = tpu.vector_load %arg9[%get3A_488] {strides = array<i32>} : memref<16000xf32, #tpu.memory_space<vmem>>, vector<16xf32>,
      %get3A_490 = vector.shape_cast %get3A_489 : vector<16xf32> to vector<16xf32>
      %gt3A_491 = arith.cmpf ogt, %get3A_490, %scan3A_441 : vector<16xf32>
      %select_n3A_492 = arith.select %gt3A_491, %get3A_490, %scan3A_441 : vector<16xi1>, vector<16xf32>
      %select_n3A_493 = arith.select %gt3A_491, %broadcast_in_dim3A_456, %scan3A_449 : vector<16xi1>, vector<16xi32>
      %add3A_494 = arith.constant 80 : i32
      %add3A_495 = arith.addi %mul3A_454, %add3A_494 : i32
      %get3A_496 = arith.index_cast %add3A_495 : i32 to index
      %get3A_497 = tpu.vector_load %arg9[%get3A_496] {strides = array<i32>} : memref<16000xf32, #tpu.memory_space<vmem>>, vector<16xf32>,
      %get3A_498 = vector.shape_cast %get3A_497 : vector<16xf32> to vector<16xf32>
      %gt3A_499 = arith.cmpf ogt, %get3A_498, %scan3A_442 : vector<16xf32>
      %select_n3A_500 = arith.select %gt3A_499, %get3A_498, %scan3A_442 : vector<16xi1>, vector<16xf32>
      %select_n3A_501 = arith.select %gt3A_499, %broadcast_in_dim3A_456, %scan3A_450 : vector<16xi1>, vector<16xi32>
      %add3A_502 = arith.constant 96 : i32
      %add3A_503 = arith.addi %mul3A_454, %add3A_502 : i32
      %get3A_504 = arith.index_cast %add3A_503 : i32 to index
      %get3A_505 = tpu.vector_load %arg9[%get3A_504] {strides = array<i32>} : memref<16000xf32, #tpu.memory_space<vmem>>, vector<16xf32>,
      %get3A_506 = vector.shape_cast %get3A_505 : vector<16xf32> to vector<16xf32>
      %gt3A_507 = arith.cmpf ogt, %get3A_506, %scan3A_443 : vector<16xf32>
      %select_n3A_508 = arith.select %gt3A_507, %get3A_506, %scan3A_443 : vector<16xi1>, vector<16xf32>
      %select_n3A_509 = arith.select %gt3A_507, %broadcast_in_dim3A_456, %scan3A_451 : vector<16xi1>, vector<16xi32>
      %add3A_510 = arith.constant 112 : i32
      %add3A_511 = arith.addi %mul3A_454, %add3A_510 : i32
      %get3A_512 = arith.index_cast %add3A_511 : i32 to index
      %get3A_513 = tpu.vector_load %arg9[%get3A_512] {strides = array<i32>} : memref<16000xf32, #tpu.memory_space<vmem>>, vector<16xf32>,
      %get3A_514 = vector.shape_cast %get3A_513 : vector<16xf32> to vector<16xf32>
      %gt3A_515 = arith.cmpf ogt, %get3A_514, %scan3A_444 : vector<16xf32>
      %select_n3A_516 = arith.select %gt3A_515, %get3A_514, %scan3A_444 : vector<16xi1>, vector<16xf32>
      %select_n3A_517 = arith.select %gt3A_515, %broadcast_in_dim3A_456, %scan3A_452 : vector<16xi1>, vector<16xi32>
      scf.yield %select_n3A, %select_n3A_468, %select_n3A_476, %select_n3A_484, %select_n3A_492, %select_n3A_500, %select_n3A_508, %select_n3A_516, %select_n3A_461, %select_n3A_469, %select_n3A_477, %select_n3A_485, %select_n3A_493, %select_n3A_501, %select_n3A_509, %select_n3A_517 : vector<16xf32>, vector<16xf32>, vector<16xf32>, vector<16xf32>, vector<16xf32>, vector<16xf32>, vector<16xf32>, vector<16xf32>, vector<16xi32>, vector<16xi32>, vector<16xi32>, vector<16xi32>, vector<16xi32>, vector<16xi32>, vector<16xi32>, vector<16xi32>
    }
    %scan3A_150 = arith.constant 125 : i32
    %swap3A = arith.constant 0 : index
    %swap3A_151 = tpu.vector_load %arg10[%swap3A] {strides = array<i32>} : memref<128xf32, #tpu.memory_space<vmem>>, vector<16xf32>,
    %swap3A_152 = vector.shape_cast %swap3A_151 : vector<16xf32> to vector<16xf32>
    %swap3A_153 = vector.shape_cast %scan3A_149#0 : vector<16xf32> to vector<16xf32>
    tpu.vector_store %arg10[%swap3A], %swap3A_153 {strides = array<i32>} : memref<128xf32, #tpu.memory_space<vmem>>, vector<16xf32>,
    %swap3A_154 = arith.constant 0 : index
    %swap3A_155 = tpu.vector_load %arg11[%swap3A_154] {strides = array<i32>} : memref<128xi32, #tpu.memory_space<vmem>>, vector<16xi32>,
    %swap3A_156 = vector.shape_cast %swap3A_155 : vector<16xi32> to vector<16xi32>
    %swap3A_157 = vector.shape_cast %scan3A_149#8 : vector<16xi32> to vector<16xi32>
    tpu.vector_store %arg11[%swap3A_154], %swap3A_157 {strides = array<i32>} : memref<128xi32, #tpu.memory_space<vmem>>, vector<16xi32>,
    %swap3A_158 = arith.constant 16 : index
    %swap3A_159 = tpu.vector_load %arg10[%swap3A_158] {strides = array<i32>} : memref<128xf32, #tpu.memory_space<vmem>>, vector<16xf32>,
    %swap3A_160 = vector.shape_cast %swap3A_159 : vector<16xf32> to vector<16xf32>
    %swap3A_161 = vector.shape_cast %scan3A_149#1 : vector<16xf32> to vector<16xf32>
    tpu.vector_store %arg10[%swap3A_158], %swap3A_161 {strides = array<i32>} : memref<128xf32, #tpu.memory_space<vmem>>, vector<16xf32>,
    %swap3A_162 = arith.constant 16 : index
    %swap3A_163 = tpu.vector_load %arg11[%swap3A_162] {strides = array<i32>} : memref<128xi32, #tpu.memory_space<vmem>>, vector<16xi32>,
    %swap3A_164 = vector.shape_cast %swap3A_163 : vector<16xi32> to vector<16xi32>
    %swap3A_165 = vector.shape_cast %scan3A_149#9 : vector<16xi32> to vector<16xi32>
    tpu.vector_store %arg11[%swap3A_162], %swap3A_165 {strides = array<i32>} : memref<128xi32, #tpu.memory_space<vmem>>, vector<16xi32>,
    %swap3A_166 = arith.constant 32 : index
    %swap3A_167 = tpu.vector_load %arg10[%swap3A_166] {strides = array<i32>} : memref<128xf32, #tpu.memory_space<vmem>>, vector<16xf32>,
    %swap3A_168 = vector.shape_cast %swap3A_167 : vector<16xf32> to vector<16xf32>
    %swap3A_169 = vector.shape_cast %scan3A_149#2 : vector<16xf32> to vector<16xf32>
    tpu.vector_store %arg10[%swap3A_166], %swap3A_169 {strides = array<i32>} : memref<128xf32, #tpu.memory_space<vmem>>, vector<16xf32>,
    %swap3A_170 = arith.constant 32 : index
    %swap3A_171 = tpu.vector_load %arg11[%swap3A_170] {strides = array<i32>} : memref<128xi32, #tpu.memory_space<vmem>>, vector<16xi32>,
    %swap3A_172 = vector.shape_cast %swap3A_171 : vector<16xi32> to vector<16xi32>
    %swap3A_173 = vector.shape_cast %scan3A_149#10 : vector<16xi32> to vector<16xi32>
    tpu.vector_store %arg11[%swap3A_170], %swap3A_173 {strides = array<i32>} : memref<128xi32, #tpu.memory_space<vmem>>, vector<16xi32>,
    %swap3A_174 = arith.constant 48 : index
    %swap3A_175 = tpu.vector_load %arg10[%swap3A_174] {strides = array<i32>} : memref<128xf32, #tpu.memory_space<vmem>>, vector<16xf32>,
    %swap3A_176 = vector.shape_cast %swap3A_175 : vector<16xf32> to vector<16xf32>
    %swap3A_177 = vector.shape_cast %scan3A_149#3 : vector<16xf32> to vector<16xf32>
    tpu.vector_store %arg10[%swap3A_174], %swap3A_177 {strides = array<i32>} : memref<128xf32, #tpu.memory_space<vmem>>, vector<16xf32>,
    %swap3A_178 = arith.constant 48 : index
    %swap3A_179 = tpu.vector_load %arg11[%swap3A_178] {strides = array<i32>} : memref<128xi32, #tpu.memory_space<vmem>>, vector<16xi32>,
    %swap3A_180 = vector.shape_cast %swap3A_179 : vector<16xi32> to vector<16xi32>
    %swap3A_181 = vector.shape_cast %scan3A_149#11 : vector<16xi32> to vector<16xi32>
    tpu.vector_store %arg11[%swap3A_178], %swap3A_181 {strides = array<i32>} : memref<128xi32, #tpu.memory_space<vmem>>, vector<16xi32>,
    %swap3A_182 = arith.constant 64 : index
    %swap3A_183 = tpu.vector_load %arg10[%swap3A_182] {strides = array<i32>} : memref<128xf32, #tpu.memory_space<vmem>>, vector<16xf32>,
    %swap3A_184 = vector.shape_cast %swap3A_183 : vector<16xf32> to vector<16xf32>
    %swap3A_185 = vector.shape_cast %scan3A_149#4 : vector<16xf32> to vector<16xf32>
    tpu.vector_store %arg10[%swap3A_182], %swap3A_185 {strides = array<i32>} : memref<128xf32, #tpu.memory_space<vmem>>, vector<16xf32>,
    %swap3A_186 = arith.constant 64 : index
    %swap3A_187 = tpu.vector_load %arg11[%swap3A_186] {strides = array<i32>} : memref<128xi32, #tpu.memory_space<vmem>>, vector<16xi32>,
    %swap3A_188 = vector.shape_cast %swap3A_187 : vector<16xi32> to vector<16xi32>
    %swap3A_189 = vector.shape_cast %scan3A_149#12 : vector<16xi32> to vector<16xi32>
    tpu.vector_store %arg11[%swap3A_186], %swap3A_189 {strides = array<i32>} : memref<128xi32, #tpu.memory_space<vmem>>, vector<16xi32>,
    %swap3A_190 = arith.constant 80 : index
    %swap3A_191 = tpu.vector_load %arg10[%swap3A_190] {strides = array<i32>} : memref<128xf32, #tpu.memory_space<vmem>>, vector<16xf32>,
    %swap3A_192 = vector.shape_cast %swap3A_191 : vector<16xf32> to vector<16xf32>
    %swap3A_193 = vector.shape_cast %scan3A_149#5 : vector<16xf32> to vector<16xf32>
    tpu.vector_store %arg10[%swap3A_190], %swap3A_193 {strides = array<i32>} : memref<128xf32, #tpu.memory_space<vmem>>, vector<16xf32>,
    %swap3A_194 = arith.constant 80 : index
    %swap3A_195 = tpu.vector_load %arg11[%swap3A_194] {strides = array<i32>} : memref<128xi32, #tpu.memory_space<vmem>>, vector<16xi32>,
    %swap3A_196 = vector.shape_cast %swap3A_195 : vector<16xi32> to vector<16xi32>
    %swap3A_197 = vector.shape_cast %scan3A_149#13 : vector<16xi32> to vector<16xi32>
    tpu.vector_store %arg11[%swap3A_194], %swap3A_197 {strides = array<i32>} : memref<128xi32, #tpu.memory_space<vmem>>, vector<16xi32>,
    %swap3A_198 = arith.constant 96 : index
    %swap3A_199 = tpu.vector_load %arg10[%swap3A_198] {strides = array<i32>} : memref<128xf32, #tpu.memory_space<vmem>>, vector<16xf32>,
    %swap3A_200 = vector.shape_cast %swap3A_199 : vector<16xf32> to vector<16xf32>
    %swap3A_201 = vector.shape_cast %scan3A_149#6 : vector<16xf32> to vector<16xf32>
    tpu.vector_store %arg10[%swap3A_198], %swap3A_201 {strides = array<i32>} : memref<128xf32, #tpu.memory_space<vmem>>, vector<16xf32>,
    %swap3A_202 = arith.constant 96 : index
    %swap3A_203 = tpu.vector_load %arg11[%swap3A_202] {strides = array<i32>} : memref<128xi32, #tpu.memory_space<vmem>>, vector<16xi32>,
    %swap3A_204 = vector.shape_cast %swap3A_203 : vector<16xi32> to vector<16xi32>
    %swap3A_205 = vector.shape_cast %scan3A_149#14 : vector<16xi32> to vector<16xi32>
    tpu.vector_store %arg11[%swap3A_202], %swap3A_205 {strides = array<i32>} : memref<128xi32, #tpu.memory_space<vmem>>, vector<16xi32>,
    %swap3A_206 = arith.constant 112 : index
    %swap3A_207 = tpu.vector_load %arg10[%swap3A_206] {strides = array<i32>} : memref<128xf32, #tpu.memory_space<vmem>>, vector<16xf32>,
    %swap3A_208 = vector.shape_cast %swap3A_207 : vector<16xf32> to vector<16xf32>
    %swap3A_209 = vector.shape_cast %scan3A_149#7 : vector<16xf32> to vector<16xf32>
    tpu.vector_store %arg10[%swap3A_206], %swap3A_209 {strides = array<i32>} : memref<128xf32, #tpu.memory_space<vmem>>, vector<16xf32>,
    %swap3A_210 = arith.constant 112 : index
    %swap3A_211 = tpu.vector_load %arg11[%swap3A_210] {strides = array<i32>} : memref<128xi32, #tpu.memory_space<vmem>>, vector<16xi32>,
    %swap3A_212 = vector.shape_cast %swap3A_211 : vector<16xi32> to vector<16xi32>
    %swap3A_213 = vector.shape_cast %scan3A_149#15 : vector<16xi32> to vector<16xi32>
    tpu.vector_store %arg11[%swap3A_210], %swap3A_213 {strides = array<i32>} : memref<128xi32, #tpu.memory_space<vmem>>, vector<16xi32>,
    %mul3A_214 = arith.constant 128 : i32
    %mul3A_215 = arith.muli %add3A, %mul3A_214 : i32
    "tpu.region"() ({
      %run_scoped3A = tpu.sem_alloc : memref<!tpu.dma_semaphore, #tpu.memory_space<semaphore_mem>>
      %dma_start3A_436 = tpu.memref_slice %arg4[%mul3A_215] : memref<4096xf32, #tpu.memory_space<hbm>> -> memref<128xf32, #tpu.memory_space<hbm>>
      %dma_start3A_437 = tpu.memref_slice %arg4[%mul3A_215] : memref<4096xf32, #tpu.memory_space<hbm>> -> memref<128xf32, #tpu.memory_space<hbm>>
      tpu.enqueue_dma source(%arg10 : memref<128xf32, #tpu.memory_space<vmem>>) target(%dma_start3A_437 : memref<128xf32, #tpu.memory_space<hbm>>) target_semaphore(%run_scoped3A : memref<!tpu.dma_semaphore, #tpu.memory_space<semaphore_mem>>)
      %dma_wait3A_438 = tpu.memref_slice %arg4[%mul3A_215] : memref<4096xf32, #tpu.memory_space<hbm>> -> memref<128xf32, #tpu.memory_space<hbm>>
      %dma_wait3A_439 = tpu.memref_slice %arg4[%mul3A_215] : memref<4096xf32, #tpu.memory_space<hbm>> -> memref<128xf32, #tpu.memory_space<hbm>>
      tpu.wait_dma2 semaphore(%run_scoped3A : memref<!tpu.dma_semaphore, #tpu.memory_space<semaphore_mem>>) src(%arg10 : memref<128xf32, #tpu.memory_space<vmem>>) dst(%dma_wait3A_439 : memref<128xf32, #tpu.memory_space<hbm>>)
      tpu.yield
    }) : () -> ()
    %mul3A_216 = arith.constant 128 : i32
    %mul3A_217 = arith.muli %add3A, %mul3A_216 : i32
    "tpu.region"() ({
      %run_scoped3A = tpu.sem_alloc : memref<!tpu.dma_semaphore, #tpu.memory_space<semaphore_mem>>
      %dma_start3A_436 = tpu.memref_slice %arg5[%mul3A_217] : memref<4096xi32, #tpu.memory_space<hbm>> -> memref<128xi32, #tpu.memory_space<hbm>>
      %dma_start3A_437 = tpu.memref_slice %arg5[%mul3A_217] : memref<4096xi32, #tpu.memory_space<hbm>> -> memref<128xi32, #tpu.memory_space<hbm>>
      tpu.enqueue_dma source(%arg11 : memref<128xi32, #tpu.memory_space<vmem>>) target(%dma_start3A_437 : memref<128xi32, #tpu.memory_space<hbm>>) target_semaphore(%run_scoped3A : memref<!tpu.dma_semaphore, #tpu.memory_space<semaphore_mem>>)
      %dma_wait3A_438 = tpu.memref_slice %arg5[%mul3A_217] : memref<4096xi32, #tpu.memory_space<hbm>> -> memref<128xi32, #tpu.memory_space<hbm>>
      %dma_wait3A_439 = tpu.memref_slice %arg5[%mul3A_217] : memref<4096xi32, #tpu.memory_space<hbm>> -> memref<128xi32, #tpu.memory_space<hbm>>
      tpu.wait_dma2 semaphore(%run_scoped3A : memref<!tpu.dma_semaphore, #tpu.memory_space<semaphore_mem>>) src(%arg11 : memref<128xi32, #tpu.memory_space<vmem>>) dst(%dma_wait3A_439 : memref<128xi32, #tpu.memory_space<hbm>>)
      tpu.yield
    }) : () -> ()
    %mul3A_218 = arith.constant 128 : i32
    %mul3A_219 = arith.muli %add3A_4, %mul3A_218 : i32
    %dma_start3A_220 = tpu.memref_slice %arg3[%mul3A_219] : memref<12800000xf32, #tpu.memory_space<hbm>> -> memref<16000xf32, #tpu.memory_space<hbm>>
    %dma_start3A_221 = tpu.memref_slice %arg3[%mul3A_219] : memref<12800000xf32, #tpu.memory_space<hbm>> -> memref<16000xf32, #tpu.memory_space<hbm>>
    tpu.enqueue_dma source(%dma_start3A_221 : memref<16000xf32, #tpu.memory_space<hbm>>) target(%arg8 : memref<16000xf32, #tpu.memory_space<vmem>>) target_semaphore(%arg12 : memref<!tpu.dma_semaphore, #tpu.memory_space<semaphore_mem>>)
    %broadcast_in_dim3A_222 = arith.constant -1.000000e+00 : f32
    %broadcast_in_dim3A_223 = vector.broadcast %broadcast_in_dim3A_222 : f32 to vector<16xf32>
    %broadcast_in_dim3A_224 = arith.constant -1.000000e+00 : f32
    %broadcast_in_dim3A_225 = vector.broadcast %broadcast_in_dim3A_224 : f32 to vector<16xf32>
    %broadcast_in_dim3A_226 = arith.constant -1.000000e+00 : f32
    %broadcast_in_dim3A_227 = vector.broadcast %broadcast_in_dim3A_226 : f32 to vector<16xf32>
    %broadcast_in_dim3A_228 = arith.constant -1.000000e+00 : f32
    %broadcast_in_dim3A_229 = vector.broadcast %broadcast_in_dim3A_228 : f32 to vector<16xf32>
    %broadcast_in_dim3A_230 = arith.constant -1.000000e+00 : f32
    %broadcast_in_dim3A_231 = vector.broadcast %broadcast_in_dim3A_230 : f32 to vector<16xf32>
    %broadcast_in_dim3A_232 = arith.constant -1.000000e+00 : f32
    %broadcast_in_dim3A_233 = vector.broadcast %broadcast_in_dim3A_232 : f32 to vector<16xf32>
    %broadcast_in_dim3A_234 = arith.constant -1.000000e+00 : f32
    %broadcast_in_dim3A_235 = vector.broadcast %broadcast_in_dim3A_234 : f32 to vector<16xf32>
    %broadcast_in_dim3A_236 = arith.constant -1.000000e+00 : f32
    %broadcast_in_dim3A_237 = vector.broadcast %broadcast_in_dim3A_236 : f32 to vector<16xf32>
    %broadcast_in_dim3A_238 = arith.constant 0 : i32
    %broadcast_in_dim3A_239 = vector.broadcast %broadcast_in_dim3A_238 : i32 to vector<16xi32>
    %broadcast_in_dim3A_240 = arith.constant 0 : i32
    %broadcast_in_dim3A_241 = vector.broadcast %broadcast_in_dim3A_240 : i32 to vector<16xi32>
    %broadcast_in_dim3A_242 = arith.constant 0 : i32
    %broadcast_in_dim3A_243 = vector.broadcast %broadcast_in_dim3A_242 : i32 to vector<16xi32>
    %broadcast_in_dim3A_244 = arith.constant 0 : i32
    %broadcast_in_dim3A_245 = vector.broadcast %broadcast_in_dim3A_244 : i32 to vector<16xi32>
    %broadcast_in_dim3A_246 = arith.constant 0 : i32
    %broadcast_in_dim3A_247 = vector.broadcast %broadcast_in_dim3A_246 : i32 to vector<16xi32>
    %broadcast_in_dim3A_248 = arith.constant 0 : i32
    %broadcast_in_dim3A_249 = vector.broadcast %broadcast_in_dim3A_248 : i32 to vector<16xi32>
    %broadcast_in_dim3A_250 = arith.constant 0 : i32
    %broadcast_in_dim3A_251 = vector.broadcast %broadcast_in_dim3A_250 : i32 to vector<16xi32>
    %broadcast_in_dim3A_252 = arith.constant 0 : i32
    %broadcast_in_dim3A_253 = vector.broadcast %broadcast_in_dim3A_252 : i32 to vector<16xi32>
    %add3A_254 = arith.constant 125 : i32
    %add3A_255 = arith.addi %add3A_4, %add3A_254 : i32
    %mul3A_256 = arith.constant 128 : i32
    %mul3A_257 = arith.muli %add3A_255, %mul3A_256 : i32
    %dma_start3A_258 = tpu.memref_slice %arg3[%mul3A_257] : memref<12800000xf32, #tpu.memory_space<hbm>> -> memref<16000xf32, #tpu.memory_space<hbm>>
    %dma_start3A_259 = tpu.memref_slice %arg3[%mul3A_257] : memref<12800000xf32, #tpu.memory_space<hbm>> -> memref<16000xf32, #tpu.memory_space<hbm>>
    tpu.enqueue_dma source(%dma_start3A_259 : memref<16000xf32, #tpu.memory_space<hbm>>) target(%arg9 : memref<16000xf32, #tpu.memory_space<vmem>>) target_semaphore(%arg13 : memref<!tpu.dma_semaphore, #tpu.memory_space<semaphore_mem>>)
    %add3A_260 = arith.constant 0 : i32
    %add3A_261 = arith.addi %add3A_4, %add3A_260 : i32
    %mul3A_262 = arith.constant 128 : i32
    %mul3A_263 = arith.muli %add3A_261, %mul3A_262 : i32
    %dma_wait3A_264 = tpu.memref_slice %arg3[%mul3A_263] : memref<12800000xf32, #tpu.memory_space<hbm>> -> memref<16000xf32, #tpu.memory_space<hbm>>
    %dma_wait3A_265 = tpu.memref_slice %arg3[%mul3A_263] : memref<12800000xf32, #tpu.memory_space<hbm>> -> memref<16000xf32, #tpu.memory_space<hbm>>
    tpu.wait_dma2 semaphore(%arg12 : memref<!tpu.dma_semaphore, #tpu.memory_space<semaphore_mem>>) src(%dma_wait3A_265 : memref<16000xf32, #tpu.memory_space<hbm>>) dst(%arg8 : memref<16000xf32, #tpu.memory_space<vmem>>)
    %add3A_266 = arith.constant 0 : i32
    %add3A_267 = arith.addi %add3A_4, %add3A_266 : i32
    %scan3A_268 = arith.constant 0 : i32
    %scan3A_269 = arith.constant 125 : i32
    %scan3A_270 = arith.addi %scan3A_268, %scan3A_269 : i32
    %scan3A_271 = arith.constant 1 : i32
    %scan3A_272:16 = scf.for %scan3A_436 = %scan3A_268 to %scan3A_270 step %scan3A_271 iter_args(%scan3A_437 = %broadcast_in_dim3A_223, %scan3A_438 = %broadcast_in_dim3A_225, %scan3A_439 = %broadcast_in_dim3A_227, %scan3A_440 = %broadcast_in_dim3A_229, %scan3A_441 = %broadcast_in_dim3A_231, %scan3A_442 = %broadcast_in_dim3A_233, %scan3A_443 = %broadcast_in_dim3A_235, %scan3A_444 = %broadcast_in_dim3A_237, %scan3A_445 = %broadcast_in_dim3A_239, %scan3A_446 = %broadcast_in_dim3A_241, %scan3A_447 = %broadcast_in_dim3A_243, %scan3A_448 = %broadcast_in_dim3A_245, %scan3A_449 = %broadcast_in_dim3A_247, %scan3A_450 = %broadcast_in_dim3A_249, %scan3A_451 = %broadcast_in_dim3A_251, %scan3A_452 = %broadcast_in_dim3A_253) -> (vector<16xf32>, vector<16xf32>, vector<16xf32>, vector<16xf32>, vector<16xf32>, vector<16xf32>, vector<16xf32>, vector<16xf32>, vector<16xi32>, vector<16xi32>, vector<16xi32>, vector<16xi32>, vector<16xi32>, vector<16xi32>, vector<16xi32>, vector<16xi32>)  : i32 {
      %mul3A_453 = arith.constant 128 : i32
      %mul3A_454 = arith.muli %scan3A_436, %mul3A_453 : i32
      %add3A_455 = arith.addi %add3A_267, %scan3A_436 : i32
      %broadcast_in_dim3A_456 = vector.broadcast %add3A_455 : i32 to vector<16xi32>
      %add3A_457 = arith.constant 0 : i32
      %add3A_458 = arith.addi %mul3A_454, %add3A_457 : i32
      %get3A = arith.index_cast %add3A_458 : i32 to index
      %get3A_459 = tpu.vector_load %arg8[%get3A] {strides = array<i32>} : memref<16000xf32, #tpu.memory_space<vmem>>, vector<16xf32>,
      %get3A_460 = vector.shape_cast %get3A_459 : vector<16xf32> to vector<16xf32>
      %gt3A = arith.cmpf ogt, %get3A_460, %scan3A_437 : vector<16xf32>
      %select_n3A = arith.select %gt3A, %get3A_460, %scan3A_437 : vector<16xi1>, vector<16xf32>
      %select_n3A_461 = arith.select %gt3A, %broadcast_in_dim3A_456, %scan3A_445 : vector<16xi1>, vector<16xi32>
      %add3A_462 = arith.constant 16 : i32
      %add3A_463 = arith.addi %mul3A_454, %add3A_462 : i32
      %get3A_464 = arith.index_cast %add3A_463 : i32 to index
      %get3A_465 = tpu.vector_load %arg8[%get3A_464] {strides = array<i32>} : memref<16000xf32, #tpu.memory_space<vmem>>, vector<16xf32>,
      %get3A_466 = vector.shape_cast %get3A_465 : vector<16xf32> to vector<16xf32>
      %gt3A_467 = arith.cmpf ogt, %get3A_466, %scan3A_438 : vector<16xf32>
      %select_n3A_468 = arith.select %gt3A_467, %get3A_466, %scan3A_438 : vector<16xi1>, vector<16xf32>
      %select_n3A_469 = arith.select %gt3A_467, %broadcast_in_dim3A_456, %scan3A_446 : vector<16xi1>, vector<16xi32>
      %add3A_470 = arith.constant 32 : i32
      %add3A_471 = arith.addi %mul3A_454, %add3A_470 : i32
      %get3A_472 = arith.index_cast %add3A_471 : i32 to index
      %get3A_473 = tpu.vector_load %arg8[%get3A_472] {strides = array<i32>} : memref<16000xf32, #tpu.memory_space<vmem>>, vector<16xf32>,
      %get3A_474 = vector.shape_cast %get3A_473 : vector<16xf32> to vector<16xf32>
      %gt3A_475 = arith.cmpf ogt, %get3A_474, %scan3A_439 : vector<16xf32>
      %select_n3A_476 = arith.select %gt3A_475, %get3A_474, %scan3A_439 : vector<16xi1>, vector<16xf32>
      %select_n3A_477 = arith.select %gt3A_475, %broadcast_in_dim3A_456, %scan3A_447 : vector<16xi1>, vector<16xi32>
      %add3A_478 = arith.constant 48 : i32
      %add3A_479 = arith.addi %mul3A_454, %add3A_478 : i32
      %get3A_480 = arith.index_cast %add3A_479 : i32 to index
      %get3A_481 = tpu.vector_load %arg8[%get3A_480] {strides = array<i32>} : memref<16000xf32, #tpu.memory_space<vmem>>, vector<16xf32>,
      %get3A_482 = vector.shape_cast %get3A_481 : vector<16xf32> to vector<16xf32>
      %gt3A_483 = arith.cmpf ogt, %get3A_482, %scan3A_440 : vector<16xf32>
      %select_n3A_484 = arith.select %gt3A_483, %get3A_482, %scan3A_440 : vector<16xi1>, vector<16xf32>
      %select_n3A_485 = arith.select %gt3A_483, %broadcast_in_dim3A_456, %scan3A_448 : vector<16xi1>, vector<16xi32>
      %add3A_486 = arith.constant 64 : i32
      %add3A_487 = arith.addi %mul3A_454, %add3A_486 : i32
      %get3A_488 = arith.index_cast %add3A_487 : i32 to index
      %get3A_489 = tpu.vector_load %arg8[%get3A_488] {strides = array<i32>} : memref<16000xf32, #tpu.memory_space<vmem>>, vector<16xf32>,
      %get3A_490 = vector.shape_cast %get3A_489 : vector<16xf32> to vector<16xf32>
      %gt3A_491 = arith.cmpf ogt, %get3A_490, %scan3A_441 : vector<16xf32>
      %select_n3A_492 = arith.select %gt3A_491, %get3A_490, %scan3A_441 : vector<16xi1>, vector<16xf32>
      %select_n3A_493 = arith.select %gt3A_491, %broadcast_in_dim3A_456, %scan3A_449 : vector<16xi1>, vector<16xi32>
      %add3A_494 = arith.constant 80 : i32
      %add3A_495 = arith.addi %mul3A_454, %add3A_494 : i32
      %get3A_496 = arith.index_cast %add3A_495 : i32 to index
      %get3A_497 = tpu.vector_load %arg8[%get3A_496] {strides = array<i32>} : memref<16000xf32, #tpu.memory_space<vmem>>, vector<16xf32>,
      %get3A_498 = vector.shape_cast %get3A_497 : vector<16xf32> to vector<16xf32>
      %gt3A_499 = arith.cmpf ogt, %get3A_498, %scan3A_442 : vector<16xf32>
      %select_n3A_500 = arith.select %gt3A_499, %get3A_498, %scan3A_442 : vector<16xi1>, vector<16xf32>
      %select_n3A_501 = arith.select %gt3A_499, %broadcast_in_dim3A_456, %scan3A_450 : vector<16xi1>, vector<16xi32>
      %add3A_502 = arith.constant 96 : i32
      %add3A_503 = arith.addi %mul3A_454, %add3A_502 : i32
      %get3A_504 = arith.index_cast %add3A_503 : i32 to index
      %get3A_505 = tpu.vector_load %arg8[%get3A_504] {strides = array<i32>} : memref<16000xf32, #tpu.memory_space<vmem>>, vector<16xf32>,
      %get3A_506 = vector.shape_cast %get3A_505 : vector<16xf32> to vector<16xf32>
      %gt3A_507 = arith.cmpf ogt, %get3A_506, %scan3A_443 : vector<16xf32>
      %select_n3A_508 = arith.select %gt3A_507, %get3A_506, %scan3A_443 : vector<16xi1>, vector<16xf32>
      %select_n3A_509 = arith.select %gt3A_507, %broadcast_in_dim3A_456, %scan3A_451 : vector<16xi1>, vector<16xi32>
      %add3A_510 = arith.constant 112 : i32
      %add3A_511 = arith.addi %mul3A_454, %add3A_510 : i32
      %get3A_512 = arith.index_cast %add3A_511 : i32 to index
      %get3A_513 = tpu.vector_load %arg8[%get3A_512] {strides = array<i32>} : memref<16000xf32, #tpu.memory_space<vmem>>, vector<16xf32>,
      %get3A_514 = vector.shape_cast %get3A_513 : vector<16xf32> to vector<16xf32>
      %gt3A_515 = arith.cmpf ogt, %get3A_514, %scan3A_444 : vector<16xf32>
      %select_n3A_516 = arith.select %gt3A_515, %get3A_514, %scan3A_444 : vector<16xi1>, vector<16xf32>
      %select_n3A_517 = arith.select %gt3A_515, %broadcast_in_dim3A_456, %scan3A_452 : vector<16xi1>, vector<16xi32>
      scf.yield %select_n3A, %select_n3A_468, %select_n3A_476, %select_n3A_484, %select_n3A_492, %select_n3A_500, %select_n3A_508, %select_n3A_516, %select_n3A_461, %select_n3A_469, %select_n3A_477, %select_n3A_485, %select_n3A_493, %select_n3A_501, %select_n3A_509, %select_n3A_517 : vector<16xf32>, vector<16xf32>, vector<16xf32>, vector<16xf32>, vector<16xf32>, vector<16xf32>, vector<16xf32>, vector<16xf32>, vector<16xi32>, vector<16xi32>, vector<16xi32>, vector<16xi32>, vector<16xi32>, vector<16xi32>, vector<16xi32>, vector<16xi32>
    }
    %scan3A_273 = arith.constant 125 : i32
    %add3A_274 = arith.constant 250 : i32
    %add3A_275 = arith.addi %add3A_4, %add3A_274 : i32
    %mul3A_276 = arith.constant 128 : i32
    %mul3A_277 = arith.muli %add3A_275, %mul3A_276 : i32
    %dma_start3A_278 = tpu.memref_slice %arg3[%mul3A_277] : memref<12800000xf32, #tpu.memory_space<hbm>> -> memref<16000xf32, #tpu.memory_space<hbm>>
    %dma_start3A_279 = tpu.memref_slice %arg3[%mul3A_277] : memref<12800000xf32, #tpu.memory_space<hbm>> -> memref<16000xf32, #tpu.memory_space<hbm>>
    tpu.enqueue_dma source(%dma_start3A_279 : memref<16000xf32, #tpu.memory_space<hbm>>) target(%arg8 : memref<16000xf32, #tpu.memory_space<vmem>>) target_semaphore(%arg12 : memref<!tpu.dma_semaphore, #tpu.memory_space<semaphore_mem>>)
    %add3A_280 = arith.constant 125 : i32
    %add3A_281 = arith.addi %add3A_4, %add3A_280 : i32
    %mul3A_282 = arith.constant 128 : i32
    %mul3A_283 = arith.muli %add3A_281, %mul3A_282 : i32
    %dma_wait3A_284 = tpu.memref_slice %arg3[%mul3A_283] : memref<12800000xf32, #tpu.memory_space<hbm>> -> memref<16000xf32, #tpu.memory_space<hbm>>
    %dma_wait3A_285 = tpu.memref_slice %arg3[%mul3A_283] : memref<12800000xf32, #tpu.memory_space<hbm>> -> memref<16000xf32, #tpu.memory_space<hbm>>
    tpu.wait_dma2 semaphore(%arg13 : memref<!tpu.dma_semaphore, #tpu.memory_space<semaphore_mem>>) src(%dma_wait3A_285 : memref<16000xf32, #tpu.memory_space<hbm>>) dst(%arg9 : memref<16000xf32, #tpu.memory_space<vmem>>)
    %add3A_286 = arith.constant 125 : i32
    %add3A_287 = arith.addi %add3A_4, %add3A_286 : i32
    %scan3A_288 = arith.constant 0 : i32
    %scan3A_289 = arith.constant 125 : i32
    %scan3A_290 = arith.addi %scan3A_288, %scan3A_289 : i32
    %scan3A_291 = arith.constant 1 : i32
    %scan3A_292:16 = scf.for %scan3A_436 = %scan3A_288 to %scan3A_290 step %scan3A_291 iter_args(%scan3A_437 = %scan3A_272#0, %scan3A_438 = %scan3A_272#1, %scan3A_439 = %scan3A_272#2, %scan3A_440 = %scan3A_272#3, %scan3A_441 = %scan3A_272#4, %scan3A_442 = %scan3A_272#5, %scan3A_443 = %scan3A_272#6, %scan3A_444 = %scan3A_272#7, %scan3A_445 = %scan3A_272#8, %scan3A_446 = %scan3A_272#9, %scan3A_447 = %scan3A_272#10, %scan3A_448 = %scan3A_272#11, %scan3A_449 = %scan3A_272#12, %scan3A_450 = %scan3A_272#13, %scan3A_451 = %scan3A_272#14, %scan3A_452 = %scan3A_272#15) -> (vector<16xf32>, vector<16xf32>, vector<16xf32>, vector<16xf32>, vector<16xf32>, vector<16xf32>, vector<16xf32>, vector<16xf32>, vector<16xi32>, vector<16xi32>, vector<16xi32>, vector<16xi32>, vector<16xi32>, vector<16xi32>, vector<16xi32>, vector<16xi32>)  : i32 {
      %mul3A_453 = arith.constant 128 : i32
      %mul3A_454 = arith.muli %scan3A_436, %mul3A_453 : i32
      %add3A_455 = arith.addi %add3A_287, %scan3A_436 : i32
      %broadcast_in_dim3A_456 = vector.broadcast %add3A_455 : i32 to vector<16xi32>
      %add3A_457 = arith.constant 0 : i32
      %add3A_458 = arith.addi %mul3A_454, %add3A_457 : i32
      %get3A = arith.index_cast %add3A_458 : i32 to index
      %get3A_459 = tpu.vector_load %arg9[%get3A] {strides = array<i32>} : memref<16000xf32, #tpu.memory_space<vmem>>, vector<16xf32>,
      %get3A_460 = vector.shape_cast %get3A_459 : vector<16xf32> to vector<16xf32>
      %gt3A = arith.cmpf ogt, %get3A_460, %scan3A_437 : vector<16xf32>
      %select_n3A = arith.select %gt3A, %get3A_460, %scan3A_437 : vector<16xi1>, vector<16xf32>
      %select_n3A_461 = arith.select %gt3A, %broadcast_in_dim3A_456, %scan3A_445 : vector<16xi1>, vector<16xi32>
      %add3A_462 = arith.constant 16 : i32
      %add3A_463 = arith.addi %mul3A_454, %add3A_462 : i32
      %get3A_464 = arith.index_cast %add3A_463 : i32 to index
      %get3A_465 = tpu.vector_load %arg9[%get3A_464] {strides = array<i32>} : memref<16000xf32, #tpu.memory_space<vmem>>, vector<16xf32>,
      %get3A_466 = vector.shape_cast %get3A_465 : vector<16xf32> to vector<16xf32>
      %gt3A_467 = arith.cmpf ogt, %get3A_466, %scan3A_438 : vector<16xf32>
      %select_n3A_468 = arith.select %gt3A_467, %get3A_466, %scan3A_438 : vector<16xi1>, vector<16xf32>
      %select_n3A_469 = arith.select %gt3A_467, %broadcast_in_dim3A_456, %scan3A_446 : vector<16xi1>, vector<16xi32>
      %add3A_470 = arith.constant 32 : i32
      %add3A_471 = arith.addi %mul3A_454, %add3A_470 : i32
      %get3A_472 = arith.index_cast %add3A_471 : i32 to index
      %get3A_473 = tpu.vector_load %arg9[%get3A_472] {strides = array<i32>} : memref<16000xf32, #tpu.memory_space<vmem>>, vector<16xf32>,
      %get3A_474 = vector.shape_cast %get3A_473 : vector<16xf32> to vector<16xf32>
      %gt3A_475 = arith.cmpf ogt, %get3A_474, %scan3A_439 : vector<16xf32>
      %select_n3A_476 = arith.select %gt3A_475, %get3A_474, %scan3A_439 : vector<16xi1>, vector<16xf32>
      %select_n3A_477 = arith.select %gt3A_475, %broadcast_in_dim3A_456, %scan3A_447 : vector<16xi1>, vector<16xi32>
      %add3A_478 = arith.constant 48 : i32
      %add3A_479 = arith.addi %mul3A_454, %add3A_478 : i32
      %get3A_480 = arith.index_cast %add3A_479 : i32 to index
      %get3A_481 = tpu.vector_load %arg9[%get3A_480] {strides = array<i32>} : memref<16000xf32, #tpu.memory_space<vmem>>, vector<16xf32>,
      %get3A_482 = vector.shape_cast %get3A_481 : vector<16xf32> to vector<16xf32>
      %gt3A_483 = arith.cmpf ogt, %get3A_482, %scan3A_440 : vector<16xf32>
      %select_n3A_484 = arith.select %gt3A_483, %get3A_482, %scan3A_440 : vector<16xi1>, vector<16xf32>
      %select_n3A_485 = arith.select %gt3A_483, %broadcast_in_dim3A_456, %scan3A_448 : vector<16xi1>, vector<16xi32>
      %add3A_486 = arith.constant 64 : i32
      %add3A_487 = arith.addi %mul3A_454, %add3A_486 : i32
      %get3A_488 = arith.index_cast %add3A_487 : i32 to index
      %get3A_489 = tpu.vector_load %arg9[%get3A_488] {strides = array<i32>} : memref<16000xf32, #tpu.memory_space<vmem>>, vector<16xf32>,
      %get3A_490 = vector.shape_cast %get3A_489 : vector<16xf32> to vector<16xf32>
      %gt3A_491 = arith.cmpf ogt, %get3A_490, %scan3A_441 : vector<16xf32>
      %select_n3A_492 = arith.select %gt3A_491, %get3A_490, %scan3A_441 : vector<16xi1>, vector<16xf32>
      %select_n3A_493 = arith.select %gt3A_491, %broadcast_in_dim3A_456, %scan3A_449 : vector<16xi1>, vector<16xi32>
      %add3A_494 = arith.constant 80 : i32
      %add3A_495 = arith.addi %mul3A_454, %add3A_494 : i32
      %get3A_496 = arith.index_cast %add3A_495 : i32 to index
      %get3A_497 = tpu.vector_load %arg9[%get3A_496] {strides = array<i32>} : memref<16000xf32, #tpu.memory_space<vmem>>, vector<16xf32>,
      %get3A_498 = vector.shape_cast %get3A_497 : vector<16xf32> to vector<16xf32>
      %gt3A_499 = arith.cmpf ogt, %get3A_498, %scan3A_442 : vector<16xf32>
      %select_n3A_500 = arith.select %gt3A_499, %get3A_498, %scan3A_442 : vector<16xi1>, vector<16xf32>
      %select_n3A_501 = arith.select %gt3A_499, %broadcast_in_dim3A_456, %scan3A_450 : vector<16xi1>, vector<16xi32>
      %add3A_502 = arith.constant 96 : i32
      %add3A_503 = arith.addi %mul3A_454, %add3A_502 : i32
      %get3A_504 = arith.index_cast %add3A_503 : i32 to index
      %get3A_505 = tpu.vector_load %arg9[%get3A_504] {strides = array<i32>} : memref<16000xf32, #tpu.memory_space<vmem>>, vector<16xf32>,
      %get3A_506 = vector.shape_cast %get3A_505 : vector<16xf32> to vector<16xf32>
      %gt3A_507 = arith.cmpf ogt, %get3A_506, %scan3A_443 : vector<16xf32>
      %select_n3A_508 = arith.select %gt3A_507, %get3A_506, %scan3A_443 : vector<16xi1>, vector<16xf32>
      %select_n3A_509 = arith.select %gt3A_507, %broadcast_in_dim3A_456, %scan3A_451 : vector<16xi1>, vector<16xi32>
      %add3A_510 = arith.constant 112 : i32
      %add3A_511 = arith.addi %mul3A_454, %add3A_510 : i32
      %get3A_512 = arith.index_cast %add3A_511 : i32 to index
      %get3A_513 = tpu.vector_load %arg9[%get3A_512] {strides = array<i32>} : memref<16000xf32, #tpu.memory_space<vmem>>, vector<16xf32>,
      %get3A_514 = vector.shape_cast %get3A_513 : vector<16xf32> to vector<16xf32>
      %gt3A_515 = arith.cmpf ogt, %get3A_514, %scan3A_444 : vector<16xf32>
      %select_n3A_516 = arith.select %gt3A_515, %get3A_514, %scan3A_444 : vector<16xi1>, vector<16xf32>
      %select_n3A_517 = arith.select %gt3A_515, %broadcast_in_dim3A_456, %scan3A_452 : vector<16xi1>, vector<16xi32>
      scf.yield %select_n3A, %select_n3A_468, %select_n3A_476, %select_n3A_484, %select_n3A_492, %select_n3A_500, %select_n3A_508, %select_n3A_516, %select_n3A_461, %select_n3A_469, %select_n3A_477, %select_n3A_485, %select_n3A_493, %select_n3A_501, %select_n3A_509, %select_n3A_517 : vector<16xf32>, vector<16xf32>, vector<16xf32>, vector<16xf32>, vector<16xf32>, vector<16xf32>, vector<16xf32>, vector<16xf32>, vector<16xi32>, vector<16xi32>, vector<16xi32>, vector<16xi32>, vector<16xi32>, vector<16xi32>, vector<16xi32>, vector<16xi32>
    }
    %scan3A_293 = arith.constant 125 : i32
    %add3A_294 = arith.constant 375 : i32
    %add3A_295 = arith.addi %add3A_4, %add3A_294 : i32
    %mul3A_296 = arith.constant 128 : i32
    %mul3A_297 = arith.muli %add3A_295, %mul3A_296 : i32
    %dma_start3A_298 = tpu.memref_slice %arg3[%mul3A_297] : memref<12800000xf32, #tpu.memory_space<hbm>> -> memref<16000xf32, #tpu.memory_space<hbm>>
    %dma_start3A_299 = tpu.memref_slice %arg3[%mul3A_297] : memref<12800000xf32, #tpu.memory_space<hbm>> -> memref<16000xf32, #tpu.memory_space<hbm>>
    tpu.enqueue_dma source(%dma_start3A_299 : memref<16000xf32, #tpu.memory_space<hbm>>) target(%arg9 : memref<16000xf32, #tpu.memory_space<vmem>>) target_semaphore(%arg13 : memref<!tpu.dma_semaphore, #tpu.memory_space<semaphore_mem>>)
    %add3A_300 = arith.constant 250 : i32
    %add3A_301 = arith.addi %add3A_4, %add3A_300 : i32
    %mul3A_302 = arith.constant 128 : i32
    %mul3A_303 = arith.muli %add3A_301, %mul3A_302 : i32
    %dma_wait3A_304 = tpu.memref_slice %arg3[%mul3A_303] : memref<12800000xf32, #tpu.memory_space<hbm>> -> memref<16000xf32, #tpu.memory_space<hbm>>
    %dma_wait3A_305 = tpu.memref_slice %arg3[%mul3A_303] : memref<12800000xf32, #tpu.memory_space<hbm>> -> memref<16000xf32, #tpu.memory_space<hbm>>
    tpu.wait_dma2 semaphore(%arg12 : memref<!tpu.dma_semaphore, #tpu.memory_space<semaphore_mem>>) src(%dma_wait3A_305 : memref<16000xf32, #tpu.memory_space<hbm>>) dst(%arg8 : memref<16000xf32, #tpu.memory_space<vmem>>)
    %add3A_306 = arith.constant 250 : i32
    %add3A_307 = arith.addi %add3A_4, %add3A_306 : i32
    %scan3A_308 = arith.constant 0 : i32
    %scan3A_309 = arith.constant 125 : i32
    %scan3A_310 = arith.addi %scan3A_308, %scan3A_309 : i32
    %scan3A_311 = arith.constant 1 : i32
    %scan3A_312:16 = scf.for %scan3A_436 = %scan3A_308 to %scan3A_310 step %scan3A_311 iter_args(%scan3A_437 = %scan3A_292#0, %scan3A_438 = %scan3A_292#1, %scan3A_439 = %scan3A_292#2, %scan3A_440 = %scan3A_292#3, %scan3A_441 = %scan3A_292#4, %scan3A_442 = %scan3A_292#5, %scan3A_443 = %scan3A_292#6, %scan3A_444 = %scan3A_292#7, %scan3A_445 = %scan3A_292#8, %scan3A_446 = %scan3A_292#9, %scan3A_447 = %scan3A_292#10, %scan3A_448 = %scan3A_292#11, %scan3A_449 = %scan3A_292#12, %scan3A_450 = %scan3A_292#13, %scan3A_451 = %scan3A_292#14, %scan3A_452 = %scan3A_292#15) -> (vector<16xf32>, vector<16xf32>, vector<16xf32>, vector<16xf32>, vector<16xf32>, vector<16xf32>, vector<16xf32>, vector<16xf32>, vector<16xi32>, vector<16xi32>, vector<16xi32>, vector<16xi32>, vector<16xi32>, vector<16xi32>, vector<16xi32>, vector<16xi32>)  : i32 {
      %mul3A_453 = arith.constant 128 : i32
      %mul3A_454 = arith.muli %scan3A_436, %mul3A_453 : i32
      %add3A_455 = arith.addi %add3A_307, %scan3A_436 : i32
      %broadcast_in_dim3A_456 = vector.broadcast %add3A_455 : i32 to vector<16xi32>
      %add3A_457 = arith.constant 0 : i32
      %add3A_458 = arith.addi %mul3A_454, %add3A_457 : i32
      %get3A = arith.index_cast %add3A_458 : i32 to index
      %get3A_459 = tpu.vector_load %arg8[%get3A] {strides = array<i32>} : memref<16000xf32, #tpu.memory_space<vmem>>, vector<16xf32>,
      %get3A_460 = vector.shape_cast %get3A_459 : vector<16xf32> to vector<16xf32>
      %gt3A = arith.cmpf ogt, %get3A_460, %scan3A_437 : vector<16xf32>
      %select_n3A = arith.select %gt3A, %get3A_460, %scan3A_437 : vector<16xi1>, vector<16xf32>
      %select_n3A_461 = arith.select %gt3A, %broadcast_in_dim3A_456, %scan3A_445 : vector<16xi1>, vector<16xi32>
      %add3A_462 = arith.constant 16 : i32
      %add3A_463 = arith.addi %mul3A_454, %add3A_462 : i32
      %get3A_464 = arith.index_cast %add3A_463 : i32 to index
      %get3A_465 = tpu.vector_load %arg8[%get3A_464] {strides = array<i32>} : memref<16000xf32, #tpu.memory_space<vmem>>, vector<16xf32>,
      %get3A_466 = vector.shape_cast %get3A_465 : vector<16xf32> to vector<16xf32>
      %gt3A_467 = arith.cmpf ogt, %get3A_466, %scan3A_438 : vector<16xf32>
      %select_n3A_468 = arith.select %gt3A_467, %get3A_466, %scan3A_438 : vector<16xi1>, vector<16xf32>
      %select_n3A_469 = arith.select %gt3A_467, %broadcast_in_dim3A_456, %scan3A_446 : vector<16xi1>, vector<16xi32>
      %add3A_470 = arith.constant 32 : i32
      %add3A_471 = arith.addi %mul3A_454, %add3A_470 : i32
      %get3A_472 = arith.index_cast %add3A_471 : i32 to index
      %get3A_473 = tpu.vector_load %arg8[%get3A_472] {strides = array<i32>} : memref<16000xf32, #tpu.memory_space<vmem>>, vector<16xf32>,
      %get3A_474 = vector.shape_cast %get3A_473 : vector<16xf32> to vector<16xf32>
      %gt3A_475 = arith.cmpf ogt, %get3A_474, %scan3A_439 : vector<16xf32>
      %select_n3A_476 = arith.select %gt3A_475, %get3A_474, %scan3A_439 : vector<16xi1>, vector<16xf32>
      %select_n3A_477 = arith.select %gt3A_475, %broadcast_in_dim3A_456, %scan3A_447 : vector<16xi1>, vector<16xi32>
      %add3A_478 = arith.constant 48 : i32
      %add3A_479 = arith.addi %mul3A_454, %add3A_478 : i32
      %get3A_480 = arith.index_cast %add3A_479 : i32 to index
      %get3A_481 = tpu.vector_load %arg8[%get3A_480] {strides = array<i32>} : memref<16000xf32, #tpu.memory_space<vmem>>, vector<16xf32>,
      %get3A_482 = vector.shape_cast %get3A_481 : vector<16xf32> to vector<16xf32>
      %gt3A_483 = arith.cmpf ogt, %get3A_482, %scan3A_440 : vector<16xf32>
      %select_n3A_484 = arith.select %gt3A_483, %get3A_482, %scan3A_440 : vector<16xi1>, vector<16xf32>
      %select_n3A_485 = arith.select %gt3A_483, %broadcast_in_dim3A_456, %scan3A_448 : vector<16xi1>, vector<16xi32>
      %add3A_486 = arith.constant 64 : i32
      %add3A_487 = arith.addi %mul3A_454, %add3A_486 : i32
      %get3A_488 = arith.index_cast %add3A_487 : i32 to index
      %get3A_489 = tpu.vector_load %arg8[%get3A_488] {strides = array<i32>} : memref<16000xf32, #tpu.memory_space<vmem>>, vector<16xf32>,
      %get3A_490 = vector.shape_cast %get3A_489 : vector<16xf32> to vector<16xf32>
      %gt3A_491 = arith.cmpf ogt, %get3A_490, %scan3A_441 : vector<16xf32>
      %select_n3A_492 = arith.select %gt3A_491, %get3A_490, %scan3A_441 : vector<16xi1>, vector<16xf32>
      %select_n3A_493 = arith.select %gt3A_491, %broadcast_in_dim3A_456, %scan3A_449 : vector<16xi1>, vector<16xi32>
      %add3A_494 = arith.constant 80 : i32
      %add3A_495 = arith.addi %mul3A_454, %add3A_494 : i32
      %get3A_496 = arith.index_cast %add3A_495 : i32 to index
      %get3A_497 = tpu.vector_load %arg8[%get3A_496] {strides = array<i32>} : memref<16000xf32, #tpu.memory_space<vmem>>, vector<16xf32>,
      %get3A_498 = vector.shape_cast %get3A_497 : vector<16xf32> to vector<16xf32>
      %gt3A_499 = arith.cmpf ogt, %get3A_498, %scan3A_442 : vector<16xf32>
      %select_n3A_500 = arith.select %gt3A_499, %get3A_498, %scan3A_442 : vector<16xi1>, vector<16xf32>
      %select_n3A_501 = arith.select %gt3A_499, %broadcast_in_dim3A_456, %scan3A_450 : vector<16xi1>, vector<16xi32>
      %add3A_502 = arith.constant 96 : i32
      %add3A_503 = arith.addi %mul3A_454, %add3A_502 : i32
      %get3A_504 = arith.index_cast %add3A_503 : i32 to index
      %get3A_505 = tpu.vector_load %arg8[%get3A_504] {strides = array<i32>} : memref<16000xf32, #tpu.memory_space<vmem>>, vector<16xf32>,
      %get3A_506 = vector.shape_cast %get3A_505 : vector<16xf32> to vector<16xf32>
      %gt3A_507 = arith.cmpf ogt, %get3A_506, %scan3A_443 : vector<16xf32>
      %select_n3A_508 = arith.select %gt3A_507, %get3A_506, %scan3A_443 : vector<16xi1>, vector<16xf32>
      %select_n3A_509 = arith.select %gt3A_507, %broadcast_in_dim3A_456, %scan3A_451 : vector<16xi1>, vector<16xi32>
      %add3A_510 = arith.constant 112 : i32
      %add3A_511 = arith.addi %mul3A_454, %add3A_510 : i32
      %get3A_512 = arith.index_cast %add3A_511 : i32 to index
      %get3A_513 = tpu.vector_load %arg8[%get3A_512] {strides = array<i32>} : memref<16000xf32, #tpu.memory_space<vmem>>, vector<16xf32>,
      %get3A_514 = vector.shape_cast %get3A_513 : vector<16xf32> to vector<16xf32>
      %gt3A_515 = arith.cmpf ogt, %get3A_514, %scan3A_444 : vector<16xf32>
      %select_n3A_516 = arith.select %gt3A_515, %get3A_514, %scan3A_444 : vector<16xi1>, vector<16xf32>
      %select_n3A_517 = arith.select %gt3A_515, %broadcast_in_dim3A_456, %scan3A_452 : vector<16xi1>, vector<16xi32>
      scf.yield %select_n3A, %select_n3A_468, %select_n3A_476, %select_n3A_484, %select_n3A_492, %select_n3A_500, %select_n3A_508, %select_n3A_516, %select_n3A_461, %select_n3A_469, %select_n3A_477, %select_n3A_485, %select_n3A_493, %select_n3A_501, %select_n3A_509, %select_n3A_517 : vector<16xf32>, vector<16xf32>, vector<16xf32>, vector<16xf32>, vector<16xf32>, vector<16xf32>, vector<16xf32>, vector<16xf32>, vector<16xi32>, vector<16xi32>, vector<16xi32>, vector<16xi32>, vector<16xi32>, vector<16xi32>, vector<16xi32>, vector<16xi32>
    }
    %scan3A_313 = arith.constant 125 : i32
    %add3A_314 = arith.constant 500 : i32
    %add3A_315 = arith.addi %add3A_4, %add3A_314 : i32
    %mul3A_316 = arith.constant 128 : i32
    %mul3A_317 = arith.muli %add3A_315, %mul3A_316 : i32
    %dma_start3A_318 = tpu.memref_slice %arg3[%mul3A_317] : memref<12800000xf32, #tpu.memory_space<hbm>> -> memref<16000xf32, #tpu.memory_space<hbm>>
    %dma_start3A_319 = tpu.memref_slice %arg3[%mul3A_317] : memref<12800000xf32, #tpu.memory_space<hbm>> -> memref<16000xf32, #tpu.memory_space<hbm>>
    tpu.enqueue_dma source(%dma_start3A_319 : memref<16000xf32, #tpu.memory_space<hbm>>) target(%arg8 : memref<16000xf32, #tpu.memory_space<vmem>>) target_semaphore(%arg12 : memref<!tpu.dma_semaphore, #tpu.memory_space<semaphore_mem>>)
    %add3A_320 = arith.constant 375 : i32
    %add3A_321 = arith.addi %add3A_4, %add3A_320 : i32
    %mul3A_322 = arith.constant 128 : i32
    %mul3A_323 = arith.muli %add3A_321, %mul3A_322 : i32
    %dma_wait3A_324 = tpu.memref_slice %arg3[%mul3A_323] : memref<12800000xf32, #tpu.memory_space<hbm>> -> memref<16000xf32, #tpu.memory_space<hbm>>
    %dma_wait3A_325 = tpu.memref_slice %arg3[%mul3A_323] : memref<12800000xf32, #tpu.memory_space<hbm>> -> memref<16000xf32, #tpu.memory_space<hbm>>
    tpu.wait_dma2 semaphore(%arg13 : memref<!tpu.dma_semaphore, #tpu.memory_space<semaphore_mem>>) src(%dma_wait3A_325 : memref<16000xf32, #tpu.memory_space<hbm>>) dst(%arg9 : memref<16000xf32, #tpu.memory_space<vmem>>)
    %add3A_326 = arith.constant 375 : i32
    %add3A_327 = arith.addi %add3A_4, %add3A_326 : i32
    %scan3A_328 = arith.constant 0 : i32
    %scan3A_329 = arith.constant 125 : i32
    %scan3A_330 = arith.addi %scan3A_328, %scan3A_329 : i32
    %scan3A_331 = arith.constant 1 : i32
    %scan3A_332:16 = scf.for %scan3A_436 = %scan3A_328 to %scan3A_330 step %scan3A_331 iter_args(%scan3A_437 = %scan3A_312#0, %scan3A_438 = %scan3A_312#1, %scan3A_439 = %scan3A_312#2, %scan3A_440 = %scan3A_312#3, %scan3A_441 = %scan3A_312#4, %scan3A_442 = %scan3A_312#5, %scan3A_443 = %scan3A_312#6, %scan3A_444 = %scan3A_312#7, %scan3A_445 = %scan3A_312#8, %scan3A_446 = %scan3A_312#9, %scan3A_447 = %scan3A_312#10, %scan3A_448 = %scan3A_312#11, %scan3A_449 = %scan3A_312#12, %scan3A_450 = %scan3A_312#13, %scan3A_451 = %scan3A_312#14, %scan3A_452 = %scan3A_312#15) -> (vector<16xf32>, vector<16xf32>, vector<16xf32>, vector<16xf32>, vector<16xf32>, vector<16xf32>, vector<16xf32>, vector<16xf32>, vector<16xi32>, vector<16xi32>, vector<16xi32>, vector<16xi32>, vector<16xi32>, vector<16xi32>, vector<16xi32>, vector<16xi32>)  : i32 {
      %mul3A_453 = arith.constant 128 : i32
      %mul3A_454 = arith.muli %scan3A_436, %mul3A_453 : i32
      %add3A_455 = arith.addi %add3A_327, %scan3A_436 : i32
      %broadcast_in_dim3A_456 = vector.broadcast %add3A_455 : i32 to vector<16xi32>
      %add3A_457 = arith.constant 0 : i32
      %add3A_458 = arith.addi %mul3A_454, %add3A_457 : i32
      %get3A = arith.index_cast %add3A_458 : i32 to index
      %get3A_459 = tpu.vector_load %arg9[%get3A] {strides = array<i32>} : memref<16000xf32, #tpu.memory_space<vmem>>, vector<16xf32>,
      %get3A_460 = vector.shape_cast %get3A_459 : vector<16xf32> to vector<16xf32>
      %gt3A = arith.cmpf ogt, %get3A_460, %scan3A_437 : vector<16xf32>
      %select_n3A = arith.select %gt3A, %get3A_460, %scan3A_437 : vector<16xi1>, vector<16xf32>
      %select_n3A_461 = arith.select %gt3A, %broadcast_in_dim3A_456, %scan3A_445 : vector<16xi1>, vector<16xi32>
      %add3A_462 = arith.constant 16 : i32
      %add3A_463 = arith.addi %mul3A_454, %add3A_462 : i32
      %get3A_464 = arith.index_cast %add3A_463 : i32 to index
      %get3A_465 = tpu.vector_load %arg9[%get3A_464] {strides = array<i32>} : memref<16000xf32, #tpu.memory_space<vmem>>, vector<16xf32>,
      %get3A_466 = vector.shape_cast %get3A_465 : vector<16xf32> to vector<16xf32>
      %gt3A_467 = arith.cmpf ogt, %get3A_466, %scan3A_438 : vector<16xf32>
      %select_n3A_468 = arith.select %gt3A_467, %get3A_466, %scan3A_438 : vector<16xi1>, vector<16xf32>
      %select_n3A_469 = arith.select %gt3A_467, %broadcast_in_dim3A_456, %scan3A_446 : vector<16xi1>, vector<16xi32>
      %add3A_470 = arith.constant 32 : i32
      %add3A_471 = arith.addi %mul3A_454, %add3A_470 : i32
      %get3A_472 = arith.index_cast %add3A_471 : i32 to index
      %get3A_473 = tpu.vector_load %arg9[%get3A_472] {strides = array<i32>} : memref<16000xf32, #tpu.memory_space<vmem>>, vector<16xf32>,
      %get3A_474 = vector.shape_cast %get3A_473 : vector<16xf32> to vector<16xf32>
      %gt3A_475 = arith.cmpf ogt, %get3A_474, %scan3A_439 : vector<16xf32>
      %select_n3A_476 = arith.select %gt3A_475, %get3A_474, %scan3A_439 : vector<16xi1>, vector<16xf32>
      %select_n3A_477 = arith.select %gt3A_475, %broadcast_in_dim3A_456, %scan3A_447 : vector<16xi1>, vector<16xi32>
      %add3A_478 = arith.constant 48 : i32
      %add3A_479 = arith.addi %mul3A_454, %add3A_478 : i32
      %get3A_480 = arith.index_cast %add3A_479 : i32 to index
      %get3A_481 = tpu.vector_load %arg9[%get3A_480] {strides = array<i32>} : memref<16000xf32, #tpu.memory_space<vmem>>, vector<16xf32>,
      %get3A_482 = vector.shape_cast %get3A_481 : vector<16xf32> to vector<16xf32>
      %gt3A_483 = arith.cmpf ogt, %get3A_482, %scan3A_440 : vector<16xf32>
      %select_n3A_484 = arith.select %gt3A_483, %get3A_482, %scan3A_440 : vector<16xi1>, vector<16xf32>
      %select_n3A_485 = arith.select %gt3A_483, %broadcast_in_dim3A_456, %scan3A_448 : vector<16xi1>, vector<16xi32>
      %add3A_486 = arith.constant 64 : i32
      %add3A_487 = arith.addi %mul3A_454, %add3A_486 : i32
      %get3A_488 = arith.index_cast %add3A_487 : i32 to index
      %get3A_489 = tpu.vector_load %arg9[%get3A_488] {strides = array<i32>} : memref<16000xf32, #tpu.memory_space<vmem>>, vector<16xf32>,
      %get3A_490 = vector.shape_cast %get3A_489 : vector<16xf32> to vector<16xf32>
      %gt3A_491 = arith.cmpf ogt, %get3A_490, %scan3A_441 : vector<16xf32>
      %select_n3A_492 = arith.select %gt3A_491, %get3A_490, %scan3A_441 : vector<16xi1>, vector<16xf32>
      %select_n3A_493 = arith.select %gt3A_491, %broadcast_in_dim3A_456, %scan3A_449 : vector<16xi1>, vector<16xi32>
      %add3A_494 = arith.constant 80 : i32
      %add3A_495 = arith.addi %mul3A_454, %add3A_494 : i32
      %get3A_496 = arith.index_cast %add3A_495 : i32 to index
      %get3A_497 = tpu.vector_load %arg9[%get3A_496] {strides = array<i32>} : memref<16000xf32, #tpu.memory_space<vmem>>, vector<16xf32>,
      %get3A_498 = vector.shape_cast %get3A_497 : vector<16xf32> to vector<16xf32>
      %gt3A_499 = arith.cmpf ogt, %get3A_498, %scan3A_442 : vector<16xf32>
      %select_n3A_500 = arith.select %gt3A_499, %get3A_498, %scan3A_442 : vector<16xi1>, vector<16xf32>
      %select_n3A_501 = arith.select %gt3A_499, %broadcast_in_dim3A_456, %scan3A_450 : vector<16xi1>, vector<16xi32>
      %add3A_502 = arith.constant 96 : i32
      %add3A_503 = arith.addi %mul3A_454, %add3A_502 : i32
      %get3A_504 = arith.index_cast %add3A_503 : i32 to index
      %get3A_505 = tpu.vector_load %arg9[%get3A_504] {strides = array<i32>} : memref<16000xf32, #tpu.memory_space<vmem>>, vector<16xf32>,
      %get3A_506 = vector.shape_cast %get3A_505 : vector<16xf32> to vector<16xf32>
      %gt3A_507 = arith.cmpf ogt, %get3A_506, %scan3A_443 : vector<16xf32>
      %select_n3A_508 = arith.select %gt3A_507, %get3A_506, %scan3A_443 : vector<16xi1>, vector<16xf32>
      %select_n3A_509 = arith.select %gt3A_507, %broadcast_in_dim3A_456, %scan3A_451 : vector<16xi1>, vector<16xi32>
      %add3A_510 = arith.constant 112 : i32
      %add3A_511 = arith.addi %mul3A_454, %add3A_510 : i32
      %get3A_512 = arith.index_cast %add3A_511 : i32 to index
      %get3A_513 = tpu.vector_load %arg9[%get3A_512] {strides = array<i32>} : memref<16000xf32, #tpu.memory_space<vmem>>, vector<16xf32>,
      %get3A_514 = vector.shape_cast %get3A_513 : vector<16xf32> to vector<16xf32>
      %gt3A_515 = arith.cmpf ogt, %get3A_514, %scan3A_444 : vector<16xf32>
      %select_n3A_516 = arith.select %gt3A_515, %get3A_514, %scan3A_444 : vector<16xi1>, vector<16xf32>
      %select_n3A_517 = arith.select %gt3A_515, %broadcast_in_dim3A_456, %scan3A_452 : vector<16xi1>, vector<16xi32>
      scf.yield %select_n3A, %select_n3A_468, %select_n3A_476, %select_n3A_484, %select_n3A_492, %select_n3A_500, %select_n3A_508, %select_n3A_516, %select_n3A_461, %select_n3A_469, %select_n3A_477, %select_n3A_485, %select_n3A_493, %select_n3A_501, %select_n3A_509, %select_n3A_517 : vector<16xf32>, vector<16xf32>, vector<16xf32>, vector<16xf32>, vector<16xf32>, vector<16xf32>, vector<16xf32>, vector<16xf32>, vector<16xi32>, vector<16xi32>, vector<16xi32>, vector<16xi32>, vector<16xi32>, vector<16xi32>, vector<16xi32>, vector<16xi32>
    }
    %scan3A_333 = arith.constant 125 : i32
    %add3A_334 = arith.constant 625 : i32
    %add3A_335 = arith.addi %add3A_4, %add3A_334 : i32
    %mul3A_336 = arith.constant 128 : i32
    %mul3A_337 = arith.muli %add3A_335, %mul3A_336 : i32
    %dma_start3A_338 = tpu.memref_slice %arg3[%mul3A_337] : memref<12800000xf32, #tpu.memory_space<hbm>> -> memref<16000xf32, #tpu.memory_space<hbm>>
    %dma_start3A_339 = tpu.memref_slice %arg3[%mul3A_337] : memref<12800000xf32, #tpu.memory_space<hbm>> -> memref<16000xf32, #tpu.memory_space<hbm>>
    tpu.enqueue_dma source(%dma_start3A_339 : memref<16000xf32, #tpu.memory_space<hbm>>) target(%arg9 : memref<16000xf32, #tpu.memory_space<vmem>>) target_semaphore(%arg13 : memref<!tpu.dma_semaphore, #tpu.memory_space<semaphore_mem>>)
    %add3A_340 = arith.constant 500 : i32
    %add3A_341 = arith.addi %add3A_4, %add3A_340 : i32
    %mul3A_342 = arith.constant 128 : i32
    %mul3A_343 = arith.muli %add3A_341, %mul3A_342 : i32
    %dma_wait3A_344 = tpu.memref_slice %arg3[%mul3A_343] : memref<12800000xf32, #tpu.memory_space<hbm>> -> memref<16000xf32, #tpu.memory_space<hbm>>
    %dma_wait3A_345 = tpu.memref_slice %arg3[%mul3A_343] : memref<12800000xf32, #tpu.memory_space<hbm>> -> memref<16000xf32, #tpu.memory_space<hbm>>
    tpu.wait_dma2 semaphore(%arg12 : memref<!tpu.dma_semaphore, #tpu.memory_space<semaphore_mem>>) src(%dma_wait3A_345 : memref<16000xf32, #tpu.memory_space<hbm>>) dst(%arg8 : memref<16000xf32, #tpu.memory_space<vmem>>)
    %add3A_346 = arith.constant 500 : i32
    %add3A_347 = arith.addi %add3A_4, %add3A_346 : i32
    %scan3A_348 = arith.constant 0 : i32
    %scan3A_349 = arith.constant 125 : i32
    %scan3A_350 = arith.addi %scan3A_348, %scan3A_349 : i32
    %scan3A_351 = arith.constant 1 : i32
    %scan3A_352:16 = scf.for %scan3A_436 = %scan3A_348 to %scan3A_350 step %scan3A_351 iter_args(%scan3A_437 = %scan3A_332#0, %scan3A_438 = %scan3A_332#1, %scan3A_439 = %scan3A_332#2, %scan3A_440 = %scan3A_332#3, %scan3A_441 = %scan3A_332#4, %scan3A_442 = %scan3A_332#5, %scan3A_443 = %scan3A_332#6, %scan3A_444 = %scan3A_332#7, %scan3A_445 = %scan3A_332#8, %scan3A_446 = %scan3A_332#9, %scan3A_447 = %scan3A_332#10, %scan3A_448 = %scan3A_332#11, %scan3A_449 = %scan3A_332#12, %scan3A_450 = %scan3A_332#13, %scan3A_451 = %scan3A_332#14, %scan3A_452 = %scan3A_332#15) -> (vector<16xf32>, vector<16xf32>, vector<16xf32>, vector<16xf32>, vector<16xf32>, vector<16xf32>, vector<16xf32>, vector<16xf32>, vector<16xi32>, vector<16xi32>, vector<16xi32>, vector<16xi32>, vector<16xi32>, vector<16xi32>, vector<16xi32>, vector<16xi32>)  : i32 {
      %mul3A_453 = arith.constant 128 : i32
      %mul3A_454 = arith.muli %scan3A_436, %mul3A_453 : i32
      %add3A_455 = arith.addi %add3A_347, %scan3A_436 : i32
      %broadcast_in_dim3A_456 = vector.broadcast %add3A_455 : i32 to vector<16xi32>
      %add3A_457 = arith.constant 0 : i32
      %add3A_458 = arith.addi %mul3A_454, %add3A_457 : i32
      %get3A = arith.index_cast %add3A_458 : i32 to index
      %get3A_459 = tpu.vector_load %arg8[%get3A] {strides = array<i32>} : memref<16000xf32, #tpu.memory_space<vmem>>, vector<16xf32>,
      %get3A_460 = vector.shape_cast %get3A_459 : vector<16xf32> to vector<16xf32>
      %gt3A = arith.cmpf ogt, %get3A_460, %scan3A_437 : vector<16xf32>
      %select_n3A = arith.select %gt3A, %get3A_460, %scan3A_437 : vector<16xi1>, vector<16xf32>
      %select_n3A_461 = arith.select %gt3A, %broadcast_in_dim3A_456, %scan3A_445 : vector<16xi1>, vector<16xi32>
      %add3A_462 = arith.constant 16 : i32
      %add3A_463 = arith.addi %mul3A_454, %add3A_462 : i32
      %get3A_464 = arith.index_cast %add3A_463 : i32 to index
      %get3A_465 = tpu.vector_load %arg8[%get3A_464] {strides = array<i32>} : memref<16000xf32, #tpu.memory_space<vmem>>, vector<16xf32>,
      %get3A_466 = vector.shape_cast %get3A_465 : vector<16xf32> to vector<16xf32>
      %gt3A_467 = arith.cmpf ogt, %get3A_466, %scan3A_438 : vector<16xf32>
      %select_n3A_468 = arith.select %gt3A_467, %get3A_466, %scan3A_438 : vector<16xi1>, vector<16xf32>
      %select_n3A_469 = arith.select %gt3A_467, %broadcast_in_dim3A_456, %scan3A_446 : vector<16xi1>, vector<16xi32>
      %add3A_470 = arith.constant 32 : i32
      %add3A_471 = arith.addi %mul3A_454, %add3A_470 : i32
      %get3A_472 = arith.index_cast %add3A_471 : i32 to index
      %get3A_473 = tpu.vector_load %arg8[%get3A_472] {strides = array<i32>} : memref<16000xf32, #tpu.memory_space<vmem>>, vector<16xf32>,
      %get3A_474 = vector.shape_cast %get3A_473 : vector<16xf32> to vector<16xf32>
      %gt3A_475 = arith.cmpf ogt, %get3A_474, %scan3A_439 : vector<16xf32>
      %select_n3A_476 = arith.select %gt3A_475, %get3A_474, %scan3A_439 : vector<16xi1>, vector<16xf32>
      %select_n3A_477 = arith.select %gt3A_475, %broadcast_in_dim3A_456, %scan3A_447 : vector<16xi1>, vector<16xi32>
      %add3A_478 = arith.constant 48 : i32
      %add3A_479 = arith.addi %mul3A_454, %add3A_478 : i32
      %get3A_480 = arith.index_cast %add3A_479 : i32 to index
      %get3A_481 = tpu.vector_load %arg8[%get3A_480] {strides = array<i32>} : memref<16000xf32, #tpu.memory_space<vmem>>, vector<16xf32>,
      %get3A_482 = vector.shape_cast %get3A_481 : vector<16xf32> to vector<16xf32>
      %gt3A_483 = arith.cmpf ogt, %get3A_482, %scan3A_440 : vector<16xf32>
      %select_n3A_484 = arith.select %gt3A_483, %get3A_482, %scan3A_440 : vector<16xi1>, vector<16xf32>
      %select_n3A_485 = arith.select %gt3A_483, %broadcast_in_dim3A_456, %scan3A_448 : vector<16xi1>, vector<16xi32>
      %add3A_486 = arith.constant 64 : i32
      %add3A_487 = arith.addi %mul3A_454, %add3A_486 : i32
      %get3A_488 = arith.index_cast %add3A_487 : i32 to index
      %get3A_489 = tpu.vector_load %arg8[%get3A_488] {strides = array<i32>} : memref<16000xf32, #tpu.memory_space<vmem>>, vector<16xf32>,
      %get3A_490 = vector.shape_cast %get3A_489 : vector<16xf32> to vector<16xf32>
      %gt3A_491 = arith.cmpf ogt, %get3A_490, %scan3A_441 : vector<16xf32>
      %select_n3A_492 = arith.select %gt3A_491, %get3A_490, %scan3A_441 : vector<16xi1>, vector<16xf32>
      %select_n3A_493 = arith.select %gt3A_491, %broadcast_in_dim3A_456, %scan3A_449 : vector<16xi1>, vector<16xi32>
      %add3A_494 = arith.constant 80 : i32
      %add3A_495 = arith.addi %mul3A_454, %add3A_494 : i32
      %get3A_496 = arith.index_cast %add3A_495 : i32 to index
      %get3A_497 = tpu.vector_load %arg8[%get3A_496] {strides = array<i32>} : memref<16000xf32, #tpu.memory_space<vmem>>, vector<16xf32>,
      %get3A_498 = vector.shape_cast %get3A_497 : vector<16xf32> to vector<16xf32>
      %gt3A_499 = arith.cmpf ogt, %get3A_498, %scan3A_442 : vector<16xf32>
      %select_n3A_500 = arith.select %gt3A_499, %get3A_498, %scan3A_442 : vector<16xi1>, vector<16xf32>
      %select_n3A_501 = arith.select %gt3A_499, %broadcast_in_dim3A_456, %scan3A_450 : vector<16xi1>, vector<16xi32>
      %add3A_502 = arith.constant 96 : i32
      %add3A_503 = arith.addi %mul3A_454, %add3A_502 : i32
      %get3A_504 = arith.index_cast %add3A_503 : i32 to index
      %get3A_505 = tpu.vector_load %arg8[%get3A_504] {strides = array<i32>} : memref<16000xf32, #tpu.memory_space<vmem>>, vector<16xf32>,
      %get3A_506 = vector.shape_cast %get3A_505 : vector<16xf32> to vector<16xf32>
      %gt3A_507 = arith.cmpf ogt, %get3A_506, %scan3A_443 : vector<16xf32>
      %select_n3A_508 = arith.select %gt3A_507, %get3A_506, %scan3A_443 : vector<16xi1>, vector<16xf32>
      %select_n3A_509 = arith.select %gt3A_507, %broadcast_in_dim3A_456, %scan3A_451 : vector<16xi1>, vector<16xi32>
      %add3A_510 = arith.constant 112 : i32
      %add3A_511 = arith.addi %mul3A_454, %add3A_510 : i32
      %get3A_512 = arith.index_cast %add3A_511 : i32 to index
      %get3A_513 = tpu.vector_load %arg8[%get3A_512] {strides = array<i32>} : memref<16000xf32, #tpu.memory_space<vmem>>, vector<16xf32>,
      %get3A_514 = vector.shape_cast %get3A_513 : vector<16xf32> to vector<16xf32>
      %gt3A_515 = arith.cmpf ogt, %get3A_514, %scan3A_444 : vector<16xf32>
      %select_n3A_516 = arith.select %gt3A_515, %get3A_514, %scan3A_444 : vector<16xi1>, vector<16xf32>
      %select_n3A_517 = arith.select %gt3A_515, %broadcast_in_dim3A_456, %scan3A_452 : vector<16xi1>, vector<16xi32>
      scf.yield %select_n3A, %select_n3A_468, %select_n3A_476, %select_n3A_484, %select_n3A_492, %select_n3A_500, %select_n3A_508, %select_n3A_516, %select_n3A_461, %select_n3A_469, %select_n3A_477, %select_n3A_485, %select_n3A_493, %select_n3A_501, %select_n3A_509, %select_n3A_517 : vector<16xf32>, vector<16xf32>, vector<16xf32>, vector<16xf32>, vector<16xf32>, vector<16xf32>, vector<16xf32>, vector<16xf32>, vector<16xi32>, vector<16xi32>, vector<16xi32>, vector<16xi32>, vector<16xi32>, vector<16xi32>, vector<16xi32>, vector<16xi32>
    }
    %scan3A_353 = arith.constant 125 : i32
    %add3A_354 = arith.constant 625 : i32
    %add3A_355 = arith.addi %add3A_4, %add3A_354 : i32
    %mul3A_356 = arith.constant 128 : i32
    %mul3A_357 = arith.muli %add3A_355, %mul3A_356 : i32
    %dma_wait3A_358 = tpu.memref_slice %arg3[%mul3A_357] : memref<12800000xf32, #tpu.memory_space<hbm>> -> memref<16000xf32, #tpu.memory_space<hbm>>
    %dma_wait3A_359 = tpu.memref_slice %arg3[%mul3A_357] : memref<12800000xf32, #tpu.memory_space<hbm>> -> memref<16000xf32, #tpu.memory_space<hbm>>
    tpu.wait_dma2 semaphore(%arg13 : memref<!tpu.dma_semaphore, #tpu.memory_space<semaphore_mem>>) src(%dma_wait3A_359 : memref<16000xf32, #tpu.memory_space<hbm>>) dst(%arg9 : memref<16000xf32, #tpu.memory_space<vmem>>)
    %add3A_360 = arith.constant 625 : i32
    %add3A_361 = arith.addi %add3A_4, %add3A_360 : i32
    %scan3A_362 = arith.constant 0 : i32
    %scan3A_363 = arith.constant 125 : i32
    %scan3A_364 = arith.addi %scan3A_362, %scan3A_363 : i32
    %scan3A_365 = arith.constant 1 : i32
    %scan3A_366:16 = scf.for %scan3A_436 = %scan3A_362 to %scan3A_364 step %scan3A_365 iter_args(%scan3A_437 = %scan3A_352#0, %scan3A_438 = %scan3A_352#1, %scan3A_439 = %scan3A_352#2, %scan3A_440 = %scan3A_352#3, %scan3A_441 = %scan3A_352#4, %scan3A_442 = %scan3A_352#5, %scan3A_443 = %scan3A_352#6, %scan3A_444 = %scan3A_352#7, %scan3A_445 = %scan3A_352#8, %scan3A_446 = %scan3A_352#9, %scan3A_447 = %scan3A_352#10, %scan3A_448 = %scan3A_352#11, %scan3A_449 = %scan3A_352#12, %scan3A_450 = %scan3A_352#13, %scan3A_451 = %scan3A_352#14, %scan3A_452 = %scan3A_352#15) -> (vector<16xf32>, vector<16xf32>, vector<16xf32>, vector<16xf32>, vector<16xf32>, vector<16xf32>, vector<16xf32>, vector<16xf32>, vector<16xi32>, vector<16xi32>, vector<16xi32>, vector<16xi32>, vector<16xi32>, vector<16xi32>, vector<16xi32>, vector<16xi32>)  : i32 {
      %mul3A_453 = arith.constant 128 : i32
      %mul3A_454 = arith.muli %scan3A_436, %mul3A_453 : i32
      %add3A_455 = arith.addi %add3A_361, %scan3A_436 : i32
      %broadcast_in_dim3A_456 = vector.broadcast %add3A_455 : i32 to vector<16xi32>
      %add3A_457 = arith.constant 0 : i32
      %add3A_458 = arith.addi %mul3A_454, %add3A_457 : i32
      %get3A = arith.index_cast %add3A_458 : i32 to index
      %get3A_459 = tpu.vector_load %arg9[%get3A] {strides = array<i32>} : memref<16000xf32, #tpu.memory_space<vmem>>, vector<16xf32>,
      %get3A_460 = vector.shape_cast %get3A_459 : vector<16xf32> to vector<16xf32>
      %gt3A = arith.cmpf ogt, %get3A_460, %scan3A_437 : vector<16xf32>
      %select_n3A = arith.select %gt3A, %get3A_460, %scan3A_437 : vector<16xi1>, vector<16xf32>
      %select_n3A_461 = arith.select %gt3A, %broadcast_in_dim3A_456, %scan3A_445 : vector<16xi1>, vector<16xi32>
      %add3A_462 = arith.constant 16 : i32
      %add3A_463 = arith.addi %mul3A_454, %add3A_462 : i32
      %get3A_464 = arith.index_cast %add3A_463 : i32 to index
      %get3A_465 = tpu.vector_load %arg9[%get3A_464] {strides = array<i32>} : memref<16000xf32, #tpu.memory_space<vmem>>, vector<16xf32>,
      %get3A_466 = vector.shape_cast %get3A_465 : vector<16xf32> to vector<16xf32>
      %gt3A_467 = arith.cmpf ogt, %get3A_466, %scan3A_438 : vector<16xf32>
      %select_n3A_468 = arith.select %gt3A_467, %get3A_466, %scan3A_438 : vector<16xi1>, vector<16xf32>
      %select_n3A_469 = arith.select %gt3A_467, %broadcast_in_dim3A_456, %scan3A_446 : vector<16xi1>, vector<16xi32>
      %add3A_470 = arith.constant 32 : i32
      %add3A_471 = arith.addi %mul3A_454, %add3A_470 : i32
      %get3A_472 = arith.index_cast %add3A_471 : i32 to index
      %get3A_473 = tpu.vector_load %arg9[%get3A_472] {strides = array<i32>} : memref<16000xf32, #tpu.memory_space<vmem>>, vector<16xf32>,
      %get3A_474 = vector.shape_cast %get3A_473 : vector<16xf32> to vector<16xf32>
      %gt3A_475 = arith.cmpf ogt, %get3A_474, %scan3A_439 : vector<16xf32>
      %select_n3A_476 = arith.select %gt3A_475, %get3A_474, %scan3A_439 : vector<16xi1>, vector<16xf32>
      %select_n3A_477 = arith.select %gt3A_475, %broadcast_in_dim3A_456, %scan3A_447 : vector<16xi1>, vector<16xi32>
      %add3A_478 = arith.constant 48 : i32
      %add3A_479 = arith.addi %mul3A_454, %add3A_478 : i32
      %get3A_480 = arith.index_cast %add3A_479 : i32 to index
      %get3A_481 = tpu.vector_load %arg9[%get3A_480] {strides = array<i32>} : memref<16000xf32, #tpu.memory_space<vmem>>, vector<16xf32>,
      %get3A_482 = vector.shape_cast %get3A_481 : vector<16xf32> to vector<16xf32>
      %gt3A_483 = arith.cmpf ogt, %get3A_482, %scan3A_440 : vector<16xf32>
      %select_n3A_484 = arith.select %gt3A_483, %get3A_482, %scan3A_440 : vector<16xi1>, vector<16xf32>
      %select_n3A_485 = arith.select %gt3A_483, %broadcast_in_dim3A_456, %scan3A_448 : vector<16xi1>, vector<16xi32>
      %add3A_486 = arith.constant 64 : i32
      %add3A_487 = arith.addi %mul3A_454, %add3A_486 : i32
      %get3A_488 = arith.index_cast %add3A_487 : i32 to index
      %get3A_489 = tpu.vector_load %arg9[%get3A_488] {strides = array<i32>} : memref<16000xf32, #tpu.memory_space<vmem>>, vector<16xf32>,
      %get3A_490 = vector.shape_cast %get3A_489 : vector<16xf32> to vector<16xf32>
      %gt3A_491 = arith.cmpf ogt, %get3A_490, %scan3A_441 : vector<16xf32>
      %select_n3A_492 = arith.select %gt3A_491, %get3A_490, %scan3A_441 : vector<16xi1>, vector<16xf32>
      %select_n3A_493 = arith.select %gt3A_491, %broadcast_in_dim3A_456, %scan3A_449 : vector<16xi1>, vector<16xi32>
      %add3A_494 = arith.constant 80 : i32
      %add3A_495 = arith.addi %mul3A_454, %add3A_494 : i32
      %get3A_496 = arith.index_cast %add3A_495 : i32 to index
      %get3A_497 = tpu.vector_load %arg9[%get3A_496] {strides = array<i32>} : memref<16000xf32, #tpu.memory_space<vmem>>, vector<16xf32>,
      %get3A_498 = vector.shape_cast %get3A_497 : vector<16xf32> to vector<16xf32>
      %gt3A_499 = arith.cmpf ogt, %get3A_498, %scan3A_442 : vector<16xf32>
      %select_n3A_500 = arith.select %gt3A_499, %get3A_498, %scan3A_442 : vector<16xi1>, vector<16xf32>
      %select_n3A_501 = arith.select %gt3A_499, %broadcast_in_dim3A_456, %scan3A_450 : vector<16xi1>, vector<16xi32>
      %add3A_502 = arith.constant 96 : i32
      %add3A_503 = arith.addi %mul3A_454, %add3A_502 : i32
      %get3A_504 = arith.index_cast %add3A_503 : i32 to index
      %get3A_505 = tpu.vector_load %arg9[%get3A_504] {strides = array<i32>} : memref<16000xf32, #tpu.memory_space<vmem>>, vector<16xf32>,
      %get3A_506 = vector.shape_cast %get3A_505 : vector<16xf32> to vector<16xf32>
      %gt3A_507 = arith.cmpf ogt, %get3A_506, %scan3A_443 : vector<16xf32>
      %select_n3A_508 = arith.select %gt3A_507, %get3A_506, %scan3A_443 : vector<16xi1>, vector<16xf32>
      %select_n3A_509 = arith.select %gt3A_507, %broadcast_in_dim3A_456, %scan3A_451 : vector<16xi1>, vector<16xi32>
      %add3A_510 = arith.constant 112 : i32
      %add3A_511 = arith.addi %mul3A_454, %add3A_510 : i32
      %get3A_512 = arith.index_cast %add3A_511 : i32 to index
      %get3A_513 = tpu.vector_load %arg9[%get3A_512] {strides = array<i32>} : memref<16000xf32, #tpu.memory_space<vmem>>, vector<16xf32>,
      %get3A_514 = vector.shape_cast %get3A_513 : vector<16xf32> to vector<16xf32>
      %gt3A_515 = arith.cmpf ogt, %get3A_514, %scan3A_444 : vector<16xf32>
      %select_n3A_516 = arith.select %gt3A_515, %get3A_514, %scan3A_444 : vector<16xi1>, vector<16xf32>
      %select_n3A_517 = arith.select %gt3A_515, %broadcast_in_dim3A_456, %scan3A_452 : vector<16xi1>, vector<16xi32>
      scf.yield %select_n3A, %select_n3A_468, %select_n3A_476, %select_n3A_484, %select_n3A_492, %select_n3A_500, %select_n3A_508, %select_n3A_516, %select_n3A_461, %select_n3A_469, %select_n3A_477, %select_n3A_485, %select_n3A_493, %select_n3A_501, %select_n3A_509, %select_n3A_517 : vector<16xf32>, vector<16xf32>, vector<16xf32>, vector<16xf32>, vector<16xf32>, vector<16xf32>, vector<16xf32>, vector<16xf32>, vector<16xi32>, vector<16xi32>, vector<16xi32>, vector<16xi32>, vector<16xi32>, vector<16xi32>, vector<16xi32>, vector<16xi32>
    }
    %scan3A_367 = arith.constant 125 : i32
    %swap3A_368 = arith.constant 0 : index
    %swap3A_369 = tpu.vector_load %arg10[%swap3A_368] {strides = array<i32>} : memref<128xf32, #tpu.memory_space<vmem>>, vector<16xf32>,
    %swap3A_370 = vector.shape_cast %swap3A_369 : vector<16xf32> to vector<16xf32>
    %swap3A_371 = vector.shape_cast %scan3A_366#0 : vector<16xf32> to vector<16xf32>
    tpu.vector_store %arg10[%swap3A_368], %swap3A_371 {strides = array<i32>} : memref<128xf32, #tpu.memory_space<vmem>>, vector<16xf32>,
    %swap3A_372 = arith.constant 0 : index
    %swap3A_373 = tpu.vector_load %arg11[%swap3A_372] {strides = array<i32>} : memref<128xi32, #tpu.memory_space<vmem>>, vector<16xi32>,
    %swap3A_374 = vector.shape_cast %swap3A_373 : vector<16xi32> to vector<16xi32>
    %swap3A_375 = vector.shape_cast %scan3A_366#8 : vector<16xi32> to vector<16xi32>
    tpu.vector_store %arg11[%swap3A_372], %swap3A_375 {strides = array<i32>} : memref<128xi32, #tpu.memory_space<vmem>>, vector<16xi32>,
    %swap3A_376 = arith.constant 16 : index
    %swap3A_377 = tpu.vector_load %arg10[%swap3A_376] {strides = array<i32>} : memref<128xf32, #tpu.memory_space<vmem>>, vector<16xf32>,
    %swap3A_378 = vector.shape_cast %swap3A_377 : vector<16xf32> to vector<16xf32>
    %swap3A_379 = vector.shape_cast %scan3A_366#1 : vector<16xf32> to vector<16xf32>
    tpu.vector_store %arg10[%swap3A_376], %swap3A_379 {strides = array<i32>} : memref<128xf32, #tpu.memory_space<vmem>>, vector<16xf32>,
    %swap3A_380 = arith.constant 16 : index
    %swap3A_381 = tpu.vector_load %arg11[%swap3A_380] {strides = array<i32>} : memref<128xi32, #tpu.memory_space<vmem>>, vector<16xi32>,
    %swap3A_382 = vector.shape_cast %swap3A_381 : vector<16xi32> to vector<16xi32>
    %swap3A_383 = vector.shape_cast %scan3A_366#9 : vector<16xi32> to vector<16xi32>
    tpu.vector_store %arg11[%swap3A_380], %swap3A_383 {strides = array<i32>} : memref<128xi32, #tpu.memory_space<vmem>>, vector<16xi32>,
    %swap3A_384 = arith.constant 32 : index
    %swap3A_385 = tpu.vector_load %arg10[%swap3A_384] {strides = array<i32>} : memref<128xf32, #tpu.memory_space<vmem>>, vector<16xf32>,
    %swap3A_386 = vector.shape_cast %swap3A_385 : vector<16xf32> to vector<16xf32>
    %swap3A_387 = vector.shape_cast %scan3A_366#2 : vector<16xf32> to vector<16xf32>
    tpu.vector_store %arg10[%swap3A_384], %swap3A_387 {strides = array<i32>} : memref<128xf32, #tpu.memory_space<vmem>>, vector<16xf32>,
    %swap3A_388 = arith.constant 32 : index
    %swap3A_389 = tpu.vector_load %arg11[%swap3A_388] {strides = array<i32>} : memref<128xi32, #tpu.memory_space<vmem>>, vector<16xi32>,
    %swap3A_390 = vector.shape_cast %swap3A_389 : vector<16xi32> to vector<16xi32>
    %swap3A_391 = vector.shape_cast %scan3A_366#10 : vector<16xi32> to vector<16xi32>
    tpu.vector_store %arg11[%swap3A_388], %swap3A_391 {strides = array<i32>} : memref<128xi32, #tpu.memory_space<vmem>>, vector<16xi32>,
    %swap3A_392 = arith.constant 48 : index
    %swap3A_393 = tpu.vector_load %arg10[%swap3A_392] {strides = array<i32>} : memref<128xf32, #tpu.memory_space<vmem>>, vector<16xf32>,
    %swap3A_394 = vector.shape_cast %swap3A_393 : vector<16xf32> to vector<16xf32>
    %swap3A_395 = vector.shape_cast %scan3A_366#3 : vector<16xf32> to vector<16xf32>
    tpu.vector_store %arg10[%swap3A_392], %swap3A_395 {strides = array<i32>} : memref<128xf32, #tpu.memory_space<vmem>>, vector<16xf32>,
    %swap3A_396 = arith.constant 48 : index
    %swap3A_397 = tpu.vector_load %arg11[%swap3A_396] {strides = array<i32>} : memref<128xi32, #tpu.memory_space<vmem>>, vector<16xi32>,
    %swap3A_398 = vector.shape_cast %swap3A_397 : vector<16xi32> to vector<16xi32>
    %swap3A_399 = vector.shape_cast %scan3A_366#11 : vector<16xi32> to vector<16xi32>
    tpu.vector_store %arg11[%swap3A_396], %swap3A_399 {strides = array<i32>} : memref<128xi32, #tpu.memory_space<vmem>>, vector<16xi32>,
    %swap3A_400 = arith.constant 64 : index
    %swap3A_401 = tpu.vector_load %arg10[%swap3A_400] {strides = array<i32>} : memref<128xf32, #tpu.memory_space<vmem>>, vector<16xf32>,
    %swap3A_402 = vector.shape_cast %swap3A_401 : vector<16xf32> to vector<16xf32>
    %swap3A_403 = vector.shape_cast %scan3A_366#4 : vector<16xf32> to vector<16xf32>
    tpu.vector_store %arg10[%swap3A_400], %swap3A_403 {strides = array<i32>} : memref<128xf32, #tpu.memory_space<vmem>>, vector<16xf32>,
    %swap3A_404 = arith.constant 64 : index
    %swap3A_405 = tpu.vector_load %arg11[%swap3A_404] {strides = array<i32>} : memref<128xi32, #tpu.memory_space<vmem>>, vector<16xi32>,
    %swap3A_406 = vector.shape_cast %swap3A_405 : vector<16xi32> to vector<16xi32>
    %swap3A_407 = vector.shape_cast %scan3A_366#12 : vector<16xi32> to vector<16xi32>
    tpu.vector_store %arg11[%swap3A_404], %swap3A_407 {strides = array<i32>} : memref<128xi32, #tpu.memory_space<vmem>>, vector<16xi32>,
    %swap3A_408 = arith.constant 80 : index
    %swap3A_409 = tpu.vector_load %arg10[%swap3A_408] {strides = array<i32>} : memref<128xf32, #tpu.memory_space<vmem>>, vector<16xf32>,
    %swap3A_410 = vector.shape_cast %swap3A_409 : vector<16xf32> to vector<16xf32>
    %swap3A_411 = vector.shape_cast %scan3A_366#5 : vector<16xf32> to vector<16xf32>
    tpu.vector_store %arg10[%swap3A_408], %swap3A_411 {strides = array<i32>} : memref<128xf32, #tpu.memory_space<vmem>>, vector<16xf32>,
    %swap3A_412 = arith.constant 80 : index
    %swap3A_413 = tpu.vector_load %arg11[%swap3A_412] {strides = array<i32>} : memref<128xi32, #tpu.memory_space<vmem>>, vector<16xi32>,
    %swap3A_414 = vector.shape_cast %swap3A_413 : vector<16xi32> to vector<16xi32>
    %swap3A_415 = vector.shape_cast %scan3A_366#13 : vector<16xi32> to vector<16xi32>
    tpu.vector_store %arg11[%swap3A_412], %swap3A_415 {strides = array<i32>} : memref<128xi32, #tpu.memory_space<vmem>>, vector<16xi32>,
    %swap3A_416 = arith.constant 96 : index
    %swap3A_417 = tpu.vector_load %arg10[%swap3A_416] {strides = array<i32>} : memref<128xf32, #tpu.memory_space<vmem>>, vector<16xf32>,
    %swap3A_418 = vector.shape_cast %swap3A_417 : vector<16xf32> to vector<16xf32>
    %swap3A_419 = vector.shape_cast %scan3A_366#6 : vector<16xf32> to vector<16xf32>
    tpu.vector_store %arg10[%swap3A_416], %swap3A_419 {strides = array<i32>} : memref<128xf32, #tpu.memory_space<vmem>>, vector<16xf32>,
    %swap3A_420 = arith.constant 96 : index
    %swap3A_421 = tpu.vector_load %arg11[%swap3A_420] {strides = array<i32>} : memref<128xi32, #tpu.memory_space<vmem>>, vector<16xi32>,
    %swap3A_422 = vector.shape_cast %swap3A_421 : vector<16xi32> to vector<16xi32>
    %swap3A_423 = vector.shape_cast %scan3A_366#14 : vector<16xi32> to vector<16xi32>
    tpu.vector_store %arg11[%swap3A_420], %swap3A_423 {strides = array<i32>} : memref<128xi32, #tpu.memory_space<vmem>>, vector<16xi32>,
    %swap3A_424 = arith.constant 112 : index
    %swap3A_425 = tpu.vector_load %arg10[%swap3A_424] {strides = array<i32>} : memref<128xf32, #tpu.memory_space<vmem>>, vector<16xf32>,
    %swap3A_426 = vector.shape_cast %swap3A_425 : vector<16xf32> to vector<16xf32>
    %swap3A_427 = vector.shape_cast %scan3A_366#7 : vector<16xf32> to vector<16xf32>
    tpu.vector_store %arg10[%swap3A_424], %swap3A_427 {strides = array<i32>} : memref<128xf32, #tpu.memory_space<vmem>>, vector<16xf32>,
    %swap3A_428 = arith.constant 112 : index
    %swap3A_429 = tpu.vector_load %arg11[%swap3A_428] {strides = array<i32>} : memref<128xi32, #tpu.memory_space<vmem>>, vector<16xi32>,
    %swap3A_430 = vector.shape_cast %swap3A_429 : vector<16xi32> to vector<16xi32>
    %swap3A_431 = vector.shape_cast %scan3A_366#15 : vector<16xi32> to vector<16xi32>
    tpu.vector_store %arg11[%swap3A_428], %swap3A_431 {strides = array<i32>} : memref<128xi32, #tpu.memory_space<vmem>>, vector<16xi32>,
    %mul3A_432 = arith.constant 128 : i32
    %mul3A_433 = arith.muli %add3A, %mul3A_432 : i32
    "tpu.region"() ({
      %run_scoped3A = tpu.sem_alloc : memref<!tpu.dma_semaphore, #tpu.memory_space<semaphore_mem>>
      %dma_start3A_436 = tpu.memref_slice %arg6[%mul3A_433] : memref<4096xf32, #tpu.memory_space<hbm>> -> memref<128xf32, #tpu.memory_space<hbm>>
      %dma_start3A_437 = tpu.memref_slice %arg6[%mul3A_433] : memref<4096xf32, #tpu.memory_space<hbm>> -> memref<128xf32, #tpu.memory_space<hbm>>
      tpu.enqueue_dma source(%arg10 : memref<128xf32, #tpu.memory_space<vmem>>) target(%dma_start3A_437 : memref<128xf32, #tpu.memory_space<hbm>>) target_semaphore(%run_scoped3A : memref<!tpu.dma_semaphore, #tpu.memory_space<semaphore_mem>>)
      %dma_wait3A_438 = tpu.memref_slice %arg6[%mul3A_433] : memref<4096xf32, #tpu.memory_space<hbm>> -> memref<128xf32, #tpu.memory_space<hbm>>
      %dma_wait3A_439 = tpu.memref_slice %arg6[%mul3A_433] : memref<4096xf32, #tpu.memory_space<hbm>> -> memref<128xf32, #tpu.memory_space<hbm>>
      tpu.wait_dma2 semaphore(%run_scoped3A : memref<!tpu.dma_semaphore, #tpu.memory_space<semaphore_mem>>) src(%arg10 : memref<128xf32, #tpu.memory_space<vmem>>) dst(%dma_wait3A_439 : memref<128xf32, #tpu.memory_space<hbm>>)
      tpu.yield
    }) : () -> ()
    %mul3A_434 = arith.constant 128 : i32
    %mul3A_435 = arith.muli %add3A, %mul3A_434 : i32
    "tpu.region"() ({
      %run_scoped3A = tpu.sem_alloc : memref<!tpu.dma_semaphore, #tpu.memory_space<semaphore_mem>>
      %dma_start3A_436 = tpu.memref_slice %arg7[%mul3A_435] : memref<4096xi32, #tpu.memory_space<hbm>> -> memref<128xi32, #tpu.memory_space<hbm>>
      %dma_start3A_437 = tpu.memref_slice %arg7[%mul3A_435] : memref<4096xi32, #tpu.memory_space<hbm>> -> memref<128xi32, #tpu.memory_space<hbm>>
      tpu.enqueue_dma source(%arg11 : memref<128xi32, #tpu.memory_space<vmem>>) target(%dma_start3A_437 : memref<128xi32, #tpu.memory_space<hbm>>) target_semaphore(%run_scoped3A : memref<!tpu.dma_semaphore, #tpu.memory_space<semaphore_mem>>)
      %dma_wait3A_438 = tpu.memref_slice %arg7[%mul3A_435] : memref<4096xi32, #tpu.memory_space<hbm>> -> memref<128xi32, #tpu.memory_space<hbm>>
      %dma_wait3A_439 = tpu.memref_slice %arg7[%mul3A_435] : memref<4096xi32, #tpu.memory_space<hbm>> -> memref<128xi32, #tpu.memory_space<hbm>>
      tpu.wait_dma2 semaphore(%run_scoped3A : memref<!tpu.dma_semaphore, #tpu.memory_space<semaphore_mem>>) src(%arg11 : memref<128xi32, #tpu.memory_space<vmem>>) dst(%dma_wait3A_439 : memref<128xi32, #tpu.memory_space<hbm>>)
      tpu.yield
    }) : () -> ()
    return
  }
}

module attributes {stable_mosaic.version = 14 : i64} {
  func.func @_tc_argmax_body(%arg0: i32, %arg1: memref<4000x128xf32, #tpu.memory_space<vmem>>, %arg2: memref<4000x128xf32, #tpu.memory_space<vmem>>, %arg3: memref<2x128xf32, #tpu.memory_space<vmem>>, %arg4: memref<2x128xi32, #tpu.memory_space<vmem>>, %arg5: memref<16x128xf32, #tpu.memory_space<vmem>>, %arg6: memref<16x128xi32, #tpu.memory_space<vmem>>, %arg7: memref<16x128xf32, #tpu.memory_space<vmem>>, %arg8: memref<16x128xi32, #tpu.memory_space<vmem>>) attributes {dimension_semantics = [#tpu.dimension_semantics<arbitrary>], iteration_bounds = array<i64: 19>, scalar_prefetch = 0 : i64, scratch_operands = 4 : i64, tpu.core_type = #tpu.core_type<tc>, window_params = [{transform_indices = @transform_0, window_bounds = array<i64: 4000, 128>}, {transform_indices = @transform_1, window_bounds = array<i64: 4000, 128>}, {pipeline_mode = #tpu.pipeline_mode<synchronous>, transform_indices = @transform_2, window_bounds = array<i64: 2, 128>}, {pipeline_mode = #tpu.pipeline_mode<synchronous>, transform_indices = @transform_3, window_bounds = array<i64: 2, 128>}]} {
    %eq3A = arith.constant 0 : i32
    %eq3A_0 = arith.cmpi eq, %arg0, %eq3A : i32
    %convert_element_type3A = arith.extui %eq3A_0 : i1 to i32
    %cond3A = arith.constant 0 : i32
    %cond3A_1 = arith.cmpi ne, %convert_element_type3A, %cond3A : i32
    scf.if %cond3A_1 {
      %broadcast_in_dim3A_71 = arith.constant -1.000000e+00 : f32
      %broadcast_in_dim3A_72 = vector.broadcast %broadcast_in_dim3A_71 : f32 to vector<16x128xf32>
      %swap3A_73 = arith.constant 0 : index
      %swap3A_74 = arith.constant 0 : index
      %swap3A_75 = vector.load %arg5[%swap3A_73, %swap3A_74] : memref<16x128xf32, #tpu.memory_space<vmem>>, vector<16x128xf32>
      tpu.vector_store %arg5[%swap3A_73, %swap3A_74], %broadcast_in_dim3A_72 {strides = array<i32>} : memref<16x128xf32, #tpu.memory_space<vmem>>, vector<16x128xf32>,
      %broadcast_in_dim3A_76 = arith.constant 0 : i32
      %broadcast_in_dim3A_77 = vector.broadcast %broadcast_in_dim3A_76 : i32 to vector<16x128xi32>
      %swap3A_78 = arith.constant 0 : index
      %swap3A_79 = arith.constant 0 : index
      %swap3A_80 = vector.load %arg6[%swap3A_78, %swap3A_79] : memref<16x128xi32, #tpu.memory_space<vmem>>, vector<16x128xi32>
      tpu.vector_store %arg6[%swap3A_78, %swap3A_79], %broadcast_in_dim3A_77 {strides = array<i32>} : memref<16x128xi32, #tpu.memory_space<vmem>>, vector<16x128xi32>,
      %broadcast_in_dim3A_81 = arith.constant -1.000000e+00 : f32
      %broadcast_in_dim3A_82 = vector.broadcast %broadcast_in_dim3A_81 : f32 to vector<16x128xf32>
      %swap3A_83 = arith.constant 0 : index
      %swap3A_84 = arith.constant 0 : index
      %swap3A_85 = vector.load %arg7[%swap3A_83, %swap3A_84] : memref<16x128xf32, #tpu.memory_space<vmem>>, vector<16x128xf32>
      tpu.vector_store %arg7[%swap3A_83, %swap3A_84], %broadcast_in_dim3A_82 {strides = array<i32>} : memref<16x128xf32, #tpu.memory_space<vmem>>, vector<16x128xf32>,
      %broadcast_in_dim3A_86 = arith.constant 0 : i32
      %broadcast_in_dim3A_87 = vector.broadcast %broadcast_in_dim3A_86 : i32 to vector<16x128xi32>
      %swap3A_88 = arith.constant 0 : index
      %swap3A_89 = arith.constant 0 : index
      %swap3A_90 = vector.load %arg8[%swap3A_88, %swap3A_89] : memref<16x128xi32, #tpu.memory_space<vmem>>, vector<16x128xi32>
      tpu.vector_store %arg8[%swap3A_88, %swap3A_89], %broadcast_in_dim3A_87 {strides = array<i32>} : memref<16x128xi32, #tpu.memory_space<vmem>>, vector<16x128xi32>,
    } else {
    }
    %mul3A = arith.constant 250 : i32
    %mul3A_2 = arith.muli %arg0, %mul3A : i32
    %get3A = arith.constant 0 : index
    %get3A_3 = arith.constant 0 : index
    %get3A_4 = vector.load %arg5[%get3A, %get3A_3] : memref<16x128xf32, #tpu.memory_space<vmem>>, vector<16x128xf32>
    %get3A_5 = arith.constant 0 : index
    %get3A_6 = arith.constant 0 : index
    %get3A_7 = vector.load %arg6[%get3A_5, %get3A_6] : memref<16x128xi32, #tpu.memory_space<vmem>>, vector<16x128xi32>
    %get3A_8 = arith.constant 0 : index
    %get3A_9 = arith.constant 0 : index
    %get3A_10 = vector.load %arg7[%get3A_8, %get3A_9] : memref<16x128xf32, #tpu.memory_space<vmem>>, vector<16x128xf32>
    %get3A_11 = arith.constant 0 : index
    %get3A_12 = arith.constant 0 : index
    %get3A_13 = vector.load %arg8[%get3A_11, %get3A_12] : memref<16x128xi32, #tpu.memory_space<vmem>>, vector<16x128xi32>
    %scan3A = arith.constant 0 : i32
    %scan3A_14 = arith.constant 248 : i32
    %scan3A_15 = arith.addi %scan3A, %scan3A_14 : i32
    %scan3A_16 = arith.constant 4 : i32
    %scan3A_17:4 = scf.for %scan3A_71 = %scan3A to %scan3A_15 step %scan3A_16 iter_args(%scan3A_72 = %get3A_4, %scan3A_73 = %get3A_7, %scan3A_74 = %get3A_10, %scan3A_75 = %get3A_13) -> (vector<16x128xf32>, vector<16x128xi32>, vector<16x128xf32>, vector<16x128xi32>)  : i32 {
      %mul3A_76 = arith.constant 16 : i32
      %mul3A_77 = arith.muli %scan3A_71, %mul3A_76 : i32
      %get3A_78 = arith.index_cast %mul3A_77 : i32 to index
      %get3A_79 = arith.constant 0 : index
      %get3A_80 = vector.load %arg1[%get3A_78, %get3A_79] : memref<4000x128xf32, #tpu.memory_space<vmem>>, vector<16x128xf32>
      %mul3A_81 = arith.constant 16 : i32
      %mul3A_82 = arith.muli %scan3A_71, %mul3A_81 : i32
      %get3A_83 = arith.index_cast %mul3A_82 : i32 to index
      %get3A_84 = arith.constant 0 : index
      %get3A_85 = vector.load %arg2[%get3A_83, %get3A_84] : memref<4000x128xf32, #tpu.memory_space<vmem>>, vector<16x128xf32>
      %add3A_86 = arith.addi %mul3A_2, %scan3A_71 : i32
      %broadcast_in_dim3A_87 = vector.broadcast %add3A_86 : i32 to vector<16x128xi32>
      %gt3A_88 = arith.cmpf ogt, %get3A_80, %scan3A_72 : vector<16x128xf32>
      %gt3A_89 = arith.cmpf ogt, %get3A_85, %scan3A_74 : vector<16x128xf32>
      %select_n3A_90 = arith.select %gt3A_88, %get3A_80, %scan3A_72 : vector<16x128xi1>, vector<16x128xf32>
      %select_n3A_91 = arith.select %gt3A_88, %broadcast_in_dim3A_87, %scan3A_73 : vector<16x128xi1>, vector<16x128xi32>
      %select_n3A_92 = arith.select %gt3A_89, %get3A_85, %scan3A_74 : vector<16x128xi1>, vector<16x128xf32>
      %select_n3A_93 = arith.select %gt3A_89, %broadcast_in_dim3A_87, %scan3A_75 : vector<16x128xi1>, vector<16x128xi32>
      %scan3A_94 = arith.constant 1 : i32
      %scan3A_95 = arith.addi %scan3A_71, %scan3A_94 : i32
      %mul3A_96 = arith.constant 16 : i32
      %mul3A_97 = arith.muli %scan3A_95, %mul3A_96 : i32
      %get3A_98 = arith.index_cast %mul3A_97 : i32 to index
      %get3A_99 = arith.constant 0 : index
      %get3A_100 = vector.load %arg1[%get3A_98, %get3A_99] : memref<4000x128xf32, #tpu.memory_space<vmem>>, vector<16x128xf32>
      %mul3A_101 = arith.constant 16 : i32
      %mul3A_102 = arith.muli %scan3A_95, %mul3A_101 : i32
      %get3A_103 = arith.index_cast %mul3A_102 : i32 to index
      %get3A_104 = arith.constant 0 : index
      %get3A_105 = vector.load %arg2[%get3A_103, %get3A_104] : memref<4000x128xf32, #tpu.memory_space<vmem>>, vector<16x128xf32>
      %add3A_106 = arith.addi %mul3A_2, %scan3A_95 : i32
      %broadcast_in_dim3A_107 = vector.broadcast %add3A_106 : i32 to vector<16x128xi32>
      %gt3A_108 = arith.cmpf ogt, %get3A_100, %select_n3A_90 : vector<16x128xf32>
      %gt3A_109 = arith.cmpf ogt, %get3A_105, %select_n3A_92 : vector<16x128xf32>
      %select_n3A_110 = arith.select %gt3A_108, %get3A_100, %select_n3A_90 : vector<16x128xi1>, vector<16x128xf32>
      %select_n3A_111 = arith.select %gt3A_108, %broadcast_in_dim3A_107, %select_n3A_91 : vector<16x128xi1>, vector<16x128xi32>
      %select_n3A_112 = arith.select %gt3A_109, %get3A_105, %select_n3A_92 : vector<16x128xi1>, vector<16x128xf32>
      %select_n3A_113 = arith.select %gt3A_109, %broadcast_in_dim3A_107, %select_n3A_93 : vector<16x128xi1>, vector<16x128xi32>
      %scan3A_114 = arith.constant 2 : i32
      %scan3A_115 = arith.addi %scan3A_71, %scan3A_114 : i32
      %mul3A_116 = arith.constant 16 : i32
      %mul3A_117 = arith.muli %scan3A_115, %mul3A_116 : i32
      %get3A_118 = arith.index_cast %mul3A_117 : i32 to index
      %get3A_119 = arith.constant 0 : index
      %get3A_120 = vector.load %arg1[%get3A_118, %get3A_119] : memref<4000x128xf32, #tpu.memory_space<vmem>>, vector<16x128xf32>
      %mul3A_121 = arith.constant 16 : i32
      %mul3A_122 = arith.muli %scan3A_115, %mul3A_121 : i32
      %get3A_123 = arith.index_cast %mul3A_122 : i32 to index
      %get3A_124 = arith.constant 0 : index
      %get3A_125 = vector.load %arg2[%get3A_123, %get3A_124] : memref<4000x128xf32, #tpu.memory_space<vmem>>, vector<16x128xf32>
      %add3A_126 = arith.addi %mul3A_2, %scan3A_115 : i32
      %broadcast_in_dim3A_127 = vector.broadcast %add3A_126 : i32 to vector<16x128xi32>
      %gt3A_128 = arith.cmpf ogt, %get3A_120, %select_n3A_110 : vector<16x128xf32>
      %gt3A_129 = arith.cmpf ogt, %get3A_125, %select_n3A_112 : vector<16x128xf32>
      %select_n3A_130 = arith.select %gt3A_128, %get3A_120, %select_n3A_110 : vector<16x128xi1>, vector<16x128xf32>
      %select_n3A_131 = arith.select %gt3A_128, %broadcast_in_dim3A_127, %select_n3A_111 : vector<16x128xi1>, vector<16x128xi32>
      %select_n3A_132 = arith.select %gt3A_129, %get3A_125, %select_n3A_112 : vector<16x128xi1>, vector<16x128xf32>
      %select_n3A_133 = arith.select %gt3A_129, %broadcast_in_dim3A_127, %select_n3A_113 : vector<16x128xi1>, vector<16x128xi32>
      %scan3A_134 = arith.constant 3 : i32
      %scan3A_135 = arith.addi %scan3A_71, %scan3A_134 : i32
      %mul3A_136 = arith.constant 16 : i32
      %mul3A_137 = arith.muli %scan3A_135, %mul3A_136 : i32
      %get3A_138 = arith.index_cast %mul3A_137 : i32 to index
      %get3A_139 = arith.constant 0 : index
      %get3A_140 = vector.load %arg1[%get3A_138, %get3A_139] : memref<4000x128xf32, #tpu.memory_space<vmem>>, vector<16x128xf32>
      %mul3A_141 = arith.constant 16 : i32
      %mul3A_142 = arith.muli %scan3A_135, %mul3A_141 : i32
      %get3A_143 = arith.index_cast %mul3A_142 : i32 to index
      %get3A_144 = arith.constant 0 : index
      %get3A_145 = vector.load %arg2[%get3A_143, %get3A_144] : memref<4000x128xf32, #tpu.memory_space<vmem>>, vector<16x128xf32>
      %add3A_146 = arith.addi %mul3A_2, %scan3A_135 : i32
      %broadcast_in_dim3A_147 = vector.broadcast %add3A_146 : i32 to vector<16x128xi32>
      %gt3A_148 = arith.cmpf ogt, %get3A_140, %select_n3A_130 : vector<16x128xf32>
      %gt3A_149 = arith.cmpf ogt, %get3A_145, %select_n3A_132 : vector<16x128xf32>
      %select_n3A_150 = arith.select %gt3A_148, %get3A_140, %select_n3A_130 : vector<16x128xi1>, vector<16x128xf32>
      %select_n3A_151 = arith.select %gt3A_148, %broadcast_in_dim3A_147, %select_n3A_131 : vector<16x128xi1>, vector<16x128xi32>
      %select_n3A_152 = arith.select %gt3A_149, %get3A_145, %select_n3A_132 : vector<16x128xi1>, vector<16x128xf32>
      %select_n3A_153 = arith.select %gt3A_149, %broadcast_in_dim3A_147, %select_n3A_133 : vector<16x128xi1>, vector<16x128xi32>
      scf.yield %select_n3A_150, %select_n3A_151, %select_n3A_152, %select_n3A_153 : vector<16x128xf32>, vector<16x128xi32>, vector<16x128xf32>, vector<16x128xi32>
    }
    %scan3A_18 = arith.constant 248 : i32
    %scan3A_19 = arith.addi %scan3A, %scan3A_18 : i32
    %mul3A_20 = arith.constant 16 : i32
    %mul3A_21 = arith.muli %scan3A_19, %mul3A_20 : i32
    %get3A_22 = arith.index_cast %mul3A_21 : i32 to index
    %get3A_23 = arith.constant 0 : index
    %get3A_24 = vector.load %arg1[%get3A_22, %get3A_23] : memref<4000x128xf32, #tpu.memory_space<vmem>>, vector<16x128xf32>
    %mul3A_25 = arith.constant 16 : i32
    %mul3A_26 = arith.muli %scan3A_19, %mul3A_25 : i32
    %get3A_27 = arith.index_cast %mul3A_26 : i32 to index
    %get3A_28 = arith.constant 0 : index
    %get3A_29 = vector.load %arg2[%get3A_27, %get3A_28] : memref<4000x128xf32, #tpu.memory_space<vmem>>, vector<16x128xf32>
    %add3A = arith.addi %mul3A_2, %scan3A_19 : i32
    %broadcast_in_dim3A = vector.broadcast %add3A : i32 to vector<16x128xi32>
    %gt3A = arith.cmpf ogt, %get3A_24, %scan3A_17#0 : vector<16x128xf32>
    %gt3A_30 = arith.cmpf ogt, %get3A_29, %scan3A_17#2 : vector<16x128xf32>
    %select_n3A = arith.select %gt3A, %get3A_24, %scan3A_17#0 : vector<16x128xi1>, vector<16x128xf32>
    %select_n3A_31 = arith.select %gt3A, %broadcast_in_dim3A, %scan3A_17#1 : vector<16x128xi1>, vector<16x128xi32>
    %select_n3A_32 = arith.select %gt3A_30, %get3A_29, %scan3A_17#2 : vector<16x128xi1>, vector<16x128xf32>
    %select_n3A_33 = arith.select %gt3A_30, %broadcast_in_dim3A, %scan3A_17#3 : vector<16x128xi1>, vector<16x128xi32>
    %scan3A_34 = arith.constant 249 : i32
    %scan3A_35 = arith.addi %scan3A, %scan3A_34 : i32
    %mul3A_36 = arith.constant 16 : i32
    %mul3A_37 = arith.muli %scan3A_35, %mul3A_36 : i32
    %get3A_38 = arith.index_cast %mul3A_37 : i32 to index
    %get3A_39 = arith.constant 0 : index
    %get3A_40 = vector.load %arg1[%get3A_38, %get3A_39] : memref<4000x128xf32, #tpu.memory_space<vmem>>, vector<16x128xf32>
    %mul3A_41 = arith.constant 16 : i32
    %mul3A_42 = arith.muli %scan3A_35, %mul3A_41 : i32
    %get3A_43 = arith.index_cast %mul3A_42 : i32 to index
    %get3A_44 = arith.constant 0 : index
    %get3A_45 = vector.load %arg2[%get3A_43, %get3A_44] : memref<4000x128xf32, #tpu.memory_space<vmem>>, vector<16x128xf32>
    %add3A_46 = arith.addi %mul3A_2, %scan3A_35 : i32
    %broadcast_in_dim3A_47 = vector.broadcast %add3A_46 : i32 to vector<16x128xi32>
    %gt3A_48 = arith.cmpf ogt, %get3A_40, %select_n3A : vector<16x128xf32>
    %gt3A_49 = arith.cmpf ogt, %get3A_45, %select_n3A_32 : vector<16x128xf32>
    %select_n3A_50 = arith.select %gt3A_48, %get3A_40, %select_n3A : vector<16x128xi1>, vector<16x128xf32>
    %select_n3A_51 = arith.select %gt3A_48, %broadcast_in_dim3A_47, %select_n3A_31 : vector<16x128xi1>, vector<16x128xi32>
    %select_n3A_52 = arith.select %gt3A_49, %get3A_45, %select_n3A_32 : vector<16x128xi1>, vector<16x128xf32>
    %select_n3A_53 = arith.select %gt3A_49, %broadcast_in_dim3A_47, %select_n3A_33 : vector<16x128xi1>, vector<16x128xi32>
    %scan3A_54 = arith.constant 250 : i32
    %swap3A = arith.constant 0 : index
    %swap3A_55 = arith.constant 0 : index
    %swap3A_56 = vector.load %arg5[%swap3A, %swap3A_55] : memref<16x128xf32, #tpu.memory_space<vmem>>, vector<16x128xf32>
    tpu.vector_store %arg5[%swap3A, %swap3A_55], %select_n3A_50 {strides = array<i32>} : memref<16x128xf32, #tpu.memory_space<vmem>>, vector<16x128xf32>,
    %swap3A_57 = arith.constant 0 : index
    %swap3A_58 = arith.constant 0 : index
    %swap3A_59 = vector.load %arg6[%swap3A_57, %swap3A_58] : memref<16x128xi32, #tpu.memory_space<vmem>>, vector<16x128xi32>
    tpu.vector_store %arg6[%swap3A_57, %swap3A_58], %select_n3A_51 {strides = array<i32>} : memref<16x128xi32, #tpu.memory_space<vmem>>, vector<16x128xi32>,
    %swap3A_60 = arith.constant 0 : index
    %swap3A_61 = arith.constant 0 : index
    %swap3A_62 = vector.load %arg7[%swap3A_60, %swap3A_61] : memref<16x128xf32, #tpu.memory_space<vmem>>, vector<16x128xf32>
    tpu.vector_store %arg7[%swap3A_60, %swap3A_61], %select_n3A_52 {strides = array<i32>} : memref<16x128xf32, #tpu.memory_space<vmem>>, vector<16x128xf32>,
    %swap3A_63 = arith.constant 0 : index
    %swap3A_64 = arith.constant 0 : index
    %swap3A_65 = vector.load %arg8[%swap3A_63, %swap3A_64] : memref<16x128xi32, #tpu.memory_space<vmem>>, vector<16x128xi32>
    tpu.vector_store %arg8[%swap3A_63, %swap3A_64], %select_n3A_53 {strides = array<i32>} : memref<16x128xi32, #tpu.memory_space<vmem>>, vector<16x128xi32>,
    %eq3A_66 = arith.constant 18 : i32
    %eq3A_67 = arith.cmpi eq, %arg0, %eq3A_66 : i32
    %convert_element_type3A_68 = arith.extui %eq3A_67 : i1 to i32
    %cond3A_69 = arith.constant 0 : i32
    %cond3A_70 = arith.cmpi ne, %convert_element_type3A_68, %cond3A_69 : i32
    scf.if %cond3A_70 {
      %iota3A = tpu.iota {dimensions = array<i32: 0>} : vector<16x128xi32>
      %reduce_max3A = arith.constant dense<0xFF800000> : vector<128xf32>
      %reduce_max3A_71 = vector.multi_reduction <maximumf>, %select_n3A_50, %reduce_max3A [0] : vector<16x128xf32> to vector<128xf32>
      %broadcast_in_dim3A_72 = vector.shape_cast %reduce_max3A_71 : vector<128xf32> to vector<1x128xf32>
      %mul3A_73 = arith.constant 16 : i32
      %mul3A_74 = vector.broadcast %mul3A_73 : i32 to vector<16x128xi32>
      %mul3A_75 = arith.muli %select_n3A_51, %mul3A_74 : vector<16x128xi32>
      %add3A_76 = arith.addi %mul3A_75, %iota3A : vector<16x128xi32>
      %eq3A_77 = vector.broadcast %broadcast_in_dim3A_72 : vector<1x128xf32> to vector<16x128xf32>
      %eq3A_78 = arith.cmpf oeq, %select_n3A_50, %eq3A_77 : vector<16x128xf32>
      %jit3A = arith.constant 1073741824 : i32
      %broadcast_in_dim3A_79 = vector.broadcast %jit3A : i32 to vector<16x128xi32>
      %select_n3A_80 = arith.select %eq3A_78, %add3A_76, %broadcast_in_dim3A_79 : vector<16x128xi1>, vector<16x128xi32>
      %swap3A_81 = arith.constant 0 : index
      %swap3A_82 = arith.constant 0 : index
      %swap3A_83 = vector.load %arg3[%swap3A_81, %swap3A_82] : memref<2x128xf32, #tpu.memory_space<vmem>>, vector<1x128xf32>
      tpu.vector_store %arg3[%swap3A_81, %swap3A_82], %broadcast_in_dim3A_72 {strides = array<i32>} : memref<2x128xf32, #tpu.memory_space<vmem>>, vector<1x128xf32>,
      %reduce_min3A = arith.constant dense<2147483647> : vector<128xi32>
      %reduce_min3A_84 = vector.multi_reduction <minsi>, %select_n3A_80, %reduce_min3A [0] : vector<16x128xi32> to vector<128xi32>
      %broadcast_in_dim3A_85 = vector.shape_cast %reduce_min3A_84 : vector<128xi32> to vector<1x128xi32>
      %swap3A_86 = arith.constant 0 : index
      %swap3A_87 = arith.constant 0 : index
      %swap3A_88 = vector.load %arg4[%swap3A_86, %swap3A_87] : memref<2x128xi32, #tpu.memory_space<vmem>>, vector<1x128xi32>
      tpu.vector_store %arg4[%swap3A_86, %swap3A_87], %broadcast_in_dim3A_85 {strides = array<i32>} : memref<2x128xi32, #tpu.memory_space<vmem>>, vector<1x128xi32>,
      %reduce_max3A_89 = arith.constant dense<0xFF800000> : vector<128xf32>
      %reduce_max3A_90 = vector.multi_reduction <maximumf>, %select_n3A_52, %reduce_max3A_89 [0] : vector<16x128xf32> to vector<128xf32>
      %broadcast_in_dim3A_91 = vector.shape_cast %reduce_max3A_90 : vector<128xf32> to vector<1x128xf32>
      %mul3A_92 = arith.constant 16 : i32
      %mul3A_93 = vector.broadcast %mul3A_92 : i32 to vector<16x128xi32>
      %mul3A_94 = arith.muli %select_n3A_53, %mul3A_93 : vector<16x128xi32>
      %add3A_95 = arith.addi %mul3A_94, %iota3A : vector<16x128xi32>
      %eq3A_96 = vector.broadcast %broadcast_in_dim3A_91 : vector<1x128xf32> to vector<16x128xf32>
      %eq3A_97 = arith.cmpf oeq, %select_n3A_52, %eq3A_96 : vector<16x128xf32>
      %jit3A_98 = arith.constant 1073741824 : i32
      %broadcast_in_dim3A_99 = vector.broadcast %jit3A_98 : i32 to vector<16x128xi32>
      %select_n3A_100 = arith.select %eq3A_97, %add3A_95, %broadcast_in_dim3A_99 : vector<16x128xi1>, vector<16x128xi32>
      %swap3A_101 = arith.constant 1 : index
      %swap3A_102 = arith.constant 0 : index
      %swap3A_103 = vector.load %arg3[%swap3A_101, %swap3A_102] : memref<2x128xf32, #tpu.memory_space<vmem>>, vector<1x128xf32>
      tpu.vector_store %arg3[%swap3A_101, %swap3A_102], %broadcast_in_dim3A_91 {strides = array<i32>} : memref<2x128xf32, #tpu.memory_space<vmem>>, vector<1x128xf32>,
      %reduce_min3A_104 = arith.constant dense<2147483647> : vector<128xi32>
      %reduce_min3A_105 = vector.multi_reduction <minsi>, %select_n3A_100, %reduce_min3A_104 [0] : vector<16x128xi32> to vector<128xi32>
      %broadcast_in_dim3A_106 = vector.shape_cast %reduce_min3A_105 : vector<128xi32> to vector<1x128xi32>
      %swap3A_107 = arith.constant 1 : index
      %swap3A_108 = arith.constant 0 : index
      %swap3A_109 = vector.load %arg4[%swap3A_107, %swap3A_108] : memref<2x128xi32, #tpu.memory_space<vmem>>, vector<1x128xi32>
      tpu.vector_store %arg4[%swap3A_107, %swap3A_108], %broadcast_in_dim3A_106 {strides = array<i32>} : memref<2x128xi32, #tpu.memory_space<vmem>>, vector<1x128xi32>,
    } else {
    }
    return
  }
  func.func @transform_0(%arg0: i32) -> (i32, i32) {
    %c0_i32 = arith.constant 0 : i32
    %c0_i32_0 = arith.constant 0 : i32
    return %arg0, %c0_i32 : i32, i32
  }
  func.func @transform_1(%arg0: i32) -> (i32, i32) {
    %c0_i32 = arith.constant 0 : i32
    %c0_i32_0 = arith.constant 0 : i32
    return %arg0, %c0_i32 : i32, i32
  }
  func.func @transform_2(%arg0: i32) -> (i32, i32) {
    %c0_i32 = arith.constant 0 : i32
    %c0_i32_0 = arith.constant 0 : i32
    %c0_i32_1 = arith.constant 0 : i32
    return %c0_i32, %c0_i32_0 : i32, i32
  }
  func.func @transform_3(%arg0: i32) -> (i32, i32) {
    %c0_i32 = arith.constant 0 : i32
    %c0_i32_0 = arith.constant 0 : i32
    %c0_i32_1 = arith.constant 0 : i32
    return %c0_i32, %c0_i32_0 : i32, i32
  }
}

module attributes {stable_mosaic.version = 14 : i64} {
  func.func @_onehot_body(%arg0: i32, %arg1: memref<2x128xf32, #tpu.memory_space<vmem>>, %arg2: memref<2x128xi32, #tpu.memory_space<vmem>>, %arg3: memref<32x128xf32, #tpu.memory_space<vmem>>, %arg4: memref<32x128xi32, #tpu.memory_space<vmem>>, %arg5: memref<32x128xf32, #tpu.memory_space<vmem>>, %arg6: memref<32x128xi32, #tpu.memory_space<vmem>>, %arg7: memref<16000x128xf32, #tpu.memory_space<vmem>>, %arg8: memref<1x128xi32, #tpu.memory_space<vmem>>) attributes {dimension_semantics = [#tpu.dimension_semantics<arbitrary>], iteration_bounds = array<i64: 13>, scalar_prefetch = 0 : i64, scratch_operands = 1 : i64, tpu.core_type = #tpu.core_type<tc>, window_params = [{pipeline_mode = #tpu.pipeline_mode<synchronous>, transform_indices = @transform_0, window_bounds = array<i64: 2, 128>}, {pipeline_mode = #tpu.pipeline_mode<synchronous>, transform_indices = @transform_1, window_bounds = array<i64: 2, 128>}, {pipeline_mode = #tpu.pipeline_mode<synchronous>, transform_indices = @transform_2, window_bounds = array<i64: 32, 128>}, {pipeline_mode = #tpu.pipeline_mode<synchronous>, transform_indices = @transform_3, window_bounds = array<i64: 32, 128>}, {pipeline_mode = #tpu.pipeline_mode<synchronous>, transform_indices = @transform_4, window_bounds = array<i64: 32, 128>}, {pipeline_mode = #tpu.pipeline_mode<synchronous>, transform_indices = @transform_5, window_bounds = array<i64: 32, 128>}, {transform_indices = @transform_6, window_bounds = array<i64: 16000, 128>}]} {
    %eq3A = arith.constant 0 : i32
    %eq3A_0 = arith.cmpi eq, %arg0, %eq3A : i32
    %convert_element_type3A = arith.extui %eq3A_0 : i1 to i32
    %cond3A = arith.constant 0 : i32
    %cond3A_1 = arith.cmpi ne, %convert_element_type3A, %cond3A : i32
    scf.if %cond3A_1 {
      %broadcast_in_dim3A = arith.constant 0 : i32
      %broadcast_in_dim3A_12 = vector.broadcast %broadcast_in_dim3A : i32 to vector<1x128xi32>
      %get3A_13 = arith.constant 0 : index
      %get3A_14 = arith.constant 0 : index
      %get3A_15 = vector.load %arg1[%get3A_13, %get3A_14] : memref<2x128xf32, #tpu.memory_space<vmem>>, vector<1x128xf32>
      %get3A_16 = arith.constant 0 : index
      %get3A_17 = arith.constant 0 : index
      %get3A_18 = vector.load %arg2[%get3A_16, %get3A_17] : memref<2x128xi32, #tpu.memory_space<vmem>>, vector<1x128xi32>
      %get3A_19 = arith.constant 0 : index
      %get3A_20 = arith.constant 0 : index
      %get3A_21 = vector.load %arg3[%get3A_19, %get3A_20] : memref<32x128xf32, #tpu.memory_space<vmem>>, vector<32x128xf32>
      %reduce_max3A = arith.constant dense<0xFF800000> : vector<128xf32>
      %reduce_max3A_22 = vector.multi_reduction <maximumf>, %get3A_21, %reduce_max3A [0] : vector<32x128xf32> to vector<128xf32>
      %broadcast_in_dim3A_23 = vector.shape_cast %reduce_max3A_22 : vector<128xf32> to vector<1x128xf32>
      %max3A = arith.maximumf %broadcast_in_dim3A_23, %get3A_15 : vector<1x128xf32>
      %get3A_24 = arith.constant 0 : index
      %get3A_25 = arith.constant 0 : index
      %get3A_26 = vector.load %arg3[%get3A_24, %get3A_25] : memref<32x128xf32, #tpu.memory_space<vmem>>, vector<32x128xf32>
      %eq3A_27 = vector.broadcast %max3A : vector<1x128xf32> to vector<32x128xf32>
      %eq3A_28 = arith.cmpf oeq, %get3A_26, %eq3A_27 : vector<32x128xf32>
      %get3A_29 = arith.constant 0 : index
      %get3A_30 = arith.constant 0 : index
      %get3A_31 = vector.load %arg4[%get3A_29, %get3A_30] : memref<32x128xi32, #tpu.memory_space<vmem>>, vector<32x128xi32>
      %jit3A = arith.constant 1073741824 : i32
      %broadcast_in_dim3A_32 = vector.broadcast %jit3A : i32 to vector<32x128xi32>
      %select_n3A = arith.select %eq3A_28, %get3A_31, %broadcast_in_dim3A_32 : vector<32x128xi1>, vector<32x128xi32>
      %reduce_min3A = arith.constant dense<2147483647> : vector<128xi32>
      %reduce_min3A_33 = vector.multi_reduction <minsi>, %select_n3A, %reduce_min3A [0] : vector<32x128xi32> to vector<128xi32>
      %broadcast_in_dim3A_34 = vector.shape_cast %reduce_min3A_33 : vector<128xi32> to vector<1x128xi32>
      %eq3A_35 = arith.cmpf oeq, %get3A_15, %max3A : vector<1x128xf32>
      %jit3A_36 = arith.constant 1073741824 : i32
      %broadcast_in_dim3A_37 = vector.broadcast %jit3A_36 : i32 to vector<1x128xi32>
      %select_n3A_38 = arith.select %eq3A_35, %get3A_18, %broadcast_in_dim3A_37 : vector<1x128xi1>, vector<1x128xi32>
      %min3A = arith.minsi %broadcast_in_dim3A_34, %select_n3A_38 : vector<1x128xi32>
      %add3A_39 = arith.addi %broadcast_in_dim3A_12, %min3A : vector<1x128xi32>
      %get3A_40 = arith.constant 1 : index
      %get3A_41 = arith.constant 0 : index
      %get3A_42 = vector.load %arg1[%get3A_40, %get3A_41] : memref<2x128xf32, #tpu.memory_space<vmem>>, vector<1x128xf32>
      %get3A_43 = arith.constant 1 : index
      %get3A_44 = arith.constant 0 : index
      %get3A_45 = vector.load %arg2[%get3A_43, %get3A_44] : memref<2x128xi32, #tpu.memory_space<vmem>>, vector<1x128xi32>
      %get3A_46 = arith.constant 0 : index
      %get3A_47 = arith.constant 0 : index
      %get3A_48 = vector.load %arg5[%get3A_46, %get3A_47] : memref<32x128xf32, #tpu.memory_space<vmem>>, vector<32x128xf32>
      %reduce_max3A_49 = arith.constant dense<0xFF800000> : vector<128xf32>
      %reduce_max3A_50 = vector.multi_reduction <maximumf>, %get3A_48, %reduce_max3A_49 [0] : vector<32x128xf32> to vector<128xf32>
      %broadcast_in_dim3A_51 = vector.shape_cast %reduce_max3A_50 : vector<128xf32> to vector<1x128xf32>
      %max3A_52 = arith.maximumf %broadcast_in_dim3A_51, %get3A_42 : vector<1x128xf32>
      %get3A_53 = arith.constant 0 : index
      %get3A_54 = arith.constant 0 : index
      %get3A_55 = vector.load %arg5[%get3A_53, %get3A_54] : memref<32x128xf32, #tpu.memory_space<vmem>>, vector<32x128xf32>
      %eq3A_56 = vector.broadcast %max3A_52 : vector<1x128xf32> to vector<32x128xf32>
      %eq3A_57 = arith.cmpf oeq, %get3A_55, %eq3A_56 : vector<32x128xf32>
      %get3A_58 = arith.constant 0 : index
      %get3A_59 = arith.constant 0 : index
      %get3A_60 = vector.load %arg6[%get3A_58, %get3A_59] : memref<32x128xi32, #tpu.memory_space<vmem>>, vector<32x128xi32>
      %jit3A_61 = arith.constant 1073741824 : i32
      %broadcast_in_dim3A_62 = vector.broadcast %jit3A_61 : i32 to vector<32x128xi32>
      %select_n3A_63 = arith.select %eq3A_57, %get3A_60, %broadcast_in_dim3A_62 : vector<32x128xi1>, vector<32x128xi32>
      %reduce_min3A_64 = arith.constant dense<2147483647> : vector<128xi32>
      %reduce_min3A_65 = vector.multi_reduction <minsi>, %select_n3A_63, %reduce_min3A_64 [0] : vector<32x128xi32> to vector<128xi32>
      %broadcast_in_dim3A_66 = vector.shape_cast %reduce_min3A_65 : vector<128xi32> to vector<1x128xi32>
      %eq3A_67 = arith.cmpf oeq, %get3A_42, %max3A_52 : vector<1x128xf32>
      %jit3A_68 = arith.constant 1073741824 : i32
      %broadcast_in_dim3A_69 = vector.broadcast %jit3A_68 : i32 to vector<1x128xi32>
      %select_n3A_70 = arith.select %eq3A_67, %get3A_45, %broadcast_in_dim3A_69 : vector<1x128xi1>, vector<1x128xi32>
      %min3A_71 = arith.minsi %broadcast_in_dim3A_66, %select_n3A_70 : vector<1x128xi32>
      %add3A_72 = arith.addi %add3A_39, %min3A_71 : vector<1x128xi32>
      %swap3A_73 = arith.constant 0 : index
      %swap3A_74 = arith.constant 0 : index
      %swap3A_75 = vector.load %arg8[%swap3A_73, %swap3A_74] : memref<1x128xi32, #tpu.memory_space<vmem>>, vector<1x128xi32>
      tpu.vector_store %arg8[%swap3A_73, %swap3A_74], %add3A_72 {strides = array<i32>} : memref<1x128xi32, #tpu.memory_space<vmem>>, vector<1x128xi32>,
    } else {
    }
    %iota3A = tpu.iota {dimensions = array<i32: 0>} : vector<16000x128xi32>
    %mul3A = arith.constant 16000 : i32
    %mul3A_2 = arith.muli %arg0, %mul3A : i32
    %add3A = vector.broadcast %mul3A_2 : i32 to vector<16000x128xi32>
    %add3A_3 = arith.addi %iota3A, %add3A : vector<16000x128xi32>
    %get3A = arith.constant 0 : index
    %get3A_4 = arith.constant 0 : index
    %get3A_5 = vector.load %arg8[%get3A, %get3A_4] : memref<1x128xi32, #tpu.memory_space<vmem>>, vector<1x128xi32>
    %eq3A_6 = vector.broadcast %get3A_5 : vector<1x128xi32> to vector<16000x128xi32>
    %eq3A_7 = arith.cmpi eq, %add3A_3, %eq3A_6 : vector<16000x128xi32>
    %convert_element_type3A_8 = arith.extui %eq3A_7 : vector<16000x128xi1> to vector<16000x128xi32>
    %convert_element_type3A_9 = arith.sitofp %convert_element_type3A_8 : vector<16000x128xi32> to vector<16000x128xf32>
    %swap3A = arith.constant 0 : index
    %swap3A_10 = arith.constant 0 : index
    %swap3A_11 = vector.load %arg7[%swap3A, %swap3A_10] : memref<16000x128xf32, #tpu.memory_space<vmem>>, vector<16000x128xf32>
    tpu.vector_store %arg7[%swap3A, %swap3A_10], %convert_element_type3A_9 {strides = array<i32>} : memref<16000x128xf32, #tpu.memory_space<vmem>>, vector<16000x128xf32>,
    return
  }
  func.func @transform_0(%arg0: i32) -> (i32, i32) {
    %c0_i32 = arith.constant 0 : i32
    %c0_i32_0 = arith.constant 0 : i32
    %c0_i32_1 = arith.constant 0 : i32
    return %c0_i32, %c0_i32_0 : i32, i32
  }
  func.func @transform_1(%arg0: i32) -> (i32, i32) {
    %c0_i32 = arith.constant 0 : i32
    %c0_i32_0 = arith.constant 0 : i32
    %c0_i32_1 = arith.constant 0 : i32
    return %c0_i32, %c0_i32_0 : i32, i32
  }
  func.func @transform_2(%arg0: i32) -> (i32, i32) {
    %c0_i32 = arith.constant 0 : i32
    %c0_i32_0 = arith.constant 0 : i32
    %c0_i32_1 = arith.constant 0 : i32
    return %c0_i32, %c0_i32_0 : i32, i32
  }
  func.func @transform_3(%arg0: i32) -> (i32, i32) {
    %c0_i32 = arith.constant 0 : i32
    %c0_i32_0 = arith.constant 0 : i32
    %c0_i32_1 = arith.constant 0 : i32
    return %c0_i32, %c0_i32_0 : i32, i32
  }
  func.func @transform_4(%arg0: i32) -> (i32, i32) {
    %c0_i32 = arith.constant 0 : i32
    %c0_i32_0 = arith.constant 0 : i32
    %c0_i32_1 = arith.constant 0 : i32
    return %c0_i32, %c0_i32_0 : i32, i32
  }
  func.func @transform_5(%arg0: i32) -> (i32, i32) {
    %c0_i32 = arith.constant 0 : i32
    %c0_i32_0 = arith.constant 0 : i32
    %c0_i32_1 = arith.constant 0 : i32
    return %c0_i32, %c0_i32_0 : i32, i32
  }
  func.func @transform_6(%arg0: i32) -> (i32, i32) {
    %c0_i32 = arith.constant 0 : i32
    %c0_i32_0 = arith.constant 0 : i32
    return %arg0, %c0_i32 : i32, i32
  }
}

</mosaic_0001>

<sc_bundles>
// kernel: kernel.5.cloned.1.call-start
scs
__scs_entry_jumppad:
0x0: {  	(pc) =	sbr.rel $0x88, $3  }
0x1: {  	(tag) =	ssettag $0x0;
	lr =	simm.s32 $0x1  }
0x2: {  	[smem:$0x3F9F] =	sst lr;
	_ =	strace $0xD0000000  }
0x3: {  	_ = 	snop  }
0x4: {  	_ = 	snop  }
0x5: {  	_ = 	snop  }
0x6: {  	_ = 	snop  }
0x7: {  	_ = 	snop  }
__scs_overlays_trampoline_lowered:
0x8: {  	[smem:$0x3FAE] =	sst s0  }
0x9: {  	[smem:$0x3FAF] =	sst s1  }
0xa: {  	[smem:$0x3FB0] =	sst s2  }
0xb: {  	[smem:$0x3FB1] =	sst s3  }
0xc: {  	[smem:$0x3FB2] =	sst s4  }
0xd: {  	[smem:$0x3FB3] =	sst s5  }
0xe: {  	[smem:$0x3FB4] =	sst s6  }
0xf: {  	[smem:$0x3FB5] =	sst s7  }
0x10: {  	[smem:$0x3FB6] =	sst s8  }
0x11: {  	[smem:$0x3FB7] =	sst s9;
	s0 =	simm.s32 @!p0 $0x0  }
0x12: {  	s1 =	sld [smem:$0x3F9D];
	s0 =	simm.s32 @p0 $0x1  }
0x13: {  	[smem:$0x3FB8] =	sst s0;
	s0 =	simm.s32 @!p1 $0x0  }
0x14: {  	s2 =	sld [smem:$0x3F9C];
	s0 =	simm.s32 @p1 $0x1  }
0x15: {  	[smem:$0x3FB9] =	sst s0;
	s0 =	simm.s32 @!p2 $0x0  }
0x16: {  	s3 =	sld [smem:$0x3FDB];
	s0 =	simm.s32 @p2 $0x1  }
0x17: {  	s4 =	simm.s32 $0x1BF5;
	[smem:$0x3FBB] =	sst s0  }
0x18: {  	s0 =	sld [smem:$0x3F9E];
	_ =	swait.ge [sflag:s4], $0x0  }
0x19: {  	s7 =	sld [smem:$0x3F9F]  }
0x1a: {  	s8 =	sadd.s32 $0xFFFFE003, lr  }
0x1b: {  	s9 =	sadd.s32 $0xFFFFFEF7, lr;
	s5 =	simm.s32 $0xFFFFFFFF;
	p2 =	slt.u32 s8, $0xFFFFF086  }
0x1c: {  	p1 =	slt.u32 s9, $0xF7A;
	s5 =	simm.s32 @!p2 $0x0  }
0x1d: {  	s5 =	simm.s32 @p1 $0x1;
	p0 =	seq.s32 s7, s2  }
0x1e: {  	s7 =	smul.u32 @!p0 $0xF7A, s2;
	p2 =	seq.s32 @!p0 s5, $0x0  }
0x1f: {  	s9 =	smul.u32 $0xF7A, s1;
	s8 =	simm.s32 @!p0 $0x1BF5;
	p2 =	por !p2, p0  }
0x20: {  	[sflag:s8] =	ssyncset.s32 @!p0 $0xFFFFF086;
	s6 =	sadd.s32 @!p0 s3, s7;
	s7 =	simm.s32 @!p0 $0x108  }
0x21: {  	s3 =	sadd.s32 s3, s9;
	s6 =	sadd.s32 @!p0 $0x88, s6;
	s7 =	simm.s32 @p2 $0x1082  }
0x22: {  	[simem:s7], [sflag:s8] =	dma.local @!p0 [hbm:s6], $0xF7A  }
0x23: {  	s9 =	sor.u32 $0xD0000000, s2;
	s6 =	simm.s32 $0x108;
	_ =	swait.ge @!p0 [sflag:s8], $0x0  }
0x24: {  	s3 =	sadd.s32 $0x88, s3;
	s6 =	simm.s32 @!p1 $0x1082;
	[sflag:s4] =	ssyncset.s32 $0xFFFFF086  }
0x25: {  	[simem:s6], [sflag:s4] =	dma.local [hbm:s3], $0xF7A  }
0x26: {  	[smem:$0x3F9F] =	sst s1;
	(tag) =	ssettag s2;
	_ =	strace s9  }
0x27: {  	s1 =	sld [smem:$0x3FAF]  }
0x28: {  	s2 =	sld [smem:$0x3FB0]  }
0x29: {  	s4 =	sld [smem:$0x3FB2]  }
0x2a: {  	p0 =	seq.s32 s5, $0x0;
	s5 =	sld [smem:$0x3FB3]  }
0x2b: {  	s6 =	sld [smem:$0x3FB4]  }
0x2c: {  	s7 =	sld [smem:$0x3FB5]  }
0x2d: {  	s3 =	simm.s32 $0x108;
	s8 =	sld [smem:$0x3FB6]  }
0x2e: {  	s3 =	simm.s32 @!p0 $0x1082;
	s9 =	sld [smem:$0x3FB7]  }
0x2f: {  	lr =	sadd.s32 s0, s3;
	s0 =	sld [smem:$0x3FAE]  }
0x30: {  	s3 =	sld [smem:$0x3FB1]  }
0x31: {  	[smem:$0x3FBA] =	sst s10  }
0x32: {  	s10 =	sld [smem:$0x3FB8];
	_ =	sdelay $0x3  }
0x33: {  	p0 =	seq.s32 s10, $0x1;
	s10 =	sld [smem:$0x3FBA];
	_ =	sdelay $0x3  }
0x34: {  	[smem:$0x3FBA] =	sst s10  }
0x35: {  	s10 =	sld [smem:$0x3FB9];
	_ =	sdelay $0x3  }
0x36: {  	p1 =	seq.s32 s10, $0x1;
	s10 =	sld [smem:$0x3FBA];
	_ =	sdelay $0x3  }
0x37: {  	[smem:$0x3FBA] =	sst s10  }
0x38: {  	s10 =	sld [smem:$0x3FBB]  }
0x39: {  	_ = 	snop;
	(pc) =	sbr.ind lr, $3  }
0x3a: {  	_ = 	snop  }
0x3b: {  	_ = 	snop  }
0x3c: {  	p2 =	seq.s32 s10, $0x1;
	s10 =	sld [smem:$0x3FBA]  }
0x3d: {  	_ =	shalt  }
0x3e: {  	_ =	shalt  }
0x3f: {  	_ =	shalt  }
0x40: {  	_ =	shalt  }
0x41: {  	_ =	shalt  }
0x42: {  	_ =	shalt  }
0x43: {  	_ =	shalt  }
0x44: {  	_ =	shalt  }
0x45: {  	_ =	shalt  }
0x46: {  	_ =	shalt  }
0x47: {  	_ =	shalt  }
0x48: {  	_ =	shalt  }
0x49: {  	_ =	shalt  }
0x4a: {  	_ =	shalt  }
0x4b: {  	_ =	shalt  }
0x4c: {  	_ =	shalt  }
0x4d: {  	_ =	shalt  }
0x4e: {  	_ =	shalt  }
0x4f: {  	_ =	shalt  }
0x50: {  	_ =	shalt  }
0x51: {  	_ =	shalt  }
0x52: {  	_ =	shalt  }
0x53: {  	_ =	shalt  }
0x54: {  	_ =	shalt  }
0x55: {  	_ =	shalt  }
0x56: {  	_ =	shalt  }
0x57: {  	_ =	shalt  }
0x58: {  	_ =	shalt  }
0x59: {  	_ =	shalt  }
0x5a: {  	_ =	shalt  }
0x5b: {  	_ =	shalt  }
0x5c: {  	_ =	shalt  }
0x5d: {  	_ =	shalt  }
0x5e: {  	_ =	shalt  }
0x5f: {  	_ =	shalt  }
0x60: {  	_ =	shalt  }
0x61: {  	_ =	shalt  }
0x62: {  	_ =	shalt  }
0x63: {  	_ =	shalt  }
0x64: {  	_ =	shalt  }
0x65: {  	_ =	shalt  }
0x66: {  	_ =	shalt  }
0x67: {  	_ =	shalt  }
0x68: {  	_ =	shalt  }
0x69: {  	_ =	shalt  }
0x6a: {  	_ =	shalt  }
0x6b: {  	_ =	shalt  }
0x6c: {  	_ =	shalt  }
0x6d: {  	_ =	shalt  }
0x6e: {  	_ =	shalt  }
0x6f: {  	_ =	shalt  }
0x70: {  	_ =	shalt  }
0x71: {  	_ =	shalt  }
0x72: {  	_ =	shalt  }
0x73: {  	_ =	shalt  }
0x74: {  	_ =	shalt  }
0x75: {  	_ =	shalt  }
0x76: {  	_ =	shalt  }
0x77: {  	_ =	shalt  }
0x78: {  	_ =	shalt  }
0x79: {  	_ =	shalt  }
0x7a: {  	_ =	shalt  }
0x7b: {  	_ =	shalt  }
0x7c: {  	_ =	shalt  }
0x7d: {  	_ =	shalt  }
0x7e: {  	_ =	shalt  }
0x7f: {  	_ =	shalt  }
0x80: {  	_ =	shalt  }
0x81: {  	_ =	shalt  }
0x82: {  	_ =	shalt  }
0x83: {  	_ =	shalt  }
0x84: {  	_ =	shalt  }
0x85: {  	_ =	shalt  }
0x86: {  	_ =	shalt  }
0x87: {  	_ =	shalt  }
.Lfunc_end0:
.L_simem_size_0:
called_computation_lowered:
.L_overlay_start_0:
0x88: {  	s2 =	sld [smem:$0x3FD9]  }
0x89: {  	s3 =	sld [smem:$0x3FFE];
	_ =	sdelay $0x1  }
0x8a: {  	s1 =	srdreg.scid  }
0x8b: {  	s0 =	sand.u32 $0x1, s1  }
0x8c: {  	s17 =	sshll.u32 s0, $0xA;
	s2 =	sadd.s32 s3, s2  }
0x8d: {  	s2 =	sadd.s32 s2, s17  }
0x8e: {  	[smem:$0x3FC6] =	sst s2  }
0x8f: {  	_ = 	snop  }
0x90: {  	s2 =	sld [smem:$0x3FC9]  }
0x91: {  	s18 =	sld [smem:$0x3FC8]  }
0x92: {  	s4 =	sld [smem:$0x3FD0];
	(tm) =	ssettm $0x1  }
0x93: {  	s5 =	sld [smem:$0x3FFB];
	_ =	sdelay $0x3  }
0x94: {  	_ =	strace s5  }
0x95: {  	s5 =	sld [smem:$0x3FFC];
	_ =	sdelay $0x3  }
0x96: {  	_ =	strace s5  }
0x97: {  	s5 =	sld [smem:$0x3FFD];
	_ =	sdelay $0x3  }
0x98: {  	_ =	strace s5  }
0x99: {  	_ =	strace $0x8FFFFFFF  }
0x9a: {  	s19 =	sld [smem:$0x3FDB];
	_ =	sdelay $0x1  }
0x9b: {  	s6 =	simm.s32 $_scs_section_size  }
0x9c: {  	s7 =	simm.s32 $_size__tile_overlayer_lowered;
	s8 =	simm.s32 $_tile_overlayer_lowered  }
0x9d: {  	s22 =	simm.s32 $0x1BFF;
	s21 =	sshll.u32 s8, $0x1;
	s5 =	sadd.s32 s6, s19  }
0x9e: {  	s9 =	simm.s32 $0x0;
	s20 =	sshll.u32 s7, $0x1;
	s7 =	sadd.s32 s21, s5  }
0x9f: {  	[timem:s9], [sflag:s22] =	dma.local [hbm:s7], s20  }
0xa0: {  	_ =	swait.ge [sflag:s22], s20  }
0xa1: {  	s6 =	ssub.s32 $0x0, s20;
	[sflag:s22] =	ssyncset.done $0x0  }
0xa2: {  	[sflag:s22] =	ssyncadd.s32 s6;
	_ =	sdelay $0x1  }
0xa3: {  	s23 =	simm.s32 $0x1B8B  }
0xa4: {  	_ =	swait.ge [sflag:s23], $0x1  }
0xa5: {  	[sflag:s23] =	ssyncset.done $0x0  }
0xa6: {  	s25 =	simm.s32 $0x1B8E;
	s24 =	sld [smem:$0x3FFE];
	[sflag:s23] =	ssyncadd.s32 $0xFFFFFFFF  }
0xa7: {  	s26 =	simm.s32 $execute0_lowered;
	[smem:$0x3FD2] =	sst s25  }
0xa8: {  	s7 =	sshll.u32 s26, $0x1;
	_ =	strace $0x80000046;
	[dreg:$0x1] =	wrdreg $0xFFFFFFFF  }
0xa9: {  	s28 =	simm.s32 $_size_execute0_lowered;
	s5 =	sadd.s32 s5, s7;
	[dreg:$0x0] =	wrdreg $0x0  }
0xaa: {  	s7 =	sshll.u32 s28, $0x1;
	[dreg:$0x2] =	wrdreg s5  }
0xab: {  	[dreg:$0x3] =	wrdreg s7  }
0xac: {  	[dreg:$0x4] =	wrdreg $0xC0  }
0xad: {  	_ =	task [dreg:s9], $0x5FFFF  }
0xae: {  	[dreg:$0x1] =	wrdreg $0xFFFFFFFF  }
0xaf: {  	[dreg:$0x0] =	wrdreg $0x60  }
0xb0: {  	[dreg:$0x2] =	wrdreg s2  }
0xb1: {  	[dreg:$0x3] =	wrdreg s18  }
0xb2: {  	[dreg:$0x4] =	wrdreg s4  }
0xb3: {  	[dreg:$0x5] =	wrdreg s24  }
0xb4: {  	[dreg:$0x6] =	wrdreg $0x9  }
0xb5: {  	_ =	task.clear_ibuf [dreg:s9], $0x7FFFF;
	_ =	strace $0x90000046  }
0xb6: {  	s29 =	simm.s32 $0x9;
	_ =	strace $0x80000048  }
0xb7: {  	_ =	swait.ge [sflag:s29], $0x1  }
0xb8: {  	[sflag:s29] =	ssyncadd.s32 $0xFFFFFFFF  }
0xb9: {  	_ =	strace $0x90000048  }
0xba: {  	_ =	sfence  }
0xbb: {  	s30 =	sld [smem:$0x0];
	_ =	sdelay $0x2  }
0xbc: {  	s31 =	sshll.u32 s1, $0xD;
	s1 =	sshrl.u32 s1, $0x2  }
0xbd: {  	s3 =	sand.u32 $0x4000, s31;
	s1 =	sadd.s32 s1, s30  }
0xbe: {  	s0 =	sor.u32 s3, s0;
	s1 =	sshll.u32 s1, $0x11  }
0xbf: {  	s0 =	sor.u32 s1, s0  }
0xc0: {  	s0 =	sadd.s32 $0x8F2B, s0  }
0xc1: {  	[sflag:s0] =	ssyncadd.remote.s32 $0x1  }
0xc2: {  	_ =	sfence.sel $0xFFFF  }
0xc3: {  	[dreg:$0x0] =	wrdreg $0xFFFFFFFF;
	(pc) =	sbr.abs _section_cstart, $3  }
0xc4: {  	[dreg:$0x1] =	wrdreg $0xFFFFFFFF  }
0xc5: {  	_ =	task.clear_ibuf [dreg:s9], $0x2FFFF;
	_ =	strace $0x9FFFFFFF  }
0xc6: {  	(tm) =	ssettm $0x7FFFFFFF  }
0xc7: {  	_ =	shalt  }
tec
execute0_lowered:
.L_overlay_start_1:
0x0: {  	(tag) =	ssettag $0x1  }
0x1: {  	s0 =	rddreg [dreg:$0x0]  }
0x2: {  	s1 =	rddreg [dreg:$0x1]  }
0x3: {  	s3 =	rddreg [dreg:$0x2];
	s2 =	srdreg.scid  }
0x4: {  	s17 =	stileid.u32;
	s4 =	rddreg [dreg:$0x3];
	s28 =	simm.s32 $0x1  }
0x5: {  	s29 =	simm.s32 $0x2;
	s30 =	simm.s32 $0x7D00;
	s31 =	simm.s32 $0x3  }
0x6: {  	s5 =	sand.u32 $0x1, s2;
	s6 =	sshll.u32 s17, $0x1;
	s25 =	smul.u32 $0x5DC, s17  }
0x7: {  	s2 =	simm.s32 $0x0;
	s6 =	sor.u32 s5, s6;
	s26 =	smul.u32 $0x2EE, s5  }
0x8: {  	[smem:$0x7FF] =	sst s2;
	s8 =	ssub.s32 $0x2, s5;
	s7 =	smul.u32 $0x2EE0, s6  }
0x9: {  	_ =	strace $0x80000047;
	s6 =	sshll.u32 s6, $0x4;
	s9 =	sshrl.u32 s8, $0x1  }
0xa: {  	s4 =	sadd.s32 s6, s4;
	s11 =	sadd.s32 $0x128E00, s7;
	s12 =	sadd.s32 $0x1295D0, s7  }
0xb: {  	s19 =	ssub.s32 s8, s9;
	s13 =	sadd.s32 $0x129DA0, s7;
	s14 =	sadd.s32 $0x12A570, s7  }
0xc: {  	s9 =	sadd.s32 s3, s6;
	s15 =	sadd.s32 $0x12AD40, s7;
	s16 =	sadd.s32 $0x12B510, s7  }
0xd: {  	s10 =	sadd.s32 $0x1200, s4;
	s17 =	sadd.s32 $0x1400, s4;
	s18 =	sadd.s32 $0x1600, s4  }
0xe: {  	s19 =	smax.u32 s19, $0x1;
	s21 =	sadd.s32 s0, s11;
	s22 =	sadd.s32 s0, s12  }
0xf: {  	s23 =	sadd.s32 s0, s13;
	s24 =	sadd.s32 s0, s14;
	s7 =	sadd.s32 s0, s15  }
0x10: {  	s8 =	sadd.s32 s0, s16;
	s11 =	sadd.s32 s1, s11;
	s12 =	sadd.s32 s1, s12  }
0x11: {  	s13 =	sadd.s32 s1, s13;
	s14 =	sadd.s32 s1, s14;
	[dreg:$0x5] =	wrdreg s21  }
0x12: {  	s15 =	sadd.s32 s1, s15;
	s16 =	sadd.s32 s1, s16;
	[dreg:$0x6] =	wrdreg s22  }
0x13: {  	s0 =	sadd.s32 s26, s25;
	s26 =	simm.s32 $0x3E80;
	[dreg:$0x7] =	wrdreg s23  }
0x14: {  	s1 =	simm.s32 $0x7D80;
	[dreg:$0x8] =	wrdreg s24;
	s20 =	sadd.s32 $0x128E0, s0  }
0x15: {  	s21 =	sadd.s32 $0x1295D, s0;
	s22 =	sadd.s32 $0x129DA, s0;
	s23 =	sadd.s32 $0x12A57, s0  }
0x16: {  	s24 =	sadd.s32 $0x12AD4, s0;
	s25 =	sadd.s32 $0x12B51, s0;
	s0 =	simm.s32 $0x0  }
.LBB2_1:
0x17: {  	s3 =	rddreg [dreg:$0x5]  }
0x18: {  	[tilespmem:s2], [sflag:$0x1] =	stream.linear.gather [hbm4b:s3+s2], $0x3E80, $0x38;
	[tilespmem:$0x7E00] =	vst v63  }
0x19: {  	s5 =	rddreg [dreg:$0x6]  }
0x1a: {  	[tilespmem:s26], [sflag:$0x2] =	stream.linear.gather [hbm4b:s5+s2], $0x3E80, $0x38;
	[tilespmem:$0x7E00] =	vst v63  }
0x1b: {  	_ =	swait.ge [sflag:s28], $0x3E80  }
0x1c: {  	[sflag:s28] =	ssyncset.done $0x0  }
0x1d: {  	s6 =	simm.s32 $0x40;
	[sflag:s28] =	ssyncadd.s32 $0xFFFFC180  }
0x1e: {  	v2 =	vld [tilespmem:s6+$0xFFFFFFC0]  }
0x1f: {  	v4 =	vld [tilespmem:s6+$0xFFFFFFD0]  }
0x20: {  	v6 =	vld [tilespmem:s6+$0xFFFFFFE0]  }
0x21: {  	v7 =	vld [tilespmem:s6+$0xFFFFFFF0]  }
0x22: {  	v8 =	vld [tilespmem:s6+$0x0]  }
0x23: {  	v10 =	vld [tilespmem:s6+$0x10]  }
0x24: {  	v11 =	vld [tilespmem:s6+$0x20];
	_ =	sdelay $0x1  }
0x25: {  	v12 =	vimm.f32 $-1.000000000e+00;
	s5 =	simm.s32 $0xC0;
	v13 =	vld [tilespmem:s6+$0x30]  }
0x26: {  	v0 =	vimm.s32 $0x0;
	v22 =	vld [tilespmem:s5+$0xFFFFFFC0];
	vm0 =	vgt.f32 v2, v12;
	vm1 =	vgt.f32 v4, v12  }
0x27: {  	v1 =	vld [tilespmem:s5+$0xFFFFFFD0];
	vm2 =	vgt.f32 v6, v12;
	vm3 =	vgt.f32 v7, v12;
	vm4 =	vgt.f32 v8, v12  }
0x28: {  	s3 =	sadd.s32 $0x0, s20;
	v23 =	vld [tilespmem:s5+$0xFFFFFFE0];
	vm5 =	vgt.f32 v10, v12;
	vm6 =	vgt.f32 v11, v12;
	v3 =	vsel vm0, v2, v12  }
0x29: {  	v16 =	vld [tilespmem:s5+$0x0];
	v5 =	vsel vm0, s3, v0;
	v4 =	vsel vm1, v4, v12;
	v6 =	vsel vm2, v6, v12  }
0x2a: {  	v9 =	vld [tilespmem:s5+$0x10];
	v7 =	vsel vm3, v7, v12;
	v8 =	vsel vm4, v8, v12;
	vm0 =	vgt.f32 v13, v12  }
0x2b: {  	v2 =	vld [tilespmem:s5+$0xFFFFFFF0];
	v10 =	vsel vm5, v10, v12;
	v11 =	vsel vm6, v11, v12;
	v14 =	vsel vm2, s3, v0  }
0x2c: {  	v20 =	vld [tilespmem:s5+$0x20];
	v15 =	vsel vm3, s3, v0;
	v17 =	vsel vm4, s3, v0;
	v18 =	vsel vm5, s3, v0  }
0x2d: {  	s4 =	simm.s32 $0x1;
	v21 =	vld [tilespmem:s5+$0x30];
	s6 =	simm.s32 $0x2;
	s5 =	simm.s32 $0x140;
	v19 =	vsel vm6, s3, v0;
	v12 =	vsel vm0, v13, v12;
	v13 =	vsel vm1, s3, v0  }
.LBB2_2:
0x2e: {  	v24 =	vld [tilespmem:s5+$0xFFFFFFC0];
	p0 =	sne.s32 s6, $0x7C;
	vm1 =	vgt.f32 v22, v3;
	vm2 =	vgt.f32 v1, v4;
	v0 =	vsel vm0, s3, v0;
	s3 =	sadd.s32 s4, s20;
	s4 =	smov.u32 s6  }
0x2f: {  	v3 =	vsel vm1, v22, v3;
	v5 =	vsel vm1, s3, v5;
	v4 =	vsel vm2, v1, v4;
	v1 =	vld [tilespmem:s5+$0xFFFFFFD0]  }
0x30: {  	vm3 =	vgt.f32 v2, v7;
	vm1 =	vgt.f32 v23, v6;
	vm4 =	vgt.f32 v16, v8;
	v25 =	vld [tilespmem:s5+$0xFFFFFFE0]  }
.Ltmp0:
0x31: {  	v7 =	vsel vm3, v2, v7;
	v6 =	vsel vm1, v23, v6;
	v8 =	vsel vm4, v16, v8;
	v2 =	vld [tilespmem:s5+$0xFFFFFFF0];
	(pc) =	sbr.rel @p0 .LBB2_2-.Ltmp0, $4  }
0x32: {  	vm5 =	vgt.f32 v9, v10;
	vm6 =	vgt.f32 v20, v11;
	v16 =	vld [tilespmem:s5+$0x0];
	vm0 =	vgt.f32 v21, v12  }
0x33: {  	v10 =	vsel vm5, v9, v10;
	v11 =	vsel vm6, v20, v11;
	v9 =	vld [tilespmem:s5+$0x10];
	v12 =	vsel vm0, v21, v12;
	v22 =	vmovc v24  }
0x34: {  	v13 =	vsel vm2, s3, v13;
	v15 =	vsel vm3, s3, v15;
	v14 =	vsel vm1, s3, v14;
	v20 =	vld [tilespmem:s5+$0x20]  }
0x35: {  	s6 =	sadd.s32 $0x1, s6;
	v17 =	vsel vm4, s3, v17;
	v18 =	vsel vm5, s3, v18;
	v19 =	vsel vm6, s3, v19;
	v21 =	vld [tilespmem:s5+$0x30];
	s5 =	sadd.s32 $0x80, s5;
	v23 =	vmovc v25  }
0x36: {  	s5 =	simm.s32 $0x0;
	s6 =	rddreg [dreg:$0x7]  }
0x37: {  	[tilespmem:s5], [sflag:$0x1] =	stream.linear.gather [hbm4b:s6+s5], $0x3E80, $0x38;
	[tilespmem:$0x7E00] =	vst v63  }
0x38: {  	_ =	swait.ge [sflag:s29], $0x3E80  }
0x39: {  	[sflag:s29] =	ssyncset.done $0x0  }
0x3a: {  	s6 =	simm.s32 $0x3EC0;
	[sflag:s29] =	ssyncadd.s32 $0xFFFFC180  }
0x3b: {  	v24 =	vld [tilespmem:s6+$0xFFFFFFC0]  }
0x3c: {  	vm1 =	vgt.f32 v22, v3;
	vm2 =	vgt.f32 v1, v4;
	v0 =	vsel vm0, s3, v0;
	v25 =	vld [tilespmem:s6+$0xFFFFFFD0]  }
0x3d: {  	s4 =	sadd.s32 s4, s20;
	vm0 =	vgt.f32 v23, v6;
	v3 =	vsel vm1, v22, v3;
	vm3 =	vgt.f32 v16, v8;
	v26 =	vld [tilespmem:s6+$0xFFFFFFE0]  }
0x3e: {  	v5 =	vsel vm1, s4, v5;
	v4 =	vsel vm2, v1, v4;
	v8 =	vsel vm3, v16, v8;
	v16 =	vld [tilespmem:s6+$0xFFFFFFF0]  }
0x3f: {  	vm1 =	vgt.f32 v2, v7;
	v6 =	vsel vm0, v23, v6;
	vm5 =	vgt.f32 v20, v11;
	v27 =	vld [tilespmem:s6+$0x0]  }
0x40: {  	v13 =	vsel vm2, s4, v13;
	vm6 =	vgt.f32 v21, v12;
	v11 =	vsel vm5, v20, v11;
	v20 =	vld [tilespmem:s6+$0x10]  }
0x41: {  	v14 =	vsel vm0, s4, v14;
	v7 =	vsel vm1, v2, v7;
	v12 =	vsel vm6, v21, v12;
	v21 =	vld [tilespmem:s6+$0x20]  }
0x42: {  	vm4 =	vgt.f32 v9, v10;
	v15 =	vsel vm1, s4, v15;
	v17 =	vsel vm3, s4, v17  }
0x43: {  	v10 =	vsel vm4, v9, v10;
	v18 =	vsel vm4, s4, v18;
	v19 =	vsel vm5, s4, v19;
	v28 =	vld [tilespmem:s6+$0x30];
	s6 =	simm.s32 $0x3F40  }
0x44: {  	v0 =	vsel vm6, s4, v0;
	v22 =	vld [tilespmem:s6+$0xFFFFFFC0];
	vm0 =	vgt.f32 v24, v3;
	vm1 =	vgt.f32 v25, v4  }
0x45: {  	v1 =	vld [tilespmem:s6+$0xFFFFFFD0];
	vm2 =	vgt.f32 v26, v6;
	vm3 =	vgt.f32 v16, v7;
	vm13 =	vgt.f32 v27, v8  }
0x46: {  	s3 =	sadd.s32 $0x0, s21;
	v23 =	vld [tilespmem:s6+$0xFFFFFFE0];
	vm14 =	vgt.f32 v20, v10;
	vm15 =	vgt.f32 v21, v11;
	v3 =	vsel vm0, v24, v3  }
0x47: {  	v2 =	vld [tilespmem:s6+$0xFFFFFFF0];
	v5 =	vsel vm0, s3, v5;
	v4 =	vsel vm1, v25, v4;
	v6 =	vsel vm2, v26, v6  }
0x48: {  	v9 =	vld [tilespmem:s6+$0x10];
	v7 =	vsel vm3, v16, v7;
	v8 =	vsel vm13, v27, v8;
	vm0 =	vgt.f32 v28, v12  }
0x49: {  	v16 =	vld [tilespmem:s6+$0x0];
	v10 =	vsel vm14, v20, v10;
	v11 =	vsel vm15, v21, v11;
	v13 =	vsel vm1, s3, v13  }
0x4a: {  	v20 =	vld [tilespmem:s6+$0x20];
	v14 =	vsel vm2, s3, v14;
	v15 =	vsel vm3, s3, v15;
	v17 =	vsel vm13, s3, v17  }
0x4b: {  	s5 =	simm.s32 $0x3FC0;
	s4 =	simm.s32 $0x1;
	v21 =	vld [tilespmem:s6+$0x30];
	s6 =	simm.s32 $0x2;
	v18 =	vsel vm14, s3, v18;
	v19 =	vsel vm15, s3, v19;
	v12 =	vsel vm0, v28, v12  }
.LBB2_4:
0x4c: {  	v24 =	vld [tilespmem:s5+$0xFFFFFFC0];
	p0 =	sne.s32 s6, $0x7C;
	vm1 =	vgt.f32 v22, v3;
	vm2 =	vgt.f32 v1, v4;
	v0 =	vsel vm0, s3, v0;
	s3 =	sadd.s32 s4, s21;
	s4 =	smov.u32 s6  }
0x4d: {  	v3 =	vsel vm1, v22, v3;
	v5 =	vsel vm1, s3, v5;
	v4 =	vsel vm2, v1, v4;
	v1 =	vld [tilespmem:s5+$0xFFFFFFD0]  }
0x4e: {  	vm3 =	vgt.f32 v2, v7;
	vm1 =	vgt.f32 v23, v6;
	vm4 =	vgt.f32 v16, v8;
	v25 =	vld [tilespmem:s5+$0xFFFFFFE0]  }
.Ltmp1:
0x4f: {  	v7 =	vsel vm3, v2, v7;
	v6 =	vsel vm1, v23, v6;
	v8 =	vsel vm4, v16, v8;
	v2 =	vld [tilespmem:s5+$0xFFFFFFF0];
	(pc) =	sbr.rel @p0 .LBB2_4-.Ltmp1, $4  }
0x50: {  	vm5 =	vgt.f32 v9, v10;
	vm6 =	vgt.f32 v20, v11;
	v16 =	vld [tilespmem:s5+$0x0];
	vm0 =	vgt.f32 v21, v12  }
0x51: {  	v10 =	vsel vm5, v9, v10;
	v11 =	vsel vm6, v20, v11;
	v9 =	vld [tilespmem:s5+$0x10];
	v12 =	vsel vm0, v21, v12;
	v22 =	vmovc v24  }
0x52: {  	v13 =	vsel vm2, s3, v13;
	v15 =	vsel vm3, s3, v15;
	v14 =	vsel vm1, s3, v14;
	v20 =	vld [tilespmem:s5+$0x20]  }
0x53: {  	s6 =	sadd.s32 $0x1, s6;
	v17 =	vsel vm4, s3, v17;
	v18 =	vsel vm5, s3, v18;
	v19 =	vsel vm6, s3, v19;
	v21 =	vld [tilespmem:s5+$0x30];
	s5 =	sadd.s32 $0x80, s5;
	v23 =	vmovc v25  }
0x54: {  	s5 =	simm.s32 $0x0;
	s6 =	rddreg [dreg:$0x8]  }
0x55: {  	[tilespmem:s26], [sflag:$0x2] =	stream.linear.gather [hbm4b:s6+s5], $0x3E80, $0x38;
	[tilespmem:$0x7E00] =	vst v63  }
0x56: {  	_ =	swait.ge [sflag:s28], $0x3E80  }
0x57: {  	[sflag:s28] =	ssyncset.done $0x0  }
0x58: {  	s6 =	simm.s32 $0x40;
	[sflag:s28] =	ssyncadd.s32 $0xFFFFC180  }
0x59: {  	v24 =	vld [tilespmem:s6+$0xFFFFFFC0]  }
0x5a: {  	vm1 =	vgt.f32 v22, v3;
	vm2 =	vgt.f32 v1, v4;
	v0 =	vsel vm0, s3, v0;
	v25 =	vld [tilespmem:s6+$0xFFFFFFD0]  }
0x5b: {  	s4 =	sadd.s32 s4, s21;
	vm0 =	vgt.f32 v23, v6;
	v3 =	vsel vm1, v22, v3;
	vm3 =	vgt.f32 v16, v8;
	v26 =	vld [tilespmem:s6+$0xFFFFFFE0]  }
0x5c: {  	v5 =	vsel vm1, s4, v5;
	v4 =	vsel vm2, v1, v4;
	v8 =	vsel vm3, v16, v8;
	v16 =	vld [tilespmem:s6+$0xFFFFFFF0]  }
0x5d: {  	vm1 =	vgt.f32 v2, v7;
	v6 =	vsel vm0, v23, v6;
	vm5 =	vgt.f32 v20, v11;
	v27 =	vld [tilespmem:s6+$0x0]  }
0x5e: {  	v13 =	vsel vm2, s4, v13;
	vm6 =	vgt.f32 v21, v12;
	v11 =	vsel vm5, v20, v11;
	v20 =	vld [tilespmem:s6+$0x10]  }
0x5f: {  	v14 =	vsel vm0, s4, v14;
	v7 =	vsel vm1, v2, v7;
	v12 =	vsel vm6, v21, v12;
	v21 =	vld [tilespmem:s6+$0x20]  }
0x60: {  	vm4 =	vgt.f32 v9, v10;
	v15 =	vsel vm1, s4, v15;
	v17 =	vsel vm3, s4, v17  }
0x61: {  	v10 =	vsel vm4, v9, v10;
	v18 =	vsel vm4, s4, v18;
	v19 =	vsel vm5, s4, v19;
	v28 =	vld [tilespmem:s6+$0x30];
	s6 =	simm.s32 $0xC0  }
0x62: {  	v0 =	vsel vm6, s4, v0;
	v22 =	vld [tilespmem:s6+$0xFFFFFFC0];
	vm0 =	vgt.f32 v24, v3;
	vm1 =	vgt.f32 v25, v4  }
0x63: {  	v1 =	vld [tilespmem:s6+$0xFFFFFFD0];
	vm2 =	vgt.f32 v26, v6;
	vm3 =	vgt.f32 v16, v7;
	vm13 =	vgt.f32 v27, v8  }
0x64: {  	s3 =	sadd.s32 $0x0, s22;
	v23 =	vld [tilespmem:s6+$0xFFFFFFE0];
	vm14 =	vgt.f32 v20, v10;
	vm15 =	vgt.f32 v21, v11;
	v3 =	vsel vm0, v24, v3  }
0x65: {  	v2 =	vld [tilespmem:s6+$0xFFFFFFF0];
	v5 =	vsel vm0, s3, v5;
	v4 =	vsel vm1, v25, v4;
	v6 =	vsel vm2, v26, v6  }
0x66: {  	v9 =	vld [tilespmem:s6+$0x10];
	v7 =	vsel vm3, v16, v7;
	v8 =	vsel vm13, v27, v8;
	vm0 =	vgt.f32 v28, v12  }
0x67: {  	v16 =	vld [tilespmem:s6+$0x0];
	v10 =	vsel vm14, v20, v10;
	v11 =	vsel vm15, v21, v11;
	v13 =	vsel vm1, s3, v13  }
0x68: {  	v20 =	vld [tilespmem:s6+$0x20];
	v14 =	vsel vm2, s3, v14;
	v15 =	vsel vm3, s3, v15;
	v17 =	vsel vm13, s3, v17  }
0x69: {  	s5 =	simm.s32 $0x140;
	s4 =	simm.s32 $0x1;
	v21 =	vld [tilespmem:s6+$0x30];
	s6 =	simm.s32 $0x2;
	v18 =	vsel vm14, s3, v18;
	v19 =	vsel vm15, s3, v19;
	v12 =	vsel vm0, v28, v12  }
.LBB2_6:
0x6a: {  	v24 =	vld [tilespmem:s5+$0xFFFFFFC0];
	p0 =	sne.s32 s6, $0x7C;
	vm1 =	vgt.f32 v22, v3;
	vm2 =	vgt.f32 v1, v4;
	v0 =	vsel vm0, s3, v0;
	s3 =	sadd.s32 s4, s22;
	s4 =	smov.u32 s6  }
0x6b: {  	v3 =	vsel vm1, v22, v3;
	v5 =	vsel vm1, s3, v5;
	v4 =	vsel vm2, v1, v4;
	v1 =	vld [tilespmem:s5+$0xFFFFFFD0]  }
0x6c: {  	vm3 =	vgt.f32 v2, v7;
	vm1 =	vgt.f32 v23, v6;
	vm4 =	vgt.f32 v16, v8;
	v25 =	vld [tilespmem:s5+$0xFFFFFFE0]  }
.Ltmp2:
0x6d: {  	v7 =	vsel vm3, v2, v7;
	v6 =	vsel vm1, v23, v6;
	v8 =	vsel vm4, v16, v8;
	v2 =	vld [tilespmem:s5+$0xFFFFFFF0];
	(pc) =	sbr.rel @p0 .LBB2_6-.Ltmp2, $4  }
0x6e: {  	vm5 =	vgt.f32 v9, v10;
	vm6 =	vgt.f32 v20, v11;
	v16 =	vld [tilespmem:s5+$0x0];
	vm0 =	vgt.f32 v21, v12  }
0x6f: {  	v10 =	vsel vm5, v9, v10;
	v11 =	vsel vm6, v20, v11;
	v9 =	vld [tilespmem:s5+$0x10];
	v12 =	vsel vm0, v21, v12;
	v22 =	vmovc v24  }
0x70: {  	v13 =	vsel vm2, s3, v13;
	v15 =	vsel vm3, s3, v15;
	v14 =	vsel vm1, s3, v14;
	v20 =	vld [tilespmem:s5+$0x20]  }
0x71: {  	s6 =	sadd.s32 $0x1, s6;
	v17 =	vsel vm4, s3, v17;
	v18 =	vsel vm5, s3, v18;
	v19 =	vsel vm6, s3, v19;
	v21 =	vld [tilespmem:s5+$0x30];
	s5 =	sadd.s32 $0x80, s5;
	v23 =	vmovc v25  }
0x72: {  	s5 =	simm.s32 $0x0  }
0x73: {  	[tilespmem:s5], [sflag:$0x1] =	stream.linear.gather [hbm4b:s7+s5], $0x3E80, $0x38;
	[tilespmem:$0x7E00] =	vst v63  }
0x74: {  	_ =	swait.ge [sflag:s29], $0x3E80  }
0x75: {  	[sflag:s29] =	ssyncset.done $0x0  }
0x76: {  	s6 =	simm.s32 $0x3EC0;
	[sflag:s29] =	ssyncadd.s32 $0xFFFFC180  }
0x77: {  	v24 =	vld [tilespmem:s6+$0xFFFFFFC0]  }
0x78: {  	vm1 =	vgt.f32 v22, v3;
	vm2 =	vgt.f32 v1, v4;
	v0 =	vsel vm0, s3, v0;
	v25 =	vld [tilespmem:s6+$0xFFFFFFD0]  }
0x79: {  	s4 =	sadd.s32 s4, s22;
	vm0 =	vgt.f32 v23, v6;
	v3 =	vsel vm1, v22, v3;
	vm3 =	vgt.f32 v16, v8;
	v26 =	vld [tilespmem:s6+$0xFFFFFFE0]  }
0x7a: {  	v5 =	vsel vm1, s4, v5;
	v4 =	vsel vm2, v1, v4;
	v8 =	vsel vm3, v16, v8;
	v16 =	vld [tilespmem:s6+$0xFFFFFFF0]  }
0x7b: {  	vm1 =	vgt.f32 v2, v7;
	v6 =	vsel vm0, v23, v6;
	vm5 =	vgt.f32 v20, v11;
	v27 =	vld [tilespmem:s6+$0x0]  }
0x7c: {  	v13 =	vsel vm2, s4, v13;
	vm6 =	vgt.f32 v21, v12;
	v11 =	vsel vm5, v20, v11;
	v20 =	vld [tilespmem:s6+$0x10]  }
0x7d: {  	v14 =	vsel vm0, s4, v14;
	v7 =	vsel vm1, v2, v7;
	v12 =	vsel vm6, v21, v12;
	v21 =	vld [tilespmem:s6+$0x20]  }
0x7e: {  	vm4 =	vgt.f32 v9, v10;
	v15 =	vsel vm1, s4, v15;
	v17 =	vsel vm3, s4, v17  }
0x7f: {  	v10 =	vsel vm4, v9, v10;
	v18 =	vsel vm4, s4, v18;
	v19 =	vsel vm5, s4, v19;
	v28 =	vld [tilespmem:s6+$0x30];
	s6 =	simm.s32 $0x3F40  }
0x80: {  	v0 =	vsel vm6, s4, v0;
	v22 =	vld [tilespmem:s6+$0xFFFFFFC0];
	vm0 =	vgt.f32 v24, v3;
	vm1 =	vgt.f32 v25, v4  }
0x81: {  	v1 =	vld [tilespmem:s6+$0xFFFFFFD0];
	vm2 =	vgt.f32 v26, v6;
	vm3 =	vgt.f32 v16, v7;
	vm13 =	vgt.f32 v27, v8  }
0x82: {  	s3 =	sadd.s32 $0x0, s23;
	v23 =	vld [tilespmem:s6+$0xFFFFFFE0];
	vm14 =	vgt.f32 v20, v10;
	vm15 =	vgt.f32 v21, v11;
	v3 =	vsel vm0, v24, v3  }
0x83: {  	v2 =	vld [tilespmem:s6+$0xFFFFFFF0];
	v5 =	vsel vm0, s3, v5;
	v4 =	vsel vm1, v25, v4;
	v6 =	vsel vm2, v26, v6  }
0x84: {  	v9 =	vld [tilespmem:s6+$0x10];
	v7 =	vsel vm3, v16, v7;
	v8 =	vsel vm13, v27, v8;
	vm0 =	vgt.f32 v28, v12  }
0x85: {  	v16 =	vld [tilespmem:s6+$0x0];
	v10 =	vsel vm14, v20, v10;
	v11 =	vsel vm15, v21, v11;
	v13 =	vsel vm1, s3, v13  }
0x86: {  	v20 =	vld [tilespmem:s6+$0x20];
	v14 =	vsel vm2, s3, v14;
	v15 =	vsel vm3, s3, v15;
	v17 =	vsel vm13, s3, v17  }
0x87: {  	s5 =	simm.s32 $0x3FC0;
	s4 =	simm.s32 $0x1;
	v21 =	vld [tilespmem:s6+$0x30];
	s6 =	simm.s32 $0x2;
	v18 =	vsel vm14, s3, v18;
	v19 =	vsel vm15, s3, v19;
	v12 =	vsel vm0, v28, v12  }
.LBB2_8:
0x88: {  	v24 =	vld [tilespmem:s5+$0xFFFFFFC0];
	p0 =	sne.s32 s6, $0x7C;
	vm1 =	vgt.f32 v22, v3;
	vm2 =	vgt.f32 v1, v4;
	v0 =	vsel vm0, s3, v0;
	s3 =	sadd.s32 s4, s23;
	s4 =	smov.u32 s6  }
0x89: {  	v3 =	vsel vm1, v22, v3;
	v5 =	vsel vm1, s3, v5;
	v4 =	vsel vm2, v1, v4;
	v1 =	vld [tilespmem:s5+$0xFFFFFFD0]  }
0x8a: {  	vm3 =	vgt.f32 v2, v7;
	vm1 =	vgt.f32 v23, v6;
	vm4 =	vgt.f32 v16, v8;
	v25 =	vld [tilespmem:s5+$0xFFFFFFE0]  }
.Ltmp3:
0x8b: {  	v7 =	vsel vm3, v2, v7;
	v6 =	vsel vm1, v23, v6;
	v8 =	vsel vm4, v16, v8;
	v2 =	vld [tilespmem:s5+$0xFFFFFFF0];
	(pc) =	sbr.rel @p0 .LBB2_8-.Ltmp3, $4  }
0x8c: {  	vm5 =	vgt.f32 v9, v10;
	vm6 =	vgt.f32 v20, v11;
	v16 =	vld [tilespmem:s5+$0x0];
	vm0 =	vgt.f32 v21, v12  }
0x8d: {  	v10 =	vsel vm5, v9, v10;
	v11 =	vsel vm6, v20, v11;
	v9 =	vld [tilespmem:s5+$0x10];
	v12 =	vsel vm0, v21, v12;
	v22 =	vmovc v24  }
0x8e: {  	v13 =	vsel vm2, s3, v13;
	v15 =	vsel vm3, s3, v15;
	v14 =	vsel vm1, s3, v14;
	v20 =	vld [tilespmem:s5+$0x20]  }
0x8f: {  	s6 =	sadd.s32 $0x1, s6;
	v17 =	vsel vm4, s3, v17;
	v18 =	vsel vm5, s3, v18;
	v19 =	vsel vm6, s3, v19;
	v21 =	vld [tilespmem:s5+$0x30];
	s5 =	sadd.s32 $0x80, s5;
	v23 =	vmovc v25  }
0x90: {  	s5 =	simm.s32 $0x0  }
0x91: {  	[tilespmem:s26], [sflag:$0x2] =	stream.linear.gather [hbm4b:s8+s5], $0x3E80, $0x38;
	[tilespmem:$0x7E00] =	vst v63  }
0x92: {  	_ =	swait.ge [sflag:s28], $0x3E80  }
0x93: {  	[sflag:s28] =	ssyncset.done $0x0  }
0x94: {  	s6 =	simm.s32 $0x40;
	[sflag:s28] =	ssyncadd.s32 $0xFFFFC180  }
0x95: {  	v24 =	vld [tilespmem:s6+$0xFFFFFFC0]  }
0x96: {  	vm1 =	vgt.f32 v22, v3;
	vm2 =	vgt.f32 v1, v4;
	v0 =	vsel vm0, s3, v0;
	v25 =	vld [tilespmem:s6+$0xFFFFFFD0]  }
0x97: {  	s4 =	sadd.s32 s4, s23;
	vm0 =	vgt.f32 v23, v6;
	v3 =	vsel vm1, v22, v3;
	vm3 =	vgt.f32 v16, v8;
	v26 =	vld [tilespmem:s6+$0xFFFFFFE0]  }
0x98: {  	v5 =	vsel vm1, s4, v5;
	v4 =	vsel vm2, v1, v4;
	v8 =	vsel vm3, v16, v8;
	v16 =	vld [tilespmem:s6+$0xFFFFFFF0]  }
0x99: {  	vm1 =	vgt.f32 v2, v7;
	v6 =	vsel vm0, v23, v6;
	vm5 =	vgt.f32 v20, v11;
	v27 =	vld [tilespmem:s6+$0x0]  }
0x9a: {  	v13 =	vsel vm2, s4, v13;
	vm6 =	vgt.f32 v21, v12;
	v11 =	vsel vm5, v20, v11;
	v20 =	vld [tilespmem:s6+$0x10]  }
0x9b: {  	v14 =	vsel vm0, s4, v14;
	v7 =	vsel vm1, v2, v7;
	v12 =	vsel vm6, v21, v12;
	v21 =	vld [tilespmem:s6+$0x20]  }
0x9c: {  	vm4 =	vgt.f32 v9, v10;
	v15 =	vsel vm1, s4, v15;
	v17 =	vsel vm3, s4, v17  }
0x9d: {  	v10 =	vsel vm4, v9, v10;
	v18 =	vsel vm4, s4, v18;
	v19 =	vsel vm5, s4, v19;
	v28 =	vld [tilespmem:s6+$0x30];
	s6 =	simm.s32 $0xC0  }
0x9e: {  	v0 =	vsel vm6, s4, v0;
	v22 =	vld [tilespmem:s6+$0xFFFFFFC0];
	vm0 =	vgt.f32 v24, v3;
	vm1 =	vgt.f32 v25, v4  }
0x9f: {  	v1 =	vld [tilespmem:s6+$0xFFFFFFD0];
	vm2 =	vgt.f32 v26, v6;
	vm3 =	vgt.f32 v16, v7;
	vm13 =	vgt.f32 v27, v8  }
0xa0: {  	s3 =	sadd.s32 $0x0, s24;
	v23 =	vld [tilespmem:s6+$0xFFFFFFE0];
	vm14 =	vgt.f32 v20, v10;
	vm15 =	vgt.f32 v21, v11;
	v3 =	vsel vm0, v24, v3  }
0xa1: {  	v2 =	vld [tilespmem:s6+$0xFFFFFFF0];
	v5 =	vsel vm0, s3, v5;
	v4 =	vsel vm1, v25, v4;
	v6 =	vsel vm2, v26, v6  }
0xa2: {  	v9 =	vld [tilespmem:s6+$0x10];
	v7 =	vsel vm3, v16, v7;
	v8 =	vsel vm13, v27, v8;
	vm0 =	vgt.f32 v28, v12  }
0xa3: {  	v16 =	vld [tilespmem:s6+$0x0];
	v10 =	vsel vm14, v20, v10;
	v11 =	vsel vm15, v21, v11;
	v13 =	vsel vm1, s3, v13  }
0xa4: {  	v20 =	vld [tilespmem:s6+$0x20];
	v14 =	vsel vm2, s3, v14;
	v15 =	vsel vm3, s3, v15;
	v17 =	vsel vm13, s3, v17  }
0xa5: {  	s5 =	simm.s32 $0x140;
	s4 =	simm.s32 $0x1;
	v21 =	vld [tilespmem:s6+$0x30];
	s6 =	simm.s32 $0x2;
	v18 =	vsel vm14, s3, v18;
	v19 =	vsel vm15, s3, v19;
	v12 =	vsel vm0, v28, v12  }
.LBB2_10:
0xa6: {  	v24 =	vld [tilespmem:s5+$0xFFFFFFC0];
	p0 =	sne.s32 s6, $0x7C;
	vm1 =	vgt.f32 v22, v3;
	vm2 =	vgt.f32 v1, v4;
	v0 =	vsel vm0, s3, v0;
	s3 =	sadd.s32 s4, s24;
	s4 =	smov.u32 s6  }
0xa7: {  	v3 =	vsel vm1, v22, v3;
	v5 =	vsel vm1, s3, v5;
	v4 =	vsel vm2, v1, v4;
	v1 =	vld [tilespmem:s5+$0xFFFFFFD0]  }
0xa8: {  	vm3 =	vgt.f32 v2, v7;
	vm1 =	vgt.f32 v23, v6;
	vm4 =	vgt.f32 v16, v8;
	v25 =	vld [tilespmem:s5+$0xFFFFFFE0]  }
.Ltmp4:
0xa9: {  	v7 =	vsel vm3, v2, v7;
	v6 =	vsel vm1, v23, v6;
	v8 =	vsel vm4, v16, v8;
	v2 =	vld [tilespmem:s5+$0xFFFFFFF0];
	(pc) =	sbr.rel @p0 .LBB2_10-.Ltmp4, $4  }
0xaa: {  	vm5 =	vgt.f32 v9, v10;
	vm6 =	vgt.f32 v20, v11;
	v16 =	vld [tilespmem:s5+$0x0];
	vm0 =	vgt.f32 v21, v12  }
0xab: {  	v10 =	vsel vm5, v9, v10;
	v11 =	vsel vm6, v20, v11;
	v9 =	vld [tilespmem:s5+$0x10];
	v12 =	vsel vm0, v21, v12;
	v22 =	vmovc v24  }
0xac: {  	v13 =	vsel vm2, s3, v13;
	v15 =	vsel vm3, s3, v15;
	v14 =	vsel vm1, s3, v14;
	v20 =	vld [tilespmem:s5+$0x20]  }
0xad: {  	s6 =	sadd.s32 $0x1, s6;
	v17 =	vsel vm4, s3, v17;
	v18 =	vsel vm5, s3, v18;
	v19 =	vsel vm6, s3, v19;
	v21 =	vld [tilespmem:s5+$0x30];
	s5 =	sadd.s32 $0x80, s5;
	v23 =	vmovc v25  }
0xae: {  	_ =	swait.ge [sflag:s29], $0x3E80  }
0xaf: {  	[sflag:s29] =	ssyncset.done $0x0  }
0xb0: {  	s5 =	simm.s32 $0x3EC0;
	[sflag:s29] =	ssyncadd.s32 $0xFFFFC180  }
0xb1: {  	vm1 =	vgt.f32 v22, v3;
	vm2 =	vgt.f32 v1, v4;
	v0 =	vsel vm0, s3, v0;
	v24 =	vld [tilespmem:s5+$0xFFFFFFC0]  }
0xb2: {  	s4 =	sadd.s32 s4, s24;
	vm0 =	vgt.f32 v23, v6;
	v3 =	vsel vm1, v22, v3;
	v1 =	vsel vm2, v1, v4;
	v4 =	vld [tilespmem:s5+$0xFFFFFFD0]  }
0xb3: {  	v5 =	vsel vm1, s4, v5;
	vm1 =	vgt.f32 v2, v7;
	vm3 =	vgt.f32 v16, v8;
	v25 =	vld [tilespmem:s5+$0xFFFFFFE0]  }
0xb4: {  	v26 =	vsel vm0, v23, v6;
	v2 =	vsel vm1, v2, v7;
	v7 =	vsel vm3, v16, v8;
	v8 =	vld [tilespmem:s5+$0xFFFFFFF0]  }
0xb5: {  	v29 =	vsel vm0, s4, v14;
	vm4 =	vgt.f32 v9, v10;
	v30 =	vsel vm1, s4, v15;
	v27 =	vld [tilespmem:s5+$0x0]  }
0xb6: {  	v17 =	vsel vm3, s4, v17;
	vm5 =	vgt.f32 v20, v11;
	v28 =	vsel vm4, v9, v10;
	v31 =	vld [tilespmem:s5+$0x20]  }
0xb7: {  	v32 =	vsel vm4, s4, v18;
	v18 =	vld [tilespmem:s5+$0x30];
	vm6 =	vgt.f32 v21, v12;
	v11 =	vsel vm5, v20, v11  }
0xb8: {  	s6 =	simm.s32 $0x3F40;
	v20 =	vld [tilespmem:s5+$0x10];
	v33 =	vsel vm5, s4, v19;
	v12 =	vsel vm6, v21, v12;
	v21 =	vsel vm2, s4, v13  }
0xb9: {  	v22 =	vld [tilespmem:s6+$0xFFFFFFC0];
	v0 =	vsel vm6, s4, v0;
	vm0 =	vgt.f32 v24, v3;
	vm1 =	vgt.f32 v4, v1  }
0xba: {  	s3 =	sadd.s32 $0x0, s25;
	v10 =	vld [tilespmem:s6+$0xFFFFFFD0];
	vm2 =	vgt.f32 v25, v26;
	vm3 =	vgt.f32 v8, v2;
	vm13 =	vgt.f32 v27, v7  }
0xbb: {  	v23 =	vld [tilespmem:s6+$0xFFFFFFE0];
	vm15 =	vgt.f32 v31, v11;
	v16 =	vsel vm0, v24, v3;
	v14 =	vsel vm0, s3, v5  }
0xbc: {  	v6 =	vld [tilespmem:s6+$0xFFFFFFF0];
	v13 =	vsel vm1, v4, v1;
	v15 =	vsel vm2, v25, v26;
	v9 =	vsel vm3, v8, v2  }
0xbd: {  	v3 =	vsel vm13, v27, v7;
	v7 =	vld [tilespmem:s6+$0x0];
	vm14 =	vgt.f32 v20, v28;
	vm0 =	vgt.f32 v18, v12  }
0xbe: {  	v4 =	vld [tilespmem:s6+$0x10];
	v2 =	vsel vm15, v31, v11;
	v21 =	vsel vm1, s3, v21;
	v19 =	vsel vm13, s3, v17  }
0xbf: {  	v8 =	vld [tilespmem:s6+$0x20];
	v5 =	vsel vm14, v20, v28;
	v1 =	vsel vm0, v18, v12;
	v20 =	vsel vm2, s3, v29  }
0xc0: {  	s5 =	simm.s32 $0x3FC0;
	s4 =	simm.s32 $0x1;
	v11 =	vld [tilespmem:s6+$0x30];
	s6 =	simm.s32 $0x2;
	v18 =	vsel vm3, s3, v30;
	v17 =	vsel vm14, s3, v32;
	v12 =	vsel vm15, s3, v33  }
.LBB2_12:
0xc1: {  	v24 =	vld [tilespmem:s5+$0xFFFFFFC0];
	p0 =	sne.s32 s6, $0x7C;
	vm1 =	vgt.f32 v22, v16;
	vm2 =	vgt.f32 v10, v13;
	v0 =	vsel vm0, s3, v0;
	s3 =	sadd.s32 s4, s25;
	s4 =	smov.u32 s6  }
0xc2: {  	v16 =	vsel vm1, v22, v16;
	v14 =	vsel vm1, s3, v14;
	v13 =	vsel vm2, v10, v13;
	v10 =	vld [tilespmem:s5+$0xFFFFFFD0]  }
0xc3: {  	vm3 =	vgt.f32 v6, v9;
	vm1 =	vgt.f32 v23, v15;
	vm4 =	vgt.f32 v7, v3;
	v25 =	vld [tilespmem:s5+$0xFFFFFFE0]  }
.Ltmp5:
0xc4: {  	v9 =	vsel vm3, v6, v9;
	v15 =	vsel vm1, v23, v15;
	v3 =	vsel vm4, v7, v3;
	v6 =	vld [tilespmem:s5+$0xFFFFFFF0];
	(pc) =	sbr.rel @p0 .LBB2_12-.Ltmp5, $4  }
0xc5: {  	vm5 =	vgt.f32 v4, v5;
	vm6 =	vgt.f32 v8, v2;
	v7 =	vld [tilespmem:s5+$0x0];
	vm0 =	vgt.f32 v11, v1  }
0xc6: {  	v5 =	vsel vm5, v4, v5;
	v2 =	vsel vm6, v8, v2;
	v4 =	vld [tilespmem:s5+$0x10];
	v1 =	vsel vm0, v11, v1;
	v22 =	vmovc v24  }
0xc7: {  	v21 =	vsel vm2, s3, v21;
	v18 =	vsel vm3, s3, v18;
	v20 =	vsel vm1, s3, v20;
	v8 =	vld [tilespmem:s5+$0x20]  }
0xc8: {  	s6 =	sadd.s32 $0x1, s6;
	v19 =	vsel vm4, s3, v19;
	v17 =	vsel vm5, s3, v17;
	v12 =	vsel vm6, s3, v12;
	v11 =	vld [tilespmem:s5+$0x30];
	s5 =	sadd.s32 $0x80, s5;
	v23 =	vmovc v25  }
0xc9: {  	vm1 =	vgt.f32 v22, v16  }
0xca: {  	s4 =	sadd.s32 s4, s25;
	v16 =	vsel vm1, v22, v16  }
0xcb: {  	vm2 =	vgt.f32 v10, v13;
	v14 =	vsel vm1, s4, v14;
	[tilespmem:$0x7D00] =	vst v16  }
0xcc: {  	v10 =	vsel vm2, v10, v13;
	[tilespmem:$0x7D80] =	vst v14  }
0xcd: {  	vm1 =	vgt.f32 v23, v15;
	v13 =	vsel vm2, s4, v21;
	[tilespmem:$0x7D10] =	vst v10  }
0xce: {  	v10 =	vsel vm1, v23, v15;
	[tilespmem:$0x7D90] =	vst v13  }
0xcf: {  	vm2 =	vgt.f32 v6, v9;
	v13 =	vsel vm1, s4, v20;
	[tilespmem:$0x7D20] =	vst v10  }
0xd0: {  	v6 =	vsel vm2, v6, v9;
	[tilespmem:$0x7DA0] =	vst v13  }
0xd1: {  	vm1 =	vgt.f32 v7, v3;
	v9 =	vsel vm2, s4, v18;
	[tilespmem:$0x7D30] =	vst v6  }
0xd2: {  	v3 =	vsel vm1, v7, v3;
	[tilespmem:$0x7DB0] =	vst v9  }
0xd3: {  	vm2 =	vgt.f32 v4, v5;
	v6 =	vsel vm1, s4, v19;
	[tilespmem:$0x7D40] =	vst v3  }
0xd4: {  	v3 =	vsel vm2, v4, v5;
	[tilespmem:$0x7DC0] =	vst v6  }
0xd5: {  	vm1 =	vgt.f32 v8, v2;
	v4 =	vsel vm2, s4, v17;
	[tilespmem:$0x7D50] =	vst v3  }
0xd6: {  	v2 =	vsel vm1, v8, v2;
	[tilespmem:$0x7DD0] =	vst v4  }
0xd7: {  	vm2 =	vgt.f32 v11, v1;
	v3 =	vsel vm1, s4, v12;
	[tilespmem:$0x7D60] =	vst v2  }
0xd8: {  	v0 =	vsel vm0, s3, v0;
	v1 =	vsel vm2, v11, v1;
	[tilespmem:$0x7DE0] =	vst v3  }
0xd9: {  	v0 =	vsel vm2, s4, v0;
	[tilespmem:$0x7D70] =	vst v1  }
0xda: {  	s5 =	simm.s32 $0x0;
	[tilespmem:$0x7DF0] =	vst v0  }
0xdb: {  	[hbm4b:s9+s5] =	stream.linear.scatter [tilespmem:s30], [sflag:$0x3], $0x80, $0x38;
	[tilespmem:$0x7E00] =	vst v63  }
0xdc: {  	_ =	swait.ge [sflag:s31], $0x80  }
0xdd: {  	[sflag:s31] =	ssyncset.done $0x0  }
0xde: {  	[sflag:s31] =	ssyncadd.s32 $0xFFFFFF80  }
0xdf: {  	[hbm4b:s10+s5] =	stream.linear.scatter [tilespmem:s1], [sflag:$0x3], $0x80, $0x38;
	[tilespmem:$0x7E00] =	vst v63  }
0xe0: {  	_ =	swait.ge [sflag:s31], $0x80  }
0xe1: {  	[sflag:s31] =	ssyncset.done $0x0  }
0xe2: {  	[sflag:s31] =	ssyncadd.s32 $0xFFFFFF80  }
0xe3: {  	[tilespmem:s5], [sflag:$0x1] =	stream.linear.gather [hbm4b:s11+s5], $0x3E80, $0x38;
	[tilespmem:$0x7E00] =	vst v63  }
0xe4: {  	_ = 	snop  }
0xe5: {  	[tilespmem:s26], [sflag:$0x2] =	stream.linear.gather [hbm4b:s12+s5], $0x3E80, $0x38;
	[tilespmem:$0x7E00] =	vst v63  }
0xe6: {  	_ =	swait.ge [sflag:s28], $0x3E80  }
0xe7: {  	[sflag:s28] =	ssyncset.done $0x0  }
0xe8: {  	s6 =	simm.s32 $0x40;
	[sflag:s28] =	ssyncadd.s32 $0xFFFFC180  }
0xe9: {  	v2 =	vld [tilespmem:s6+$0xFFFFFFC0]  }
0xea: {  	v4 =	vld [tilespmem:s6+$0xFFFFFFD0]  }
0xeb: {  	v6 =	vld [tilespmem:s6+$0xFFFFFFE0]  }
0xec: {  	v7 =	vld [tilespmem:s6+$0xFFFFFFF0]  }
0xed: {  	v8 =	vld [tilespmem:s6+$0x0]  }
0xee: {  	v10 =	vld [tilespmem:s6+$0x10]  }
0xef: {  	v11 =	vld [tilespmem:s6+$0x20];
	_ =	sdelay $0x1  }
0xf0: {  	v12 =	vimm.f32 $-1.000000000e+00;
	s5 =	simm.s32 $0xC0;
	v13 =	vld [tilespmem:s6+$0x30]  }
0xf1: {  	v0 =	vimm.s32 $0x0;
	v22 =	vld [tilespmem:s5+$0xFFFFFFC0];
	vm0 =	vgt.f32 v2, v12;
	vm1 =	vgt.f32 v4, v12  }
0xf2: {  	v1 =	vld [tilespmem:s5+$0xFFFFFFD0];
	vm2 =	vgt.f32 v6, v12;
	vm3 =	vgt.f32 v7, v12;
	vm4 =	vgt.f32 v8, v12  }
0xf3: {  	s3 =	sadd.s32 $0x0, s20;
	v23 =	vld [tilespmem:s5+$0xFFFFFFE0];
	vm5 =	vgt.f32 v10, v12;
	vm6 =	vgt.f32 v11, v12;
	v3 =	vsel vm0, v2, v12  }
0xf4: {  	v16 =	vld [tilespmem:s5+$0x0];
	v5 =	vsel vm0, s3, v0;
	v4 =	vsel vm1, v4, v12;
	v6 =	vsel vm2, v6, v12  }
0xf5: {  	v9 =	vld [tilespmem:s5+$0x10];
	v7 =	vsel vm3, v7, v12;
	v8 =	vsel vm4, v8, v12;
	vm0 =	vgt.f32 v13, v12  }
0xf6: {  	v2 =	vld [tilespmem:s5+$0xFFFFFFF0];
	v10 =	vsel vm5, v10, v12;
	v11 =	vsel vm6, v11, v12;
	v14 =	vsel vm2, s3, v0  }
0xf7: {  	v20 =	vld [tilespmem:s5+$0x20];
	v15 =	vsel vm3, s3, v0;
	v17 =	vsel vm4, s3, v0;
	v18 =	vsel vm5, s3, v0  }
0xf8: {  	s4 =	simm.s32 $0x1;
	v21 =	vld [tilespmem:s5+$0x30];
	s6 =	simm.s32 $0x2;
	s5 =	simm.s32 $0x140;
	v19 =	vsel vm6, s3, v0;
	v12 =	vsel vm0, v13, v12;
	v13 =	vsel vm1, s3, v0  }
.LBB2_14:
0xf9: {  	v24 =	vld [tilespmem:s5+$0xFFFFFFC0];
	p0 =	sne.s32 s6, $0x7C;
	vm1 =	vgt.f32 v22, v3;
	vm2 =	vgt.f32 v1, v4;
	v0 =	vsel vm0, s3, v0;
	s3 =	sadd.s32 s4, s20;
	s4 =	smov.u32 s6  }
0xfa: {  	v3 =	vsel vm1, v22, v3;
	v5 =	vsel vm1, s3, v5;
	v4 =	vsel vm2, v1, v4;
	v1 =	vld [tilespmem:s5+$0xFFFFFFD0]  }
0xfb: {  	vm3 =	vgt.f32 v2, v7;
	vm1 =	vgt.f32 v23, v6;
	vm4 =	vgt.f32 v16, v8;
	v25 =	vld [tilespmem:s5+$0xFFFFFFE0]  }
.Ltmp6:
0xfc: {  	v7 =	vsel vm3, v2, v7;
	v6 =	vsel vm1, v23, v6;
	v8 =	vsel vm4, v16, v8;
	v2 =	vld [tilespmem:s5+$0xFFFFFFF0];
	(pc) =	sbr.rel @p0 .LBB2_14-.Ltmp6, $4  }
0xfd: {  	vm5 =	vgt.f32 v9, v10;
	vm6 =	vgt.f32 v20, v11;
	v16 =	vld [tilespmem:s5+$0x0];
	vm0 =	vgt.f32 v21, v12  }
0xfe: {  	v10 =	vsel vm5, v9, v10;
	v11 =	vsel vm6, v20, v11;
	v9 =	vld [tilespmem:s5+$0x10];
	v12 =	vsel vm0, v21, v12;
	v22 =	vmovc v24  }
0xff: {  	v13 =	vsel vm2, s3, v13;
	v15 =	vsel vm3, s3, v15;
	v14 =	vsel vm1, s3, v14;
	v20 =	vld [tilespmem:s5+$0x20]  }
0x100: {  	s6 =	sadd.s32 $0x1, s6;
	v17 =	vsel vm4, s3, v17;
	v18 =	vsel vm5, s3, v18;
	v19 =	vsel vm6, s3, v19;
	v21 =	vld [tilespmem:s5+$0x30];
	s5 =	sadd.s32 $0x80, s5;
	v23 =	vmovc v25  }
0x101: {  	s5 =	simm.s32 $0x0  }
0x102: {  	[tilespmem:s5], [sflag:$0x1] =	stream.linear.gather [hbm4b:s13+s5], $0x3E80, $0x38;
	[tilespmem:$0x7E00] =	vst v63  }
0x103: {  	_ =	swait.ge [sflag:s29], $0x3E80  }
0x104: {  	[sflag:s29] =	ssyncset.done $0x0  }
0x105: {  	s6 =	simm.s32 $0x3EC0;
	[sflag:s29] =	ssyncadd.s32 $0xFFFFC180  }
0x106: {  	v24 =	vld [tilespmem:s6+$0xFFFFFFC0]  }
0x107: {  	vm1 =	vgt.f32 v22, v3;
	vm2 =	vgt.f32 v1, v4;
	v0 =	vsel vm0, s3, v0;
	v25 =	vld [tilespmem:s6+$0xFFFFFFD0]  }
0x108: {  	s4 =	sadd.s32 s4, s20;
	vm0 =	vgt.f32 v23, v6;
	v3 =	vsel vm1, v22, v3;
	vm3 =	vgt.f32 v16, v8;
	v26 =	vld [tilespmem:s6+$0xFFFFFFE0]  }
0x109: {  	v5 =	vsel vm1, s4, v5;
	v4 =	vsel vm2, v1, v4;
	v8 =	vsel vm3, v16, v8;
	v16 =	vld [tilespmem:s6+$0xFFFFFFF0]  }
0x10a: {  	vm1 =	vgt.f32 v2, v7;
	v6 =	vsel vm0, v23, v6;
	vm5 =	vgt.f32 v20, v11;
	v27 =	vld [tilespmem:s6+$0x0]  }
0x10b: {  	v13 =	vsel vm2, s4, v13;
	vm6 =	vgt.f32 v21, v12;
	v11 =	vsel vm5, v20, v11;
	v20 =	vld [tilespmem:s6+$0x10]  }
0x10c: {  	v14 =	vsel vm0, s4, v14;
	v7 =	vsel vm1, v2, v7;
	v12 =	vsel vm6, v21, v12;
	v21 =	vld [tilespmem:s6+$0x20]  }
0x10d: {  	vm4 =	vgt.f32 v9, v10;
	v15 =	vsel vm1, s4, v15;
	v17 =	vsel vm3, s4, v17  }
0x10e: {  	v10 =	vsel vm4, v9, v10;
	v18 =	vsel vm4, s4, v18;
	v19 =	vsel vm5, s4, v19;
	v28 =	vld [tilespmem:s6+$0x30];
	s6 =	simm.s32 $0x3F40  }
0x10f: {  	v0 =	vsel vm6, s4, v0;
	v22 =	vld [tilespmem:s6+$0xFFFFFFC0];
	vm0 =	vgt.f32 v24, v3;
	vm1 =	vgt.f32 v25, v4  }
0x110: {  	v1 =	vld [tilespmem:s6+$0xFFFFFFD0];
	vm2 =	vgt.f32 v26, v6;
	vm3 =	vgt.f32 v16, v7;
	vm13 =	vgt.f32 v27, v8  }
0x111: {  	s3 =	sadd.s32 $0x0, s21;
	v23 =	vld [tilespmem:s6+$0xFFFFFFE0];
	vm14 =	vgt.f32 v20, v10;
	vm15 =	vgt.f32 v21, v11;
	v3 =	vsel vm0, v24, v3  }
0x112: {  	v2 =	vld [tilespmem:s6+$0xFFFFFFF0];
	v5 =	vsel vm0, s3, v5;
	v4 =	vsel vm1, v25, v4;
	v6 =	vsel vm2, v26, v6  }
0x113: {  	v9 =	vld [tilespmem:s6+$0x10];
	v7 =	vsel vm3, v16, v7;
	v8 =	vsel vm13, v27, v8;
	vm0 =	vgt.f32 v28, v12  }
0x114: {  	v16 =	vld [tilespmem:s6+$0x0];
	v10 =	vsel vm14, v20, v10;
	v11 =	vsel vm15, v21, v11;
	v13 =	vsel vm1, s3, v13  }
0x115: {  	v20 =	vld [tilespmem:s6+$0x20];
	v14 =	vsel vm2, s3, v14;
	v15 =	vsel vm3, s3, v15;
	v17 =	vsel vm13, s3, v17  }
0x116: {  	s5 =	simm.s32 $0x3FC0;
	s4 =	simm.s32 $0x1;
	v21 =	vld [tilespmem:s6+$0x30];
	s6 =	simm.s32 $0x2;
	v18 =	vsel vm14, s3, v18;
	v19 =	vsel vm15, s3, v19;
	v12 =	vsel vm0, v28, v12  }
.LBB2_16:
0x117: {  	v24 =	vld [tilespmem:s5+$0xFFFFFFC0];
	p0 =	sne.s32 s6, $0x7C;
	vm1 =	vgt.f32 v22, v3;
	vm2 =	vgt.f32 v1, v4;
	v0 =	vsel vm0, s3, v0;
	s3 =	sadd.s32 s4, s21;
	s4 =	smov.u32 s6  }
0x118: {  	v3 =	vsel vm1, v22, v3;
	v5 =	vsel vm1, s3, v5;
	v4 =	vsel vm2, v1, v4;
	v1 =	vld [tilespmem:s5+$0xFFFFFFD0]  }
0x119: {  	vm3 =	vgt.f32 v2, v7;
	vm1 =	vgt.f32 v23, v6;
	vm4 =	vgt.f32 v16, v8;
	v25 =	vld [tilespmem:s5+$0xFFFFFFE0]  }
.Ltmp7:
0x11a: {  	v7 =	vsel vm3, v2, v7;
	v6 =	vsel vm1, v23, v6;
	v8 =	vsel vm4, v16, v8;
	v2 =	vld [tilespmem:s5+$0xFFFFFFF0];
	(pc) =	sbr.rel @p0 .LBB2_16-.Ltmp7, $4  }
0x11b: {  	vm5 =	vgt.f32 v9, v10;
	vm6 =	vgt.f32 v20, v11;
	v16 =	vld [tilespmem:s5+$0x0];
	vm0 =	vgt.f32 v21, v12  }
0x11c: {  	v10 =	vsel vm5, v9, v10;
	v11 =	vsel vm6, v20, v11;
	v9 =	vld [tilespmem:s5+$0x10];
	v12 =	vsel vm0, v21, v12;
	v22 =	vmovc v24  }
0x11d: {  	v13 =	vsel vm2, s3, v13;
	v15 =	vsel vm3, s3, v15;
	v14 =	vsel vm1, s3, v14;
	v20 =	vld [tilespmem:s5+$0x20]  }
0x11e: {  	s6 =	sadd.s32 $0x1, s6;
	v17 =	vsel vm4, s3, v17;
	v18 =	vsel vm5, s3, v18;
	v19 =	vsel vm6, s3, v19;
	v21 =	vld [tilespmem:s5+$0x30];
	s5 =	sadd.s32 $0x80, s5;
	v23 =	vmovc v25  }
0x11f: {  	s5 =	simm.s32 $0x0  }
0x120: {  	[tilespmem:s26], [sflag:$0x2] =	stream.linear.gather [hbm4b:s14+s5], $0x3E80, $0x38;
	[tilespmem:$0x7E00] =	vst v63  }
0x121: {  	_ =	swait.ge [sflag:s28], $0x3E80  }
0x122: {  	[sflag:s28] =	ssyncset.done $0x0  }
0x123: {  	s6 =	simm.s32 $0x40;
	[sflag:s28] =	ssyncadd.s32 $0xFFFFC180  }
0x124: {  	v24 =	vld [tilespmem:s6+$0xFFFFFFC0]  }
0x125: {  	vm1 =	vgt.f32 v22, v3;
	vm2 =	vgt.f32 v1, v4;
	v0 =	vsel vm0, s3, v0;
	v25 =	vld [tilespmem:s6+$0xFFFFFFD0]  }
0x126: {  	s4 =	sadd.s32 s4, s21;
	vm0 =	vgt.f32 v23, v6;
	v3 =	vsel vm1, v22, v3;
	vm3 =	vgt.f32 v16, v8;
	v26 =	vld [tilespmem:s6+$0xFFFFFFE0]  }
0x127: {  	v5 =	vsel vm1, s4, v5;
	v4 =	vsel vm2, v1, v4;
	v8 =	vsel vm3, v16, v8;
	v16 =	vld [tilespmem:s6+$0xFFFFFFF0]  }
0x128: {  	vm1 =	vgt.f32 v2, v7;
	v6 =	vsel vm0, v23, v6;
	vm5 =	vgt.f32 v20, v11;
	v27 =	vld [tilespmem:s6+$0x0]  }
0x129: {  	v13 =	vsel vm2, s4, v13;
	vm6 =	vgt.f32 v21, v12;
	v11 =	vsel vm5, v20, v11;
	v20 =	vld [tilespmem:s6+$0x10]  }
0x12a: {  	v14 =	vsel vm0, s4, v14;
	v7 =	vsel vm1, v2, v7;
	v12 =	vsel vm6, v21, v12;
	v21 =	vld [tilespmem:s6+$0x20]  }
0x12b: {  	vm4 =	vgt.f32 v9, v10;
	v15 =	vsel vm1, s4, v15;
	v17 =	vsel vm3, s4, v17  }
0x12c: {  	v10 =	vsel vm4, v9, v10;
	v18 =	vsel vm4, s4, v18;
	v19 =	vsel vm5, s4, v19;
	v28 =	vld [tilespmem:s6+$0x30];
	s6 =	simm.s32 $0xC0  }
0x12d: {  	v0 =	vsel vm6, s4, v0;
	v22 =	vld [tilespmem:s6+$0xFFFFFFC0];
	vm0 =	vgt.f32 v24, v3;
	vm1 =	vgt.f32 v25, v4  }
0x12e: {  	v1 =	vld [tilespmem:s6+$0xFFFFFFD0];
	vm2 =	vgt.f32 v26, v6;
	vm3 =	vgt.f32 v16, v7;
	vm13 =	vgt.f32 v27, v8  }
0x12f: {  	s3 =	sadd.s32 $0x0, s22;
	v23 =	vld [tilespmem:s6+$0xFFFFFFE0];
	vm14 =	vgt.f32 v20, v10;
	vm15 =	vgt.f32 v21, v11;
	v3 =	vsel vm0, v24, v3  }
0x130: {  	v2 =	vld [tilespmem:s6+$0xFFFFFFF0];
	v5 =	vsel vm0, s3, v5;
	v4 =	vsel vm1, v25, v4;
	v6 =	vsel vm2, v26, v6  }
0x131: {  	v9 =	vld [tilespmem:s6+$0x10];
	v7 =	vsel vm3, v16, v7;
	v8 =	vsel vm13, v27, v8;
	vm0 =	vgt.f32 v28, v12  }
0x132: {  	v16 =	vld [tilespmem:s6+$0x0];
	v10 =	vsel vm14, v20, v10;
	v11 =	vsel vm15, v21, v11;
	v13 =	vsel vm1, s3, v13  }
0x133: {  	v20 =	vld [tilespmem:s6+$0x20];
	v14 =	vsel vm2, s3, v14;
	v15 =	vsel vm3, s3, v15;
	v17 =	vsel vm13, s3, v17  }
0x134: {  	s5 =	simm.s32 $0x140;
	s4 =	simm.s32 $0x1;
	v21 =	vld [tilespmem:s6+$0x30];
	s6 =	simm.s32 $0x2;
	v18 =	vsel vm14, s3, v18;
	v19 =	vsel vm15, s3, v19;
	v12 =	vsel vm0, v28, v12  }
.LBB2_18:
0x135: {  	v24 =	vld [tilespmem:s5+$0xFFFFFFC0];
	p0 =	sne.s32 s6, $0x7C;
	vm1 =	vgt.f32 v22, v3;
	vm2 =	vgt.f32 v1, v4;
	v0 =	vsel vm0, s3, v0;
	s3 =	sadd.s32 s4, s22;
	s4 =	smov.u32 s6  }
0x136: {  	v3 =	vsel vm1, v22, v3;
	v5 =	vsel vm1, s3, v5;
	v4 =	vsel vm2, v1, v4;
	v1 =	vld [tilespmem:s5+$0xFFFFFFD0]  }
0x137: {  	vm3 =	vgt.f32 v2, v7;
	vm1 =	vgt.f32 v23, v6;
	vm4 =	vgt.f32 v16, v8;
	v25 =	vld [tilespmem:s5+$0xFFFFFFE0]  }
.Ltmp8:
0x138: {  	v7 =	vsel vm3, v2, v7;
	v6 =	vsel vm1, v23, v6;
	v8 =	vsel vm4, v16, v8;
	v2 =	vld [tilespmem:s5+$0xFFFFFFF0];
	(pc) =	sbr.rel @p0 .LBB2_18-.Ltmp8, $4  }
0x139: {  	vm5 =	vgt.f32 v9, v10;
	vm6 =	vgt.f32 v20, v11;
	v16 =	vld [tilespmem:s5+$0x0];
	vm0 =	vgt.f32 v21, v12  }
0x13a: {  	v10 =	vsel vm5, v9, v10;
	v11 =	vsel vm6, v20, v11;
	v9 =	vld [tilespmem:s5+$0x10];
	v12 =	vsel vm0, v21, v12;
	v22 =	vmovc v24  }
0x13b: {  	v13 =	vsel vm2, s3, v13;
	v15 =	vsel vm3, s3, v15;
	v14 =	vsel vm1, s3, v14;
	v20 =	vld [tilespmem:s5+$0x20]  }
0x13c: {  	s6 =	sadd.s32 $0x1, s6;
	v17 =	vsel vm4, s3, v17;
	v18 =	vsel vm5, s3, v18;
	v19 =	vsel vm6, s3, v19;
	v21 =	vld [tilespmem:s5+$0x30];
	s5 =	sadd.s32 $0x80, s5;
	v23 =	vmovc v25  }
0x13d: {  	s5 =	simm.s32 $0x0  }
0x13e: {  	[tilespmem:s5], [sflag:$0x1] =	stream.linear.gather [hbm4b:s15+s5], $0x3E80, $0x38;
	[tilespmem:$0x7E00] =	vst v63  }
0x13f: {  	_ =	swait.ge [sflag:s29], $0x3E80  }
0x140: {  	[sflag:s29] =	ssyncset.done $0x0  }
0x141: {  	s6 =	simm.s32 $0x3EC0;
	[sflag:s29] =	ssyncadd.s32 $0xFFFFC180  }
0x142: {  	v24 =	vld [tilespmem:s6+$0xFFFFFFC0]  }
0x143: {  	vm1 =	vgt.f32 v22, v3;
	vm2 =	vgt.f32 v1, v4;
	v0 =	vsel vm0, s3, v0;
	v25 =	vld [tilespmem:s6+$0xFFFFFFD0]  }
0x144: {  	s4 =	sadd.s32 s4, s22;
	vm0 =	vgt.f32 v23, v6;
	v3 =	vsel vm1, v22, v3;
	vm3 =	vgt.f32 v16, v8;
	v26 =	vld [tilespmem:s6+$0xFFFFFFE0]  }
0x145: {  	v5 =	vsel vm1, s4, v5;
	v4 =	vsel vm2, v1, v4;
	v8 =	vsel vm3, v16, v8;
	v16 =	vld [tilespmem:s6+$0xFFFFFFF0]  }
0x146: {  	vm1 =	vgt.f32 v2, v7;
	v6 =	vsel vm0, v23, v6;
	vm5 =	vgt.f32 v20, v11;
	v27 =	vld [tilespmem:s6+$0x0]  }
0x147: {  	v13 =	vsel vm2, s4, v13;
	vm6 =	vgt.f32 v21, v12;
	v11 =	vsel vm5, v20, v11;
	v20 =	vld [tilespmem:s6+$0x10]  }
0x148: {  	v14 =	vsel vm0, s4, v14;
	v7 =	vsel vm1, v2, v7;
	v12 =	vsel vm6, v21, v12;
	v21 =	vld [tilespmem:s6+$0x20]  }
0x149: {  	vm4 =	vgt.f32 v9, v10;
	v15 =	vsel vm1, s4, v15;
	v17 =	vsel vm3, s4, v17  }
0x14a: {  	v10 =	vsel vm4, v9, v10;
	v18 =	vsel vm4, s4, v18;
	v19 =	vsel vm5, s4, v19;
	v28 =	vld [tilespmem:s6+$0x30];
	s6 =	simm.s32 $0x3F40  }
0x14b: {  	v0 =	vsel vm6, s4, v0;
	v22 =	vld [tilespmem:s6+$0xFFFFFFC0];
	vm0 =	vgt.f32 v24, v3;
	vm1 =	vgt.f32 v25, v4  }
0x14c: {  	v1 =	vld [tilespmem:s6+$0xFFFFFFD0];
	vm2 =	vgt.f32 v26, v6;
	vm3 =	vgt.f32 v16, v7;
	vm13 =	vgt.f32 v27, v8  }
0x14d: {  	s3 =	sadd.s32 $0x0, s23;
	v23 =	vld [tilespmem:s6+$0xFFFFFFE0];
	vm14 =	vgt.f32 v20, v10;
	vm15 =	vgt.f32 v21, v11;
	v3 =	vsel vm0, v24, v3  }
0x14e: {  	v2 =	vld [tilespmem:s6+$0xFFFFFFF0];
	v5 =	vsel vm0, s3, v5;
	v4 =	vsel vm1, v25, v4;
	v6 =	vsel vm2, v26, v6  }
0x14f: {  	v9 =	vld [tilespmem:s6+$0x10];
	v7 =	vsel vm3, v16, v7;
	v8 =	vsel vm13, v27, v8;
	vm0 =	vgt.f32 v28, v12  }
0x150: {  	v16 =	vld [tilespmem:s6+$0x0];
	v10 =	vsel vm14, v20, v10;
	v11 =	vsel vm15, v21, v11;
	v13 =	vsel vm1, s3, v13  }
0x151: {  	v20 =	vld [tilespmem:s6+$0x20];
	v14 =	vsel vm2, s3, v14;
	v15 =	vsel vm3, s3, v15;
	v17 =	vsel vm13, s3, v17  }
0x152: {  	s5 =	simm.s32 $0x3FC0;
	s4 =	simm.s32 $0x1;
	v21 =	vld [tilespmem:s6+$0x30];
	s6 =	simm.s32 $0x2;
	v18 =	vsel vm14, s3, v18;
	v19 =	vsel vm15, s3, v19;
	v12 =	vsel vm0, v28, v12  }
.LBB2_20:
0x153: {  	v24 =	vld [tilespmem:s5+$0xFFFFFFC0];
	p0 =	sne.s32 s6, $0x7C;
	vm1 =	vgt.f32 v22, v3;
	vm2 =	vgt.f32 v1, v4;
	v0 =	vsel vm0, s3, v0;
	s3 =	sadd.s32 s4, s23;
	s4 =	smov.u32 s6  }
0x154: {  	v3 =	vsel vm1, v22, v3;
	v5 =	vsel vm1, s3, v5;
	v4 =	vsel vm2, v1, v4;
	v1 =	vld [tilespmem:s5+$0xFFFFFFD0]  }
0x155: {  	vm3 =	vgt.f32 v2, v7;
	vm1 =	vgt.f32 v23, v6;
	vm4 =	vgt.f32 v16, v8;
	v25 =	vld [tilespmem:s5+$0xFFFFFFE0]  }
.Ltmp9:
0x156: {  	v7 =	vsel vm3, v2, v7;
	v6 =	vsel vm1, v23, v6;
	v8 =	vsel vm4, v16, v8;
	v2 =	vld [tilespmem:s5+$0xFFFFFFF0];
	(pc) =	sbr.rel @p0 .LBB2_20-.Ltmp9, $4  }
0x157: {  	vm5 =	vgt.f32 v9, v10;
	vm6 =	vgt.f32 v20, v11;
	v16 =	vld [tilespmem:s5+$0x0];
	vm0 =	vgt.f32 v21, v12  }
0x158: {  	v10 =	vsel vm5, v9, v10;
	v11 =	vsel vm6, v20, v11;
	v9 =	vld [tilespmem:s5+$0x10];
	v12 =	vsel vm0, v21, v12;
	v22 =	vmovc v24  }
0x159: {  	v13 =	vsel vm2, s3, v13;
	v15 =	vsel vm3, s3, v15;
	v14 =	vsel vm1, s3, v14;
	v20 =	vld [tilespmem:s5+$0x20]  }
0x15a: {  	s6 =	sadd.s32 $0x1, s6;
	v17 =	vsel vm4, s3, v17;
	v18 =	vsel vm5, s3, v18;
	v19 =	vsel vm6, s3, v19;
	v21 =	vld [tilespmem:s5+$0x30];
	s5 =	sadd.s32 $0x80, s5;
	v23 =	vmovc v25  }
0x15b: {  	s5 =	simm.s32 $0x0  }
0x15c: {  	[tilespmem:s26], [sflag:$0x2] =	stream.linear.gather [hbm4b:s16+s5], $0x3E80, $0x38;
	[tilespmem:$0x7E00] =	vst v63  }
0x15d: {  	_ =	swait.ge [sflag:s28], $0x3E80  }
0x15e: {  	[sflag:s28] =	ssyncset.done $0x0  }
0x15f: {  	s6 =	simm.s32 $0x40;
	[sflag:s28] =	ssyncadd.s32 $0xFFFFC180  }
0x160: {  	v24 =	vld [tilespmem:s6+$0xFFFFFFC0]  }
0x161: {  	vm1 =	vgt.f32 v22, v3;
	vm2 =	vgt.f32 v1, v4;
	v0 =	vsel vm0, s3, v0;
	v25 =	vld [tilespmem:s6+$0xFFFFFFD0]  }
0x162: {  	s4 =	sadd.s32 s4, s23;
	vm0 =	vgt.f32 v23, v6;
	v3 =	vsel vm1, v22, v3;
	vm3 =	vgt.f32 v16, v8;
	v26 =	vld [tilespmem:s6+$0xFFFFFFE0]  }
0x163: {  	v5 =	vsel vm1, s4, v5;
	v4 =	vsel vm2, v1, v4;
	v8 =	vsel vm3, v16, v8;
	v16 =	vld [tilespmem:s6+$0xFFFFFFF0]  }
0x164: {  	vm1 =	vgt.f32 v2, v7;
	v6 =	vsel vm0, v23, v6;
	vm5 =	vgt.f32 v20, v11;
	v27 =	vld [tilespmem:s6+$0x0]  }
0x165: {  	v13 =	vsel vm2, s4, v13;
	vm6 =	vgt.f32 v21, v12;
	v11 =	vsel vm5, v20, v11;
	v20 =	vld [tilespmem:s6+$0x10]  }
0x166: {  	v14 =	vsel vm0, s4, v14;
	v7 =	vsel vm1, v2, v7;
	v12 =	vsel vm6, v21, v12;
	v21 =	vld [tilespmem:s6+$0x20]  }
0x167: {  	vm4 =	vgt.f32 v9, v10;
	v15 =	vsel vm1, s4, v15;
	v17 =	vsel vm3, s4, v17  }
0x168: {  	v10 =	vsel vm4, v9, v10;
	v18 =	vsel vm4, s4, v18;
	v19 =	vsel vm5, s4, v19;
	v28 =	vld [tilespmem:s6+$0x30];
	s6 =	simm.s32 $0xC0  }
0x169: {  	v0 =	vsel vm6, s4, v0;
	v22 =	vld [tilespmem:s6+$0xFFFFFFC0];
	vm0 =	vgt.f32 v24, v3;
	vm1 =	vgt.f32 v25, v4  }
0x16a: {  	v1 =	vld [tilespmem:s6+$0xFFFFFFD0];
	vm2 =	vgt.f32 v26, v6;
	vm3 =	vgt.f32 v16, v7;
	vm13 =	vgt.f32 v27, v8  }
0x16b: {  	s3 =	sadd.s32 $0x0, s24;
	v23 =	vld [tilespmem:s6+$0xFFFFFFE0];
	vm14 =	vgt.f32 v20, v10;
	vm15 =	vgt.f32 v21, v11;
	v3 =	vsel vm0, v24, v3  }
0x16c: {  	v2 =	vld [tilespmem:s6+$0xFFFFFFF0];
	v5 =	vsel vm0, s3, v5;
	v4 =	vsel vm1, v25, v4;
	v6 =	vsel vm2, v26, v6  }
0x16d: {  	v9 =	vld [tilespmem:s6+$0x10];
	v7 =	vsel vm3, v16, v7;
	v8 =	vsel vm13, v27, v8;
	vm0 =	vgt.f32 v28, v12  }
0x16e: {  	v16 =	vld [tilespmem:s6+$0x0];
	v10 =	vsel vm14, v20, v10;
	v11 =	vsel vm15, v21, v11;
	v13 =	vsel vm1, s3, v13  }
0x16f: {  	v20 =	vld [tilespmem:s6+$0x20];
	v14 =	vsel vm2, s3, v14;
	v15 =	vsel vm3, s3, v15;
	v17 =	vsel vm13, s3, v17  }
0x170: {  	s5 =	simm.s32 $0x140;
	s4 =	simm.s32 $0x1;
	v21 =	vld [tilespmem:s6+$0x30];
	s6 =	simm.s32 $0x2;
	v18 =	vsel vm14, s3, v18;
	v19 =	vsel vm15, s3, v19;
	v12 =	vsel vm0, v28, v12  }
.LBB2_22:
0x171: {  	v24 =	vld [tilespmem:s5+$0xFFFFFFC0];
	p0 =	sne.s32 s6, $0x7C;
	vm1 =	vgt.f32 v22, v3;
	vm2 =	vgt.f32 v1, v4;
	v0 =	vsel vm0, s3, v0;
	s3 =	sadd.s32 s4, s24;
	s4 =	smov.u32 s6  }
0x172: {  	v3 =	vsel vm1, v22, v3;
	v5 =	vsel vm1, s3, v5;
	v4 =	vsel vm2, v1, v4;
	v1 =	vld [tilespmem:s5+$0xFFFFFFD0]  }
0x173: {  	vm3 =	vgt.f32 v2, v7;
	vm1 =	vgt.f32 v23, v6;
	vm4 =	vgt.f32 v16, v8;
	v25 =	vld [tilespmem:s5+$0xFFFFFFE0]  }
.Ltmp10:
0x174: {  	v7 =	vsel vm3, v2, v7;
	v6 =	vsel vm1, v23, v6;
	v8 =	vsel vm4, v16, v8;
	v2 =	vld [tilespmem:s5+$0xFFFFFFF0];
	(pc) =	sbr.rel @p0 .LBB2_22-.Ltmp10, $4  }
0x175: {  	vm5 =	vgt.f32 v9, v10;
	vm6 =	vgt.f32 v20, v11;
	v16 =	vld [tilespmem:s5+$0x0];
	vm0 =	vgt.f32 v21, v12  }
0x176: {  	v10 =	vsel vm5, v9, v10;
	v11 =	vsel vm6, v20, v11;
	v9 =	vld [tilespmem:s5+$0x10];
	v12 =	vsel vm0, v21, v12;
	v22 =	vmovc v24  }
0x177: {  	v13 =	vsel vm2, s3, v13;
	v15 =	vsel vm3, s3, v15;
	v14 =	vsel vm1, s3, v14;
	v20 =	vld [tilespmem:s5+$0x20]  }
0x178: {  	s6 =	sadd.s32 $0x1, s6;
	v17 =	vsel vm4, s3, v17;
	v18 =	vsel vm5, s3, v18;
	v19 =	vsel vm6, s3, v19;
	v21 =	vld [tilespmem:s5+$0x30];
	s5 =	sadd.s32 $0x80, s5;
	v23 =	vmovc v25  }
0x179: {  	_ =	swait.ge [sflag:s29], $0x3E80  }
0x17a: {  	[sflag:s29] =	ssyncset.done $0x0  }
0x17b: {  	s5 =	simm.s32 $0x3EC0;
	[sflag:s29] =	ssyncadd.s32 $0xFFFFC180  }
0x17c: {  	vm1 =	vgt.f32 v22, v3;
	vm2 =	vgt.f32 v1, v4;
	v0 =	vsel vm0, s3, v0;
	v24 =	vld [tilespmem:s5+$0xFFFFFFC0]  }
0x17d: {  	s4 =	sadd.s32 s4, s24;
	vm0 =	vgt.f32 v23, v6;
	v3 =	vsel vm1, v22, v3;
	v1 =	vsel vm2, v1, v4;
	v4 =	vld [tilespmem:s5+$0xFFFFFFD0]  }
0x17e: {  	v5 =	vsel vm1, s4, v5;
	vm1 =	vgt.f32 v2, v7;
	vm3 =	vgt.f32 v16, v8;
	v25 =	vld [tilespmem:s5+$0xFFFFFFE0]  }
0x17f: {  	v26 =	vsel vm0, v23, v6;
	v2 =	vsel vm1, v2, v7;
	v7 =	vsel vm3, v16, v8;
	v8 =	vld [tilespmem:s5+$0xFFFFFFF0]  }
0x180: {  	v29 =	vsel vm0, s4, v14;
	vm4 =	vgt.f32 v9, v10;
	v30 =	vsel vm1, s4, v15;
	v27 =	vld [tilespmem:s5+$0x0]  }
0x181: {  	v17 =	vsel vm3, s4, v17;
	vm5 =	vgt.f32 v20, v11;
	v28 =	vsel vm4, v9, v10;
	v31 =	vld [tilespmem:s5+$0x20]  }
0x182: {  	v32 =	vsel vm4, s4, v18;
	v18 =	vld [tilespmem:s5+$0x30];
	vm6 =	vgt.f32 v21, v12;
	v11 =	vsel vm5, v20, v11  }
0x183: {  	s6 =	simm.s32 $0x3F40;
	v20 =	vld [tilespmem:s5+$0x10];
	v33 =	vsel vm5, s4, v19;
	v12 =	vsel vm6, v21, v12;
	v21 =	vsel vm2, s4, v13  }
0x184: {  	v22 =	vld [tilespmem:s6+$0xFFFFFFC0];
	v0 =	vsel vm6, s4, v0;
	vm0 =	vgt.f32 v24, v3;
	vm1 =	vgt.f32 v4, v1  }
0x185: {  	s3 =	sadd.s32 $0x0, s25;
	v10 =	vld [tilespmem:s6+$0xFFFFFFD0];
	vm2 =	vgt.f32 v25, v26;
	vm3 =	vgt.f32 v8, v2;
	vm13 =	vgt.f32 v27, v7  }
0x186: {  	v23 =	vld [tilespmem:s6+$0xFFFFFFE0];
	vm15 =	vgt.f32 v31, v11;
	v16 =	vsel vm0, v24, v3;
	v14 =	vsel vm0, s3, v5  }
0x187: {  	v6 =	vld [tilespmem:s6+$0xFFFFFFF0];
	v13 =	vsel vm1, v4, v1;
	v15 =	vsel vm2, v25, v26;
	v9 =	vsel vm3, v8, v2  }
0x188: {  	v3 =	vsel vm13, v27, v7;
	v7 =	vld [tilespmem:s6+$0x0];
	vm14 =	vgt.f32 v20, v28;
	vm0 =	vgt.f32 v18, v12  }
0x189: {  	v4 =	vld [tilespmem:s6+$0x10];
	v2 =	vsel vm15, v31, v11;
	v21 =	vsel vm1, s3, v21;
	v19 =	vsel vm13, s3, v17  }
0x18a: {  	v8 =	vld [tilespmem:s6+$0x20];
	v5 =	vsel vm14, v20, v28;
	v1 =	vsel vm0, v18, v12;
	v20 =	vsel vm2, s3, v29  }
0x18b: {  	s5 =	simm.s32 $0x3FC0;
	s4 =	simm.s32 $0x1;
	v11 =	vld [tilespmem:s6+$0x30];
	s6 =	simm.s32 $0x2;
	v18 =	vsel vm3, s3, v30;
	v17 =	vsel vm14, s3, v32;
	v12 =	vsel vm15, s3, v33  }
.LBB2_24:
0x18c: {  	v24 =	vld [tilespmem:s5+$0xFFFFFFC0];
	p0 =	sne.s32 s6, $0x7C;
	vm1 =	vgt.f32 v22, v16;
	vm2 =	vgt.f32 v10, v13;
	v0 =	vsel vm0, s3, v0;
	s3 =	sadd.s32 s4, s25;
	s4 =	smov.u32 s6  }
0x18d: {  	v16 =	vsel vm1, v22, v16;
	v14 =	vsel vm1, s3, v14;
	v13 =	vsel vm2, v10, v13;
	v10 =	vld [tilespmem:s5+$0xFFFFFFD0]  }
0x18e: {  	vm3 =	vgt.f32 v6, v9;
	vm1 =	vgt.f32 v23, v15;
	vm4 =	vgt.f32 v7, v3;
	v25 =	vld [tilespmem:s5+$0xFFFFFFE0]  }
.Ltmp11:
0x18f: {  	v9 =	vsel vm3, v6, v9;
	v15 =	vsel vm1, v23, v15;
	v3 =	vsel vm4, v7, v3;
	v6 =	vld [tilespmem:s5+$0xFFFFFFF0];
	(pc) =	sbr.rel @p0 .LBB2_24-.Ltmp11, $4  }
0x190: {  	vm5 =	vgt.f32 v4, v5;
	vm6 =	vgt.f32 v8, v2;
	v7 =	vld [tilespmem:s5+$0x0];
	vm0 =	vgt.f32 v11, v1  }
0x191: {  	v5 =	vsel vm5, v4, v5;
	v2 =	vsel vm6, v8, v2;
	v4 =	vld [tilespmem:s5+$0x10];
	v1 =	vsel vm0, v11, v1;
	v22 =	vmovc v24  }
0x192: {  	v21 =	vsel vm2, s3, v21;
	v18 =	vsel vm3, s3, v18;
	v20 =	vsel vm1, s3, v20;
	v8 =	vld [tilespmem:s5+$0x20]  }
0x193: {  	s6 =	sadd.s32 $0x1, s6;
	v19 =	vsel vm4, s3, v19;
	v17 =	vsel vm5, s3, v17;
	v12 =	vsel vm6, s3, v12;
	v11 =	vld [tilespmem:s5+$0x30];
	s5 =	sadd.s32 $0x80, s5;
	v23 =	vmovc v25  }
0x194: {  	vm1 =	vgt.f32 v22, v16  }
0x195: {  	s4 =	sadd.s32 s4, s25;
	v16 =	vsel vm1, v22, v16  }
0x196: {  	vm2 =	vgt.f32 v10, v13;
	v14 =	vsel vm1, s4, v14;
	[tilespmem:$0x7D00] =	vst v16  }
0x197: {  	v10 =	vsel vm2, v10, v13;
	[tilespmem:$0x7D80] =	vst v14  }
0x198: {  	vm10 =	vgt.f32 v23, v15;
	v56 =	vsel vm2, s4, v21;
	[tilespmem:$0x7D10] =	vst v10  }
0x199: {  	v57 =	vsel vm10, v23, v15;
	[tilespmem:$0x7D90] =	vst v56  }
0x19a: {  	vm11 =	vgt.f32 v6, v9;
	v58 =	vsel vm10, s4, v20;
	[tilespmem:$0x7D20] =	vst v57  }
0x19b: {  	v6 =	vsel vm11, v6, v9;
	[tilespmem:$0x7DA0] =	vst v58  }
0x19c: {  	vm12 =	vgt.f32 v7, v3;
	v59 =	vsel vm11, s4, v18;
	[tilespmem:$0x7D30] =	vst v6  }
0x19d: {  	v3 =	vsel vm12, v7, v3;
	[tilespmem:$0x7DB0] =	vst v59  }
0x19e: {  	vm13 =	vgt.f32 v4, v5;
	v60 =	vsel vm12, s4, v19;
	[tilespmem:$0x7D40] =	vst v3  }
0x19f: {  	v61 =	vsel vm13, v4, v5;
	[tilespmem:$0x7DC0] =	vst v60  }
0x1a0: {  	vm14 =	vgt.f32 v8, v2;
	v62 =	vsel vm13, s4, v17;
	[tilespmem:$0x7D50] =	vst v61  }
0x1a1: {  	v2 =	vsel vm14, v8, v2;
	[tilespmem:$0x7DD0] =	vst v62  }
0x1a2: {  	vm15 =	vgt.f32 v11, v1;
	v63 =	vsel vm14, s4, v12;
	[tilespmem:$0x7D60] =	vst v2  }
0x1a3: {  	v0 =	vsel vm0, s3, v0;
	v1 =	vsel vm15, v11, v1;
	[tilespmem:$0x7DE0] =	vst v63  }
0x1a4: {  	v0 =	vsel vm15, s4, v0;
	[tilespmem:$0x7D70] =	vst v1  }
0x1a5: {  	[tilespmem:$0x7DF0] =	vst v0  }
0x1a6: {  	[hbm4b:s17+s2] =	stream.linear.scatter [tilespmem:s30], [sflag:$0x3], $0x80, $0x38;
	[tilespmem:$0x7E00] =	vst v63  }
0x1a7: {  	s0 =	sadd.s32 $0x1, s0;
	_ =	swait.ge [sflag:s31], $0x80  }
0x1a8: {  	p0 =	sne.s32 s0, s19;
	[sflag:s31] =	ssyncset.done $0x0  }
.Ltmp12:
0x1a9: {  	[sflag:s31] =	ssyncadd.s32 $0xFFFFFF80;
	(pc) =	sbr.rel @p0 .LBB2_1-.Ltmp12, $4  }
0x1aa: {  	[hbm4b:s18+s2] =	stream.linear.scatter [tilespmem:s1], [sflag:$0x3], $0x80, $0x38;
	[tilespmem:$0x7E00] =	vst v63  }
0x1ab: {  	_ =	swait.ge [sflag:s31], $0x80  }
0x1ac: {  	[sflag:s31] =	ssyncset.done $0x0  }
0x1ad: {  	[sflag:s31] =	ssyncadd.s32 $0xFFFFFF80  }
0x1ae: {  	_ =	sfence.sel $0x180000  }
0x1af: {  	[bflag:$0x0] =	sbarrier.arrive $0xFFFF  }
0x1b0: {  	_ =	strace $0x90000047  }
0x1b1: {  	s0 =	stileid.u32;
	[bflag:$0x2] =	sbarrier.arrive $0xFFFF  }
0x1b2: {  	p0 =	sne.s32 s0, $0x0;
	s0 =	rddreg [dreg:$0x4]  }
0x1b3: {  	s0 =	sadd.s32 @!p0 $0x100000, s0  }
0x1b4: {  	[sflag:s0] =	ssyncadd.tile.s32 @!p0 $0x1;
	_ =	shalt  }
.Lfunc_end2:
_tile_overlayer_lowered:
.L_overlay_start_2:
0x1b5: {  	(tag) =	ssettag $0x2  }
0x1b6: {  	s0 =	rddreg [dreg:$0x0];
	s2 =	stileid.u32  }
0x1b7: {  	s1 =	rddreg [dreg:$0x1];
	p0 =	sne.s32 s2, $0x0  }
0x1b8: {  	s3 =	rddreg [dreg:$0x2];
	[bflag:$0x3] =	sbarrier.arrive $0xFFFF;
	s2 =	simm.s32 @!p0 $0x1C03  }
0x1b9: {  	[timem:s3], [sflag:s2] =	dma.local @!p0 [hbm:s0], s1  }
0x1ba: {  	s0 =	simm.s32 @!p0 $0x3  }
0x1bb: {  	_ =	swait.ge @!p0 [sflag:s0], s1  }
0x1bc: {  	s1 =	ssub.s32 @!p0 $0x0, s1;
	[sflag:s0] =	ssyncset.done @!p0 $0x0  }
0x1bd: {  	[sflag:s0] =	ssyncadd.s32 @!p0 s1  }
0x1be: {  	[bflag:$0x3] =	sbarrier.arrive $0xFFFF  }
0x1bf: {  	_ =	shalt  }

</sc_bundles>
